<compile_context>
chip_gen: v7x
topology: tpu7x:2x2x1
jax: 0.10.2.dev20260603
libtpu: 0.0.44.dev20260713+nightly
codegen_flags: <defaults>
</compile_context>

<pallas_src>
import jax
import jax.numpy as jnp
from jax import lax
from jax.experimental import pallas as pl
from jax.experimental.pallas import tpu as pltpu, tpu_sc as plsc

NUM_EXPERTS_ = 16
N_TOKENS_ = 8192
DECAY_ = 0.99
N_TILES_ = 16
NBINS_ = NUM_EXPERTS_ * NUM_EXPERTS_
WORDS_PER_TILE_ = (N_TOKENS_ * 2) // N_TILES_
BLOCKS_PER_TILE_ = WORDS_PER_TILE_ // 256

_ROW = 0
_G = _ROW + NBINS_
_GTOT = _G + N_TILES_ * NBINS_
_COACT = _GTOT + NBINS_
_EMA = _COACT + NUM_EXPERTS_ * 128
_IDX = _EMA + NUM_EXPERTS_
_FBUF = _IDX + WORDS_PER_TILE_


def _tracker_body(idx_hbm, ema_hbm, ema_out, coact_out,
                  fbuf, shared_h, sem, sem2):
    sid = lax.axis_index("s")
    lane = lax.iota(jnp.int32, 16)
    zeros = jnp.zeros((16,), jnp.float32)

    cp = pltpu.make_async_copy(
        idx_hbm.at[pl.ds(sid * WORDS_PER_TILE_, WORDS_PER_TILE_)],
        fbuf.at[pl.ds(_IDX, WORDS_PER_TILE_)], sem)
    cp.start()
    ema_cp = pltpu.make_async_copy(ema_hbm,
                                   fbuf.at[pl.ds(_EMA, NUM_EXPERTS_)], sem2)

    @pl.when(sid == 0)
    def _():
        ema_cp.start()

    for i in range(NBINS_ // 16):
        fbuf[pl.ds(_ROW + i * 16, 16)] = zeros
    cp.wait()

    def chunk(o):
        v1 = plsc.bitcast(fbuf[pl.ds(_IDX + o, 16)], jnp.int32)
        v2 = plsc.bitcast(fbuf[pl.ds(_IDX + o + 128, 16)], jnp.int32)
        return v1 * NUM_EXPERTS_ + v2 + _ROW

    for b in range(BLOCKS_PER_TILE_):
        for j in range(0, 8, 2):
            o1 = b * 256 + j * 16
            code_a = chunk(o1)
            code_b = chunk(o1 + 16)
            cnt_a, last_a = plsc.scan_count(code_a)
            cnt_b, last_b = plsc.scan_count(code_b)
            plsc.addupdate_scatter(fbuf, [code_a],
                                   cnt_a.astype(jnp.float32), mask=last_a)
            plsc.addupdate_scatter(fbuf, [code_b],
                                   cnt_b.astype(jnp.float32), mask=last_b)

    pltpu.sync_copy(fbuf.at[pl.ds(_ROW, NBINS_)],
                    shared_h.at[pl.ds(sid * NBINS_, NBINS_)])
    plsc.subcore_barrier()

    @pl.when(sid == 0)
    def _():
        pltpu.sync_copy(shared_h, fbuf.at[pl.ds(_G, N_TILES_ * NBINS_)])
        rows = []
        colsum = zeros
        for j in range(16):
            acc = fbuf[pl.ds(_G + j * 16, 16)]
            for t in range(1, N_TILES_):
                acc = acc + fbuf[pl.ds(_G + t * NBINS_ + j * 16, 16)]
            fbuf[pl.ds(_GTOT + j * 16, 16)] = acc
            rows.append(acc)
            colsum = colsum + acc
        gtot = fbuf.at[pl.ds(_GTOT, NBINS_)]
        rowsum = zeros
        for j in range(16):
            col = plsc.load_gather(gtot, [lane * 16 + j])
            rowsum = rowsum + col
            fbuf[pl.ds(_COACT + j * 128, 16)] = rows[j] + col
        counts = rowsum + colsum
        ema_cp.wait()
        ema_slot = fbuf.at[pl.ds(_EMA, NUM_EXPERTS_)]
        ema_slot[...] = (ema_slot[...] * DECAY_
                         + counts * ((1.0 - DECAY_) / float(N_TOKENS_)))
        out1 = pltpu.make_async_copy(ema_slot, ema_out, sem2)
        out2 = pltpu.make_async_copy(
            fbuf.at[pl.ds(_COACT, NUM_EXPERTS_ * 128)], coact_out, sem)
        out1.start()
        out2.start()
        out1.wait()
        out2.wait()


_tracker = pl.kernel(
    _tracker_body,
    out_type=(
        jax.ShapeDtypeStruct((NUM_EXPERTS_,), jnp.float32),
        jax.ShapeDtypeStruct((NUM_EXPERTS_ * 128,), jnp.float32),
    ),
    mesh=plsc.VectorSubcoreMesh(core_axis_name="c", subcore_axis_name="s",
                                num_cores=1, num_subcores=N_TILES_),
    compiler_params=pltpu.CompilerParams(needs_layout_passes=False),
    scratch_types=[
        pltpu.VMEM((_FBUF,), jnp.float32),
        pltpu.VMEM_SHARED((N_TILES_ * NBINS_,), jnp.float32),
        pltpu.SemaphoreType.DMA,
        pltpu.SemaphoreType.DMA,
    ],
)


def kernel(expert_indices, expert_weights, expert_load_ema,
           expert_pair_coactivation, total_steps):
    del expert_weights
    del expert_pair_coactivation
    idx_blocked = lax.bitcast_convert_type(
        expert_indices.astype(jnp.int32)
        .reshape(N_TOKENS_ // 128, 128, 2)
        .transpose(0, 2, 1)
        .reshape(-1),
        jnp.float32)
    new_ema, coact_padded = _tracker(idx_blocked, expert_load_ema)
    coact = coact_padded.reshape(NUM_EXPERTS_, 128)[:, :NUM_EXPERTS_]
    return new_ema, coact, jnp.asarray(total_steps + 1)

# --- scband reference (transcript-rebuilt; emitter-appended) ---
"""Pipeline reference for scband-expert-compound-tracker-1271310319887 (READ-ONLY COPY).

The authoritative reference and input builder live on the scoring server;
editing this copy changes nothing except your own understanding.
"""

import jax, jax.numpy as jnp
import numpy as np

NUM_EXPERTS = 16
TOP_K = 2
N_TOKENS = 8192
EMA_DECAY = 0.99


def setup_inputs(seed: int = 0) -> dict:
    key = jax.random.key(seed)
    k1, k2, k3 = jax.random.split(key, 3)
    expert_indices = jax.random.randint(k1, (N_TOKENS, TOP_K), 0, NUM_EXPERTS, dtype=jnp.int64 if jax.config.jax_enable_x64 else jnp.int32)
    expert_weights = jax.random.uniform(k2, (N_TOKENS, TOP_K), dtype=jnp.float32)
    expert_load_ema = jax.random.uniform(k3, (NUM_EXPERTS,), dtype=jnp.float32)
    expert_pair_coactivation = jnp.zeros((NUM_EXPERTS, NUM_EXPERTS), dtype=jnp.float32)
    total_steps = 0
    return {
        "expert_indices": expert_indices,
        "expert_weights": expert_weights,
        "expert_load_ema": expert_load_ema,
        "expert_pair_coactivation": expert_pair_coactivation,
        "total_steps": total_steps,
    }


def reference(expert_indices, expert_weights, expert_load_ema, expert_pair_coactivation, total_steps):
    # Faithful translation of ExpertCompoundTracker.update (no_grad stats update).
    E = expert_load_ema.shape[0]
    N, K = expert_indices.shape
    new_total_steps = total_steps + 1
    # load: scatter_add of ones per top-k slot
    load = jnp.zeros((E,), dtype=jnp.float32)
    for k in range(K):
        load = load.at[expert_indices[:, k]].add(1.0)
    load = load / max(N, 1)
    new_load_ema = expert_load_ema * EMA_DECAY + load * (1.0 - EMA_DECAY)
    # pairwise co-activation counts (vectorized scatter-add over token loop)
    coact = expert_pair_coactivation
    for k1 in range(K):
        for k2 in range(k1 + 1, K):
            e1 = expert_indices[:, k1]
            e2 = expert_indices[:, k2]
            coact = coact.at[e1, e2].add(1.0)
            coact = coact.at[e2, e1].add(1.0)
    return new_load_ema, coact, jnp.asarray(new_total_steps)

if __name__ == "__main__":
    import jax
    _d = setup_inputs()
    print(jax.jit(kernel)(*tuple(_d.values())))

</pallas_src>

<mosaic_0001>
#map = affine_map<(d0, d1) -> (0)>
module attributes {stable_mosaic.version = 14 : i64} {
  func.func @_tracker_body(%arg0: i32, %arg1: i32, %arg2: memref<16384xf32, #tpu.memory_space<hbm>>, %arg3: memref<16xf32, #tpu.memory_space<hbm>>, %arg4: memref<16xf32, #tpu.memory_space<hbm>>, %arg5: memref<2048xf32, #tpu.memory_space<hbm>>, %arg6: memref<7696xf32, #tpu.memory_space<vmem>>, %arg7: memref<4096xf32, #tpu.memory_space<vmem_shared>>, %arg8: memref<!tpu.dma_semaphore, #tpu.memory_space<semaphore_mem>>, %arg9: memref<!tpu.dma_semaphore, #tpu.memory_space<semaphore_mem>>) attributes {dimension_semantics = [#tpu.dimension_semantics<core_parallel>, #tpu.dimension_semantics<subcore_parallel>], iteration_bounds = array<i64: 1, 16>, scalar_prefetch = 0 : i64, scratch_operands = 4 : i64, tpu.core_type = #tpu.core_type<sc_vector_subcore>, window_params = [{transform_indices = #map}, {transform_indices = #map}, {transform_indices = #map}, {transform_indices = #map}]} {
    %iota3A = tpu.iota {dimensions = array<i32: 0>} : vector<16xi32>
    %broadcast_in_dim3A = arith.constant 0.000000e+00 : f32
    %broadcast_in_dim3A_0 = vector.broadcast %broadcast_in_dim3A : f32 to vector<16xf32>
    %mul3A = arith.constant 1024 : i32
    %mul3A_1 = arith.muli %arg1, %mul3A : i32
    %dma_start3A = arith.constant 6672 : i32
    %dma_start3A_2 = tpu.memref_slice %arg6[%dma_start3A] : memref<7696xf32, #tpu.memory_space<vmem>> -> memref<1024xf32, #tpu.memory_space<vmem>>
    %dma_start3A_3 = tpu.memref_slice %arg2[%mul3A_1] : memref<16384xf32, #tpu.memory_space<hbm>> -> memref<1024xf32, #tpu.memory_space<hbm>>
    %dma_start3A_4 = arith.constant 6672 : i32
    %dma_start3A_5 = tpu.memref_slice %arg6[%dma_start3A_4] : memref<7696xf32, #tpu.memory_space<vmem>> -> memref<1024xf32, #tpu.memory_space<vmem>>
    %dma_start3A_6 = tpu.memref_slice %arg2[%mul3A_1] : memref<16384xf32, #tpu.memory_space<hbm>> -> memref<1024xf32, #tpu.memory_space<hbm>>
    tpu.enqueue_dma source(%dma_start3A_6 : memref<1024xf32, #tpu.memory_space<hbm>>) target(%dma_start3A_5 : memref<1024xf32, #tpu.memory_space<vmem>>) target_semaphore(%arg8 : memref<!tpu.dma_semaphore, #tpu.memory_space<semaphore_mem>>)
    %eq3A = arith.constant 0 : i32
    %eq3A_7 = arith.cmpi eq, %arg1, %eq3A : i32
    %convert_element_type3A = arith.extui %eq3A_7 : i1 to i32
    %cond3A = arith.constant 0 : i32
    %cond3A_8 = arith.cmpi ne, %convert_element_type3A, %cond3A : i32
    scf.if %cond3A_8 {
      %dma_start3A_624 = arith.constant 6656 : i32
      %dma_start3A_625 = tpu.memref_slice %arg6[%dma_start3A_624] : memref<7696xf32, #tpu.memory_space<vmem>> -> memref<16xf32, #tpu.memory_space<vmem>>
      %dma_start3A_626 = arith.constant 6656 : i32
      %dma_start3A_627 = tpu.memref_slice %arg6[%dma_start3A_626] : memref<7696xf32, #tpu.memory_space<vmem>> -> memref<16xf32, #tpu.memory_space<vmem>>
      tpu.enqueue_dma source(%arg3 : memref<16xf32, #tpu.memory_space<hbm>>) target(%dma_start3A_627 : memref<16xf32, #tpu.memory_space<vmem>>) target_semaphore(%arg9 : memref<!tpu.dma_semaphore, #tpu.memory_space<semaphore_mem>>)
    } else {
    }
    %swap3A = arith.constant 0 : index
    %swap3A_9 = tpu.vector_load %arg6[%swap3A] {strides = array<i32>} : memref<7696xf32, #tpu.memory_space<vmem>>, vector<16xf32>,
    tpu.vector_store %arg6[%swap3A], %broadcast_in_dim3A_0 {strides = array<i32>} : memref<7696xf32, #tpu.memory_space<vmem>>, vector<16xf32>,
    %swap3A_10 = arith.constant 16 : index
    %swap3A_11 = tpu.vector_load %arg6[%swap3A_10] {strides = array<i32>} : memref<7696xf32, #tpu.memory_space<vmem>>, vector<16xf32>,
    tpu.vector_store %arg6[%swap3A_10], %broadcast_in_dim3A_0 {strides = array<i32>} : memref<7696xf32, #tpu.memory_space<vmem>>, vector<16xf32>,
    %swap3A_12 = arith.constant 32 : index
    %swap3A_13 = tpu.vector_load %arg6[%swap3A_12] {strides = array<i32>} : memref<7696xf32, #tpu.memory_space<vmem>>, vector<16xf32>,
    tpu.vector_store %arg6[%swap3A_12], %broadcast_in_dim3A_0 {strides = array<i32>} : memref<7696xf32, #tpu.memory_space<vmem>>, vector<16xf32>,
    %swap3A_14 = arith.constant 48 : index
    %swap3A_15 = tpu.vector_load %arg6[%swap3A_14] {strides = array<i32>} : memref<7696xf32, #tpu.memory_space<vmem>>, vector<16xf32>,
    tpu.vector_store %arg6[%swap3A_14], %broadcast_in_dim3A_0 {strides = array<i32>} : memref<7696xf32, #tpu.memory_space<vmem>>, vector<16xf32>,
    %swap3A_16 = arith.constant 64 : index
    %swap3A_17 = tpu.vector_load %arg6[%swap3A_16] {strides = array<i32>} : memref<7696xf32, #tpu.memory_space<vmem>>, vector<16xf32>,
    tpu.vector_store %arg6[%swap3A_16], %broadcast_in_dim3A_0 {strides = array<i32>} : memref<7696xf32, #tpu.memory_space<vmem>>, vector<16xf32>,
    %swap3A_18 = arith.constant 80 : index
    %swap3A_19 = tpu.vector_load %arg6[%swap3A_18] {strides = array<i32>} : memref<7696xf32, #tpu.memory_space<vmem>>, vector<16xf32>,
    tpu.vector_store %arg6[%swap3A_18], %broadcast_in_dim3A_0 {strides = array<i32>} : memref<7696xf32, #tpu.memory_space<vmem>>, vector<16xf32>,
    %swap3A_20 = arith.constant 96 : index
    %swap3A_21 = tpu.vector_load %arg6[%swap3A_20] {strides = array<i32>} : memref<7696xf32, #tpu.memory_space<vmem>>, vector<16xf32>,
    tpu.vector_store %arg6[%swap3A_20], %broadcast_in_dim3A_0 {strides = array<i32>} : memref<7696xf32, #tpu.memory_space<vmem>>, vector<16xf32>,
    %swap3A_22 = arith.constant 112 : index
    %swap3A_23 = tpu.vector_load %arg6[%swap3A_22] {strides = array<i32>} : memref<7696xf32, #tpu.memory_space<vmem>>, vector<16xf32>,
    tpu.vector_store %arg6[%swap3A_22], %broadcast_in_dim3A_0 {strides = array<i32>} : memref<7696xf32, #tpu.memory_space<vmem>>, vector<16xf32>,
    %swap3A_24 = arith.constant 128 : index
    %swap3A_25 = tpu.vector_load %arg6[%swap3A_24] {strides = array<i32>} : memref<7696xf32, #tpu.memory_space<vmem>>, vector<16xf32>,
    tpu.vector_store %arg6[%swap3A_24], %broadcast_in_dim3A_0 {strides = array<i32>} : memref<7696xf32, #tpu.memory_space<vmem>>, vector<16xf32>,
    %swap3A_26 = arith.constant 144 : index
    %swap3A_27 = tpu.vector_load %arg6[%swap3A_26] {strides = array<i32>} : memref<7696xf32, #tpu.memory_space<vmem>>, vector<16xf32>,
    tpu.vector_store %arg6[%swap3A_26], %broadcast_in_dim3A_0 {strides = array<i32>} : memref<7696xf32, #tpu.memory_space<vmem>>, vector<16xf32>,
    %swap3A_28 = arith.constant 160 : index
    %swap3A_29 = tpu.vector_load %arg6[%swap3A_28] {strides = array<i32>} : memref<7696xf32, #tpu.memory_space<vmem>>, vector<16xf32>,
    tpu.vector_store %arg6[%swap3A_28], %broadcast_in_dim3A_0 {strides = array<i32>} : memref<7696xf32, #tpu.memory_space<vmem>>, vector<16xf32>,
    %swap3A_30 = arith.constant 176 : index
    %swap3A_31 = tpu.vector_load %arg6[%swap3A_30] {strides = array<i32>} : memref<7696xf32, #tpu.memory_space<vmem>>, vector<16xf32>,
    tpu.vector_store %arg6[%swap3A_30], %broadcast_in_dim3A_0 {strides = array<i32>} : memref<7696xf32, #tpu.memory_space<vmem>>, vector<16xf32>,
    %swap3A_32 = arith.constant 192 : index
    %swap3A_33 = tpu.vector_load %arg6[%swap3A_32] {strides = array<i32>} : memref<7696xf32, #tpu.memory_space<vmem>>, vector<16xf32>,
    tpu.vector_store %arg6[%swap3A_32], %broadcast_in_dim3A_0 {strides = array<i32>} : memref<7696xf32, #tpu.memory_space<vmem>>, vector<16xf32>,
    %swap3A_34 = arith.constant 208 : index
    %swap3A_35 = tpu.vector_load %arg6[%swap3A_34] {strides = array<i32>} : memref<7696xf32, #tpu.memory_space<vmem>>, vector<16xf32>,
    tpu.vector_store %arg6[%swap3A_34], %broadcast_in_dim3A_0 {strides = array<i32>} : memref<7696xf32, #tpu.memory_space<vmem>>, vector<16xf32>,
    %swap3A_36 = arith.constant 224 : index
    %swap3A_37 = tpu.vector_load %arg6[%swap3A_36] {strides = array<i32>} : memref<7696xf32, #tpu.memory_space<vmem>>, vector<16xf32>,
    tpu.vector_store %arg6[%swap3A_36], %broadcast_in_dim3A_0 {strides = array<i32>} : memref<7696xf32, #tpu.memory_space<vmem>>, vector<16xf32>,
    %swap3A_38 = arith.constant 240 : index
    %swap3A_39 = tpu.vector_load %arg6[%swap3A_38] {strides = array<i32>} : memref<7696xf32, #tpu.memory_space<vmem>>, vector<16xf32>,
    tpu.vector_store %arg6[%swap3A_38], %broadcast_in_dim3A_0 {strides = array<i32>} : memref<7696xf32, #tpu.memory_space<vmem>>, vector<16xf32>,
    %dma_wait3A = arith.constant 6672 : i32
    %dma_wait3A_40 = tpu.memref_slice %arg6[%dma_wait3A] : memref<7696xf32, #tpu.memory_space<vmem>> -> memref<1024xf32, #tpu.memory_space<vmem>>
    %dma_wait3A_41 = tpu.memref_slice %arg2[%mul3A_1] : memref<16384xf32, #tpu.memory_space<hbm>> -> memref<1024xf32, #tpu.memory_space<hbm>>
    %dma_wait3A_42 = arith.constant 6672 : i32
    %dma_wait3A_43 = tpu.memref_slice %arg6[%dma_wait3A_42] : memref<7696xf32, #tpu.memory_space<vmem>> -> memref<1024xf32, #tpu.memory_space<vmem>>
    %dma_wait3A_44 = tpu.memref_slice %arg2[%mul3A_1] : memref<16384xf32, #tpu.memory_space<hbm>> -> memref<1024xf32, #tpu.memory_space<hbm>>
    tpu.wait_dma2 semaphore(%arg8 : memref<!tpu.dma_semaphore, #tpu.memory_space<semaphore_mem>>) src(%dma_wait3A_44 : memref<1024xf32, #tpu.memory_space<hbm>>) dst(%dma_wait3A_43 : memref<1024xf32, #tpu.memory_space<vmem>>)
    %get3A = arith.constant 6672 : index
    %get3A_45 = tpu.vector_load %arg6[%get3A] {strides = array<i32>} : memref<7696xf32, #tpu.memory_space<vmem>>, vector<16xf32>,
    %bitcast3A = vector.bitcast %get3A_45 : vector<16xf32> to vector<16xi32>
    %get3A_46 = arith.constant 6800 : index
    %get3A_47 = tpu.vector_load %arg6[%get3A_46] {strides = array<i32>} : memref<7696xf32, #tpu.memory_space<vmem>>, vector<16xf32>,
    %bitcast3A_48 = vector.bitcast %get3A_47 : vector<16xf32> to vector<16xi32>
    %mul3A_49 = arith.constant 16 : i32
    %mul3A_50 = vector.broadcast %mul3A_49 : i32 to vector<16xi32>
    %mul3A_51 = arith.muli %bitcast3A, %mul3A_50 : vector<16xi32>
    %add3A = arith.addi %mul3A_51, %bitcast3A_48 : vector<16xi32>
    %add3A_52 = arith.constant 0 : i32
    %add3A_53 = vector.broadcast %add3A_52 : i32 to vector<16xi32>
    %add3A_54 = arith.addi %add3A, %add3A_53 : vector<16xi32>
    %get3A_55 = arith.constant 6688 : index
    %get3A_56 = tpu.vector_load %arg6[%get3A_55] {strides = array<i32>} : memref<7696xf32, #tpu.memory_space<vmem>>, vector<16xf32>,
    %bitcast3A_57 = vector.bitcast %get3A_56 : vector<16xf32> to vector<16xi32>
    %get3A_58 = arith.constant 6816 : index
    %get3A_59 = tpu.vector_load %arg6[%get3A_58] {strides = array<i32>} : memref<7696xf32, #tpu.memory_space<vmem>>, vector<16xf32>,
    %bitcast3A_60 = vector.bitcast %get3A_59 : vector<16xf32> to vector<16xi32>
    %mul3A_61 = arith.constant 16 : i32
    %mul3A_62 = vector.broadcast %mul3A_61 : i32 to vector<16xi32>
    %mul3A_63 = arith.muli %bitcast3A_57, %mul3A_62 : vector<16xi32>
    %add3A_64 = arith.addi %mul3A_63, %bitcast3A_60 : vector<16xi32>
    %add3A_65 = arith.constant 0 : i32
    %add3A_66 = vector.broadcast %add3A_65 : i32 to vector<16xi32>
    %add3A_67 = arith.addi %add3A_64, %add3A_66 : vector<16xi32>
    %broadcast_in_dim3A_68 = arith.constant true
    %broadcast_in_dim3A_69 = vector.broadcast %broadcast_in_dim3A_68 : i1 to vector<16xi1>
    %unique3A, %unique3A_70 = tpu.scan_count mask(%broadcast_in_dim3A_69 : vector<16xi1>) value(%add3A_54 : vector<16xi32>) : vector<16xi1>, vector<16xi32>
    %broadcast_in_dim3A_71 = arith.constant true
    %broadcast_in_dim3A_72 = vector.broadcast %broadcast_in_dim3A_71 : i1 to vector<16xi1>
    %unique3A_73, %unique3A_74 = tpu.scan_count mask(%broadcast_in_dim3A_72 : vector<16xi1>) value(%add3A_67 : vector<16xi32>) : vector<16xi1>, vector<16xi32>
    %convert_element_type3A_75 = arith.sitofp %unique3A_70 : vector<16xi32> to vector<16xf32>
    tpu.vector_store_idx %arg6[%add3A_54], %convert_element_type3A_75 masked %unique3A {add = true} : memref<7696xf32, #tpu.memory_space<vmem>>[vector<16xi32>], vector<16xf32>, vector<16xi1>
    %convert_element_type3A_76 = arith.sitofp %unique3A_74 : vector<16xi32> to vector<16xf32>
    tpu.vector_store_idx %arg6[%add3A_67], %convert_element_type3A_76 masked %unique3A_73 {add = true} : memref<7696xf32, #tpu.memory_space<vmem>>[vector<16xi32>], vector<16xf32>, vector<16xi1>
    %get3A_77 = arith.constant 6704 : index
    %get3A_78 = tpu.vector_load %arg6[%get3A_77] {strides = array<i32>} : memref<7696xf32, #tpu.memory_space<vmem>>, vector<16xf32>,
    %bitcast3A_79 = vector.bitcast %get3A_78 : vector<16xf32> to vector<16xi32>
    %get3A_80 = arith.constant 6832 : index
    %get3A_81 = tpu.vector_load %arg6[%get3A_80] {strides = array<i32>} : memref<7696xf32, #tpu.memory_space<vmem>>, vector<16xf32>,
    %bitcast3A_82 = vector.bitcast %get3A_81 : vector<16xf32> to vector<16xi32>
    %mul3A_83 = arith.constant 16 : i32
    %mul3A_84 = vector.broadcast %mul3A_83 : i32 to vector<16xi32>
    %mul3A_85 = arith.muli %bitcast3A_79, %mul3A_84 : vector<16xi32>
    %add3A_86 = arith.addi %mul3A_85, %bitcast3A_82 : vector<16xi32>
    %add3A_87 = arith.constant 0 : i32
    %add3A_88 = vector.broadcast %add3A_87 : i32 to vector<16xi32>
    %add3A_89 = arith.addi %add3A_86, %add3A_88 : vector<16xi32>
    %get3A_90 = arith.constant 6720 : index
    %get3A_91 = tpu.vector_load %arg6[%get3A_90] {strides = array<i32>} : memref<7696xf32, #tpu.memory_space<vmem>>, vector<16xf32>,
    %bitcast3A_92 = vector.bitcast %get3A_91 : vector<16xf32> to vector<16xi32>
    %get3A_93 = arith.constant 6848 : index
    %get3A_94 = tpu.vector_load %arg6[%get3A_93] {strides = array<i32>} : memref<7696xf32, #tpu.memory_space<vmem>>, vector<16xf32>,
    %bitcast3A_95 = vector.bitcast %get3A_94 : vector<16xf32> to vector<16xi32>
    %mul3A_96 = arith.constant 16 : i32
    %mul3A_97 = vector.broadcast %mul3A_96 : i32 to vector<16xi32>
    %mul3A_98 = arith.muli %bitcast3A_92, %mul3A_97 : vector<16xi32>
    %add3A_99 = arith.addi %mul3A_98, %bitcast3A_95 : vector<16xi32>
    %add3A_100 = arith.constant 0 : i32
    %add3A_101 = vector.broadcast %add3A_100 : i32 to vector<16xi32>
    %add3A_102 = arith.addi %add3A_99, %add3A_101 : vector<16xi32>
    %broadcast_in_dim3A_103 = arith.constant true
    %broadcast_in_dim3A_104 = vector.broadcast %broadcast_in_dim3A_103 : i1 to vector<16xi1>
    %unique3A_105, %unique3A_106 = tpu.scan_count mask(%broadcast_in_dim3A_104 : vector<16xi1>) value(%add3A_89 : vector<16xi32>) : vector<16xi1>, vector<16xi32>
    %broadcast_in_dim3A_107 = arith.constant true
    %broadcast_in_dim3A_108 = vector.broadcast %broadcast_in_dim3A_107 : i1 to vector<16xi1>
    %unique3A_109, %unique3A_110 = tpu.scan_count mask(%broadcast_in_dim3A_108 : vector<16xi1>) value(%add3A_102 : vector<16xi32>) : vector<16xi1>, vector<16xi32>
    %convert_element_type3A_111 = arith.sitofp %unique3A_106 : vector<16xi32> to vector<16xf32>
    tpu.vector_store_idx %arg6[%add3A_89], %convert_element_type3A_111 masked %unique3A_105 {add = true} : memref<7696xf32, #tpu.memory_space<vmem>>[vector<16xi32>], vector<16xf32>, vector<16xi1>
    %convert_element_type3A_112 = arith.sitofp %unique3A_110 : vector<16xi32> to vector<16xf32>
    tpu.vector_store_idx %arg6[%add3A_102], %convert_element_type3A_112 masked %unique3A_109 {add = true} : memref<7696xf32, #tpu.memory_space<vmem>>[vector<16xi32>], vector<16xf32>, vector<16xi1>
    %get3A_113 = arith.constant 6736 : index
    %get3A_114 = tpu.vector_load %arg6[%get3A_113] {strides = array<i32>} : memref<7696xf32, #tpu.memory_space<vmem>>, vector<16xf32>,
    %bitcast3A_115 = vector.bitcast %get3A_114 : vector<16xf32> to vector<16xi32>
    %get3A_116 = arith.constant 6864 : index
    %get3A_117 = tpu.vector_load %arg6[%get3A_116] {strides = array<i32>} : memref<7696xf32, #tpu.memory_space<vmem>>, vector<16xf32>,
    %bitcast3A_118 = vector.bitcast %get3A_117 : vector<16xf32> to vector<16xi32>
    %mul3A_119 = arith.constant 16 : i32
    %mul3A_120 = vector.broadcast %mul3A_119 : i32 to vector<16xi32>
    %mul3A_121 = arith.muli %bitcast3A_115, %mul3A_120 : vector<16xi32>
    %add3A_122 = arith.addi %mul3A_121, %bitcast3A_118 : vector<16xi32>
    %add3A_123 = arith.constant 0 : i32
    %add3A_124 = vector.broadcast %add3A_123 : i32 to vector<16xi32>
    %add3A_125 = arith.addi %add3A_122, %add3A_124 : vector<16xi32>
    %get3A_126 = arith.constant 6752 : index
    %get3A_127 = tpu.vector_load %arg6[%get3A_126] {strides = array<i32>} : memref<7696xf32, #tpu.memory_space<vmem>>, vector<16xf32>,
    %bitcast3A_128 = vector.bitcast %get3A_127 : vector<16xf32> to vector<16xi32>
    %get3A_129 = arith.constant 6880 : index
    %get3A_130 = tpu.vector_load %arg6[%get3A_129] {strides = array<i32>} : memref<7696xf32, #tpu.memory_space<vmem>>, vector<16xf32>,
    %bitcast3A_131 = vector.bitcast %get3A_130 : vector<16xf32> to vector<16xi32>
    %mul3A_132 = arith.constant 16 : i32
    %mul3A_133 = vector.broadcast %mul3A_132 : i32 to vector<16xi32>
    %mul3A_134 = arith.muli %bitcast3A_128, %mul3A_133 : vector<16xi32>
    %add3A_135 = arith.addi %mul3A_134, %bitcast3A_131 : vector<16xi32>
    %add3A_136 = arith.constant 0 : i32
    %add3A_137 = vector.broadcast %add3A_136 : i32 to vector<16xi32>
    %add3A_138 = arith.addi %add3A_135, %add3A_137 : vector<16xi32>
    %broadcast_in_dim3A_139 = arith.constant true
    %broadcast_in_dim3A_140 = vector.broadcast %broadcast_in_dim3A_139 : i1 to vector<16xi1>
    %unique3A_141, %unique3A_142 = tpu.scan_count mask(%broadcast_in_dim3A_140 : vector<16xi1>) value(%add3A_125 : vector<16xi32>) : vector<16xi1>, vector<16xi32>
    %broadcast_in_dim3A_143 = arith.constant true
    %broadcast_in_dim3A_144 = vector.broadcast %broadcast_in_dim3A_143 : i1 to vector<16xi1>
    %unique3A_145, %unique3A_146 = tpu.scan_count mask(%broadcast_in_dim3A_144 : vector<16xi1>) value(%add3A_138 : vector<16xi32>) : vector<16xi1>, vector<16xi32>
    %convert_element_type3A_147 = arith.sitofp %unique3A_142 : vector<16xi32> to vector<16xf32>
    tpu.vector_store_idx %arg6[%add3A_125], %convert_element_type3A_147 masked %unique3A_141 {add = true} : memref<7696xf32, #tpu.memory_space<vmem>>[vector<16xi32>], vector<16xf32>, vector<16xi1>
    %convert_element_type3A_148 = arith.sitofp %unique3A_146 : vector<16xi32> to vector<16xf32>
    tpu.vector_store_idx %arg6[%add3A_138], %convert_element_type3A_148 masked %unique3A_145 {add = true} : memref<7696xf32, #tpu.memory_space<vmem>>[vector<16xi32>], vector<16xf32>, vector<16xi1>
    %get3A_149 = arith.constant 6768 : index
    %get3A_150 = tpu.vector_load %arg6[%get3A_149] {strides = array<i32>} : memref<7696xf32, #tpu.memory_space<vmem>>, vector<16xf32>,
    %bitcast3A_151 = vector.bitcast %get3A_150 : vector<16xf32> to vector<16xi32>
    %get3A_152 = arith.constant 6896 : index
    %get3A_153 = tpu.vector_load %arg6[%get3A_152] {strides = array<i32>} : memref<7696xf32, #tpu.memory_space<vmem>>, vector<16xf32>,
    %bitcast3A_154 = vector.bitcast %get3A_153 : vector<16xf32> to vector<16xi32>
    %mul3A_155 = arith.constant 16 : i32
    %mul3A_156 = vector.broadcast %mul3A_155 : i32 to vector<16xi32>
    %mul3A_157 = arith.muli %bitcast3A_151, %mul3A_156 : vector<16xi32>
    %add3A_158 = arith.addi %mul3A_157, %bitcast3A_154 : vector<16xi32>
    %add3A_159 = arith.constant 0 : i32
    %add3A_160 = vector.broadcast %add3A_159 : i32 to vector<16xi32>
    %add3A_161 = arith.addi %add3A_158, %add3A_160 : vector<16xi32>
    %get3A_162 = arith.constant 6784 : index
    %get3A_163 = tpu.vector_load %arg6[%get3A_162] {strides = array<i32>} : memref<7696xf32, #tpu.memory_space<vmem>>, vector<16xf32>,
    %bitcast3A_164 = vector.bitcast %get3A_163 : vector<16xf32> to vector<16xi32>
    %get3A_165 = arith.constant 6912 : index
    %get3A_166 = tpu.vector_load %arg6[%get3A_165] {strides = array<i32>} : memref<7696xf32, #tpu.memory_space<vmem>>, vector<16xf32>,
    %bitcast3A_167 = vector.bitcast %get3A_166 : vector<16xf32> to vector<16xi32>
    %mul3A_168 = arith.constant 16 : i32
    %mul3A_169 = vector.broadcast %mul3A_168 : i32 to vector<16xi32>
    %mul3A_170 = arith.muli %bitcast3A_164, %mul3A_169 : vector<16xi32>
    %add3A_171 = arith.addi %mul3A_170, %bitcast3A_167 : vector<16xi32>
    %add3A_172 = arith.constant 0 : i32
    %add3A_173 = vector.broadcast %add3A_172 : i32 to vector<16xi32>
    %add3A_174 = arith.addi %add3A_171, %add3A_173 : vector<16xi32>
    %broadcast_in_dim3A_175 = arith.constant true
    %broadcast_in_dim3A_176 = vector.broadcast %broadcast_in_dim3A_175 : i1 to vector<16xi1>
    %unique3A_177, %unique3A_178 = tpu.scan_count mask(%broadcast_in_dim3A_176 : vector<16xi1>) value(%add3A_161 : vector<16xi32>) : vector<16xi1>, vector<16xi32>
    %broadcast_in_dim3A_179 = arith.constant true
    %broadcast_in_dim3A_180 = vector.broadcast %broadcast_in_dim3A_179 : i1 to vector<16xi1>
    %unique3A_181, %unique3A_182 = tpu.scan_count mask(%broadcast_in_dim3A_180 : vector<16xi1>) value(%add3A_174 : vector<16xi32>) : vector<16xi1>, vector<16xi32>
    %convert_element_type3A_183 = arith.sitofp %unique3A_178 : vector<16xi32> to vector<16xf32>
    tpu.vector_store_idx %arg6[%add3A_161], %convert_element_type3A_183 masked %unique3A_177 {add = true} : memref<7696xf32, #tpu.memory_space<vmem>>[vector<16xi32>], vector<16xf32>, vector<16xi1>
    %convert_element_type3A_184 = arith.sitofp %unique3A_182 : vector<16xi32> to vector<16xf32>
    tpu.vector_store_idx %arg6[%add3A_174], %convert_element_type3A_184 masked %unique3A_181 {add = true} : memref<7696xf32, #tpu.memory_space<vmem>>[vector<16xi32>], vector<16xf32>, vector<16xi1>
    %get3A_185 = arith.constant 6928 : index
    %get3A_186 = tpu.vector_load %arg6[%get3A_185] {strides = array<i32>} : memref<7696xf32, #tpu.memory_space<vmem>>, vector<16xf32>,
    %bitcast3A_187 = vector.bitcast %get3A_186 : vector<16xf32> to vector<16xi32>
    %get3A_188 = arith.constant 7056 : index
    %get3A_189 = tpu.vector_load %arg6[%get3A_188] {strides = array<i32>} : memref<7696xf32, #tpu.memory_space<vmem>>, vector<16xf32>,
    %bitcast3A_190 = vector.bitcast %get3A_189 : vector<16xf32> to vector<16xi32>
    %mul3A_191 = arith.constant 16 : i32
    %mul3A_192 = vector.broadcast %mul3A_191 : i32 to vector<16xi32>
    %mul3A_193 = arith.muli %bitcast3A_187, %mul3A_192 : vector<16xi32>
    %add3A_194 = arith.addi %mul3A_193, %bitcast3A_190 : vector<16xi32>
    %add3A_195 = arith.constant 0 : i32
    %add3A_196 = vector.broadcast %add3A_195 : i32 to vector<16xi32>
    %add3A_197 = arith.addi %add3A_194, %add3A_196 : vector<16xi32>
    %get3A_198 = arith.constant 6944 : index
    %get3A_199 = tpu.vector_load %arg6[%get3A_198] {strides = array<i32>} : memref<7696xf32, #tpu.memory_space<vmem>>, vector<16xf32>,
    %bitcast3A_200 = vector.bitcast %get3A_199 : vector<16xf32> to vector<16xi32>
    %get3A_201 = arith.constant 7072 : index
    %get3A_202 = tpu.vector_load %arg6[%get3A_201] {strides = array<i32>} : memref<7696xf32, #tpu.memory_space<vmem>>, vector<16xf32>,
    %bitcast3A_203 = vector.bitcast %get3A_202 : vector<16xf32> to vector<16xi32>
    %mul3A_204 = arith.constant 16 : i32
    %mul3A_205 = vector.broadcast %mul3A_204 : i32 to vector<16xi32>
    %mul3A_206 = arith.muli %bitcast3A_200, %mul3A_205 : vector<16xi32>
    %add3A_207 = arith.addi %mul3A_206, %bitcast3A_203 : vector<16xi32>
    %add3A_208 = arith.constant 0 : i32
    %add3A_209 = vector.broadcast %add3A_208 : i32 to vector<16xi32>
    %add3A_210 = arith.addi %add3A_207, %add3A_209 : vector<16xi32>
    %broadcast_in_dim3A_211 = arith.constant true
    %broadcast_in_dim3A_212 = vector.broadcast %broadcast_in_dim3A_211 : i1 to vector<16xi1>
    %unique3A_213, %unique3A_214 = tpu.scan_count mask(%broadcast_in_dim3A_212 : vector<16xi1>) value(%add3A_197 : vector<16xi32>) : vector<16xi1>, vector<16xi32>
    %broadcast_in_dim3A_215 = arith.constant true
    %broadcast_in_dim3A_216 = vector.broadcast %broadcast_in_dim3A_215 : i1 to vector<16xi1>
    %unique3A_217, %unique3A_218 = tpu.scan_count mask(%broadcast_in_dim3A_216 : vector<16xi1>) value(%add3A_210 : vector<16xi32>) : vector<16xi1>, vector<16xi32>
    %convert_element_type3A_219 = arith.sitofp %unique3A_214 : vector<16xi32> to vector<16xf32>
    tpu.vector_store_idx %arg6[%add3A_197], %convert_element_type3A_219 masked %unique3A_213 {add = true} : memref<7696xf32, #tpu.memory_space<vmem>>[vector<16xi32>], vector<16xf32>, vector<16xi1>
    %convert_element_type3A_220 = arith.sitofp %unique3A_218 : vector<16xi32> to vector<16xf32>
    tpu.vector_store_idx %arg6[%add3A_210], %convert_element_type3A_220 masked %unique3A_217 {add = true} : memref<7696xf32, #tpu.memory_space<vmem>>[vector<16xi32>], vector<16xf32>, vector<16xi1>
    %get3A_221 = arith.constant 6960 : index
    %get3A_222 = tpu.vector_load %arg6[%get3A_221] {strides = array<i32>} : memref<7696xf32, #tpu.memory_space<vmem>>, vector<16xf32>,
    %bitcast3A_223 = vector.bitcast %get3A_222 : vector<16xf32> to vector<16xi32>
    %get3A_224 = arith.constant 7088 : index
    %get3A_225 = tpu.vector_load %arg6[%get3A_224] {strides = array<i32>} : memref<7696xf32, #tpu.memory_space<vmem>>, vector<16xf32>,
    %bitcast3A_226 = vector.bitcast %get3A_225 : vector<16xf32> to vector<16xi32>
    %mul3A_227 = arith.constant 16 : i32
    %mul3A_228 = vector.broadcast %mul3A_227 : i32 to vector<16xi32>
    %mul3A_229 = arith.muli %bitcast3A_223, %mul3A_228 : vector<16xi32>
    %add3A_230 = arith.addi %mul3A_229, %bitcast3A_226 : vector<16xi32>
    %add3A_231 = arith.constant 0 : i32
    %add3A_232 = vector.broadcast %add3A_231 : i32 to vector<16xi32>
    %add3A_233 = arith.addi %add3A_230, %add3A_232 : vector<16xi32>
    %get3A_234 = arith.constant 6976 : index
    %get3A_235 = tpu.vector_load %arg6[%get3A_234] {strides = array<i32>} : memref<7696xf32, #tpu.memory_space<vmem>>, vector<16xf32>,
    %bitcast3A_236 = vector.bitcast %get3A_235 : vector<16xf32> to vector<16xi32>
    %get3A_237 = arith.constant 7104 : index
    %get3A_238 = tpu.vector_load %arg6[%get3A_237] {strides = array<i32>} : memref<7696xf32, #tpu.memory_space<vmem>>, vector<16xf32>,
    %bitcast3A_239 = vector.bitcast %get3A_238 : vector<16xf32> to vector<16xi32>
    %mul3A_240 = arith.constant 16 : i32
    %mul3A_241 = vector.broadcast %mul3A_240 : i32 to vector<16xi32>
    %mul3A_242 = arith.muli %bitcast3A_236, %mul3A_241 : vector<16xi32>
    %add3A_243 = arith.addi %mul3A_242, %bitcast3A_239 : vector<16xi32>
    %add3A_244 = arith.constant 0 : i32
    %add3A_245 = vector.broadcast %add3A_244 : i32 to vector<16xi32>
    %add3A_246 = arith.addi %add3A_243, %add3A_245 : vector<16xi32>
    %broadcast_in_dim3A_247 = arith.constant true
    %broadcast_in_dim3A_248 = vector.broadcast %broadcast_in_dim3A_247 : i1 to vector<16xi1>
    %unique3A_249, %unique3A_250 = tpu.scan_count mask(%broadcast_in_dim3A_248 : vector<16xi1>) value(%add3A_233 : vector<16xi32>) : vector<16xi1>, vector<16xi32>
    %broadcast_in_dim3A_251 = arith.constant true
    %broadcast_in_dim3A_252 = vector.broadcast %broadcast_in_dim3A_251 : i1 to vector<16xi1>
    %unique3A_253, %unique3A_254 = tpu.scan_count mask(%broadcast_in_dim3A_252 : vector<16xi1>) value(%add3A_246 : vector<16xi32>) : vector<16xi1>, vector<16xi32>
    %convert_element_type3A_255 = arith.sitofp %unique3A_250 : vector<16xi32> to vector<16xf32>
    tpu.vector_store_idx %arg6[%add3A_233], %convert_element_type3A_255 masked %unique3A_249 {add = true} : memref<7696xf32, #tpu.memory_space<vmem>>[vector<16xi32>], vector<16xf32>, vector<16xi1>
    %convert_element_type3A_256 = arith.sitofp %unique3A_254 : vector<16xi32> to vector<16xf32>
    tpu.vector_store_idx %arg6[%add3A_246], %convert_element_type3A_256 masked %unique3A_253 {add = true} : memref<7696xf32, #tpu.memory_space<vmem>>[vector<16xi32>], vector<16xf32>, vector<16xi1>
    %get3A_257 = arith.constant 6992 : index
    %get3A_258 = tpu.vector_load %arg6[%get3A_257] {strides = array<i32>} : memref<7696xf32, #tpu.memory_space<vmem>>, vector<16xf32>,
    %bitcast3A_259 = vector.bitcast %get3A_258 : vector<16xf32> to vector<16xi32>
    %get3A_260 = arith.constant 7120 : index
    %get3A_261 = tpu.vector_load %arg6[%get3A_260] {strides = array<i32>} : memref<7696xf32, #tpu.memory_space<vmem>>, vector<16xf32>,
    %bitcast3A_262 = vector.bitcast %get3A_261 : vector<16xf32> to vector<16xi32>
    %mul3A_263 = arith.constant 16 : i32
    %mul3A_264 = vector.broadcast %mul3A_263 : i32 to vector<16xi32>
    %mul3A_265 = arith.muli %bitcast3A_259, %mul3A_264 : vector<16xi32>
    %add3A_266 = arith.addi %mul3A_265, %bitcast3A_262 : vector<16xi32>
    %add3A_267 = arith.constant 0 : i32
    %add3A_268 = vector.broadcast %add3A_267 : i32 to vector<16xi32>
    %add3A_269 = arith.addi %add3A_266, %add3A_268 : vector<16xi32>
    %get3A_270 = arith.constant 7008 : index
    %get3A_271 = tpu.vector_load %arg6[%get3A_270] {strides = array<i32>} : memref<7696xf32, #tpu.memory_space<vmem>>, vector<16xf32>,
    %bitcast3A_272 = vector.bitcast %get3A_271 : vector<16xf32> to vector<16xi32>
    %get3A_273 = arith.constant 7136 : index
    %get3A_274 = tpu.vector_load %arg6[%get3A_273] {strides = array<i32>} : memref<7696xf32, #tpu.memory_space<vmem>>, vector<16xf32>,
    %bitcast3A_275 = vector.bitcast %get3A_274 : vector<16xf32> to vector<16xi32>
    %mul3A_276 = arith.constant 16 : i32
    %mul3A_277 = vector.broadcast %mul3A_276 : i32 to vector<16xi32>
    %mul3A_278 = arith.muli %bitcast3A_272, %mul3A_277 : vector<16xi32>
    %add3A_279 = arith.addi %mul3A_278, %bitcast3A_275 : vector<16xi32>
    %add3A_280 = arith.constant 0 : i32
    %add3A_281 = vector.broadcast %add3A_280 : i32 to vector<16xi32>
    %add3A_282 = arith.addi %add3A_279, %add3A_281 : vector<16xi32>
    %broadcast_in_dim3A_283 = arith.constant true
    %broadcast_in_dim3A_284 = vector.broadcast %broadcast_in_dim3A_283 : i1 to vector<16xi1>
    %unique3A_285, %unique3A_286 = tpu.scan_count mask(%broadcast_in_dim3A_284 : vector<16xi1>) value(%add3A_269 : vector<16xi32>) : vector<16xi1>, vector<16xi32>
    %broadcast_in_dim3A_287 = arith.constant true
    %broadcast_in_dim3A_288 = vector.broadcast %broadcast_in_dim3A_287 : i1 to vector<16xi1>
    %unique3A_289, %unique3A_290 = tpu.scan_count mask(%broadcast_in_dim3A_288 : vector<16xi1>) value(%add3A_282 : vector<16xi32>) : vector<16xi1>, vector<16xi32>
    %convert_element_type3A_291 = arith.sitofp %unique3A_286 : vector<16xi32> to vector<16xf32>
    tpu.vector_store_idx %arg6[%add3A_269], %convert_element_type3A_291 masked %unique3A_285 {add = true} : memref<7696xf32, #tpu.memory_space<vmem>>[vector<16xi32>], vector<16xf32>, vector<16xi1>
    %convert_element_type3A_292 = arith.sitofp %unique3A_290 : vector<16xi32> to vector<16xf32>
    tpu.vector_store_idx %arg6[%add3A_282], %convert_element_type3A_292 masked %unique3A_289 {add = true} : memref<7696xf32, #tpu.memory_space<vmem>>[vector<16xi32>], vector<16xf32>, vector<16xi1>
    %get3A_293 = arith.constant 7024 : index
    %get3A_294 = tpu.vector_load %arg6[%get3A_293] {strides = array<i32>} : memref<7696xf32, #tpu.memory_space<vmem>>, vector<16xf32>,
    %bitcast3A_295 = vector.bitcast %get3A_294 : vector<16xf32> to vector<16xi32>
    %get3A_296 = arith.constant 7152 : index
    %get3A_297 = tpu.vector_load %arg6[%get3A_296] {strides = array<i32>} : memref<7696xf32, #tpu.memory_space<vmem>>, vector<16xf32>,
    %bitcast3A_298 = vector.bitcast %get3A_297 : vector<16xf32> to vector<16xi32>
    %mul3A_299 = arith.constant 16 : i32
    %mul3A_300 = vector.broadcast %mul3A_299 : i32 to vector<16xi32>
    %mul3A_301 = arith.muli %bitcast3A_295, %mul3A_300 : vector<16xi32>
    %add3A_302 = arith.addi %mul3A_301, %bitcast3A_298 : vector<16xi32>
    %add3A_303 = arith.constant 0 : i32
    %add3A_304 = vector.broadcast %add3A_303 : i32 to vector<16xi32>
    %add3A_305 = arith.addi %add3A_302, %add3A_304 : vector<16xi32>
    %get3A_306 = arith.constant 7040 : index
    %get3A_307 = tpu.vector_load %arg6[%get3A_306] {strides = array<i32>} : memref<7696xf32, #tpu.memory_space<vmem>>, vector<16xf32>,
    %bitcast3A_308 = vector.bitcast %get3A_307 : vector<16xf32> to vector<16xi32>
    %get3A_309 = arith.constant 7168 : index
    %get3A_310 = tpu.vector_load %arg6[%get3A_309] {strides = array<i32>} : memref<7696xf32, #tpu.memory_space<vmem>>, vector<16xf32>,
    %bitcast3A_311 = vector.bitcast %get3A_310 : vector<16xf32> to vector<16xi32>
    %mul3A_312 = arith.constant 16 : i32
    %mul3A_313 = vector.broadcast %mul3A_312 : i32 to vector<16xi32>
    %mul3A_314 = arith.muli %bitcast3A_308, %mul3A_313 : vector<16xi32>
    %add3A_315 = arith.addi %mul3A_314, %bitcast3A_311 : vector<16xi32>
    %add3A_316 = arith.constant 0 : i32
    %add3A_317 = vector.broadcast %add3A_316 : i32 to vector<16xi32>
    %add3A_318 = arith.addi %add3A_315, %add3A_317 : vector<16xi32>
    %broadcast_in_dim3A_319 = arith.constant true
    %broadcast_in_dim3A_320 = vector.broadcast %broadcast_in_dim3A_319 : i1 to vector<16xi1>
    %unique3A_321, %unique3A_322 = tpu.scan_count mask(%broadcast_in_dim3A_320 : vector<16xi1>) value(%add3A_305 : vector<16xi32>) : vector<16xi1>, vector<16xi32>
    %broadcast_in_dim3A_323 = arith.constant true
    %broadcast_in_dim3A_324 = vector.broadcast %broadcast_in_dim3A_323 : i1 to vector<16xi1>
    %unique3A_325, %unique3A_326 = tpu.scan_count mask(%broadcast_in_dim3A_324 : vector<16xi1>) value(%add3A_318 : vector<16xi32>) : vector<16xi1>, vector<16xi32>
    %convert_element_type3A_327 = arith.sitofp %unique3A_322 : vector<16xi32> to vector<16xf32>
    tpu.vector_store_idx %arg6[%add3A_305], %convert_element_type3A_327 masked %unique3A_321 {add = true} : memref<7696xf32, #tpu.memory_space<vmem>>[vector<16xi32>], vector<16xf32>, vector<16xi1>
    %convert_element_type3A_328 = arith.sitofp %unique3A_326 : vector<16xi32> to vector<16xf32>
    tpu.vector_store_idx %arg6[%add3A_318], %convert_element_type3A_328 masked %unique3A_325 {add = true} : memref<7696xf32, #tpu.memory_space<vmem>>[vector<16xi32>], vector<16xf32>, vector<16xi1>
    %get3A_329 = arith.constant 7184 : index
    %get3A_330 = tpu.vector_load %arg6[%get3A_329] {strides = array<i32>} : memref<7696xf32, #tpu.memory_space<vmem>>, vector<16xf32>,
    %bitcast3A_331 = vector.bitcast %get3A_330 : vector<16xf32> to vector<16xi32>
    %get3A_332 = arith.constant 7312 : index
    %get3A_333 = tpu.vector_load %arg6[%get3A_332] {strides = array<i32>} : memref<7696xf32, #tpu.memory_space<vmem>>, vector<16xf32>,
    %bitcast3A_334 = vector.bitcast %get3A_333 : vector<16xf32> to vector<16xi32>
    %mul3A_335 = arith.constant 16 : i32
    %mul3A_336 = vector.broadcast %mul3A_335 : i32 to vector<16xi32>
    %mul3A_337 = arith.muli %bitcast3A_331, %mul3A_336 : vector<16xi32>
    %add3A_338 = arith.addi %mul3A_337, %bitcast3A_334 : vector<16xi32>
    %add3A_339 = arith.constant 0 : i32
    %add3A_340 = vector.broadcast %add3A_339 : i32 to vector<16xi32>
    %add3A_341 = arith.addi %add3A_338, %add3A_340 : vector<16xi32>
    %get3A_342 = arith.constant 7200 : index
    %get3A_343 = tpu.vector_load %arg6[%get3A_342] {strides = array<i32>} : memref<7696xf32, #tpu.memory_space<vmem>>, vector<16xf32>,
    %bitcast3A_344 = vector.bitcast %get3A_343 : vector<16xf32> to vector<16xi32>
    %get3A_345 = arith.constant 7328 : index
    %get3A_346 = tpu.vector_load %arg6[%get3A_345] {strides = array<i32>} : memref<7696xf32, #tpu.memory_space<vmem>>, vector<16xf32>,
    %bitcast3A_347 = vector.bitcast %get3A_346 : vector<16xf32> to vector<16xi32>
    %mul3A_348 = arith.constant 16 : i32
    %mul3A_349 = vector.broadcast %mul3A_348 : i32 to vector<16xi32>
    %mul3A_350 = arith.muli %bitcast3A_344, %mul3A_349 : vector<16xi32>
    %add3A_351 = arith.addi %mul3A_350, %bitcast3A_347 : vector<16xi32>
    %add3A_352 = arith.constant 0 : i32
    %add3A_353 = vector.broadcast %add3A_352 : i32 to vector<16xi32>
    %add3A_354 = arith.addi %add3A_351, %add3A_353 : vector<16xi32>
    %broadcast_in_dim3A_355 = arith.constant true
    %broadcast_in_dim3A_356 = vector.broadcast %broadcast_in_dim3A_355 : i1 to vector<16xi1>
    %unique3A_357, %unique3A_358 = tpu.scan_count mask(%broadcast_in_dim3A_356 : vector<16xi1>) value(%add3A_341 : vector<16xi32>) : vector<16xi1>, vector<16xi32>
    %broadcast_in_dim3A_359 = arith.constant true
    %broadcast_in_dim3A_360 = vector.broadcast %broadcast_in_dim3A_359 : i1 to vector<16xi1>
    %unique3A_361, %unique3A_362 = tpu.scan_count mask(%broadcast_in_dim3A_360 : vector<16xi1>) value(%add3A_354 : vector<16xi32>) : vector<16xi1>, vector<16xi32>
    %convert_element_type3A_363 = arith.sitofp %unique3A_358 : vector<16xi32> to vector<16xf32>
    tpu.vector_store_idx %arg6[%add3A_341], %convert_element_type3A_363 masked %unique3A_357 {add = true} : memref<7696xf32, #tpu.memory_space<vmem>>[vector<16xi32>], vector<16xf32>, vector<16xi1>
    %convert_element_type3A_364 = arith.sitofp %unique3A_362 : vector<16xi32> to vector<16xf32>
    tpu.vector_store_idx %arg6[%add3A_354], %convert_element_type3A_364 masked %unique3A_361 {add = true} : memref<7696xf32, #tpu.memory_space<vmem>>[vector<16xi32>], vector<16xf32>, vector<16xi1>
    %get3A_365 = arith.constant 7216 : index
    %get3A_366 = tpu.vector_load %arg6[%get3A_365] {strides = array<i32>} : memref<7696xf32, #tpu.memory_space<vmem>>, vector<16xf32>,
    %bitcast3A_367 = vector.bitcast %get3A_366 : vector<16xf32> to vector<16xi32>
    %get3A_368 = arith.constant 7344 : index
    %get3A_369 = tpu.vector_load %arg6[%get3A_368] {strides = array<i32>} : memref<7696xf32, #tpu.memory_space<vmem>>, vector<16xf32>,
    %bitcast3A_370 = vector.bitcast %get3A_369 : vector<16xf32> to vector<16xi32>
    %mul3A_371 = arith.constant 16 : i32
    %mul3A_372 = vector.broadcast %mul3A_371 : i32 to vector<16xi32>
    %mul3A_373 = arith.muli %bitcast3A_367, %mul3A_372 : vector<16xi32>
    %add3A_374 = arith.addi %mul3A_373, %bitcast3A_370 : vector<16xi32>
    %add3A_375 = arith.constant 0 : i32
    %add3A_376 = vector.broadcast %add3A_375 : i32 to vector<16xi32>
    %add3A_377 = arith.addi %add3A_374, %add3A_376 : vector<16xi32>
    %get3A_378 = arith.constant 7232 : index
    %get3A_379 = tpu.vector_load %arg6[%get3A_378] {strides = array<i32>} : memref<7696xf32, #tpu.memory_space<vmem>>, vector<16xf32>,
    %bitcast3A_380 = vector.bitcast %get3A_379 : vector<16xf32> to vector<16xi32>
    %get3A_381 = arith.constant 7360 : index
    %get3A_382 = tpu.vector_load %arg6[%get3A_381] {strides = array<i32>} : memref<7696xf32, #tpu.memory_space<vmem>>, vector<16xf32>,
    %bitcast3A_383 = vector.bitcast %get3A_382 : vector<16xf32> to vector<16xi32>
    %mul3A_384 = arith.constant 16 : i32
    %mul3A_385 = vector.broadcast %mul3A_384 : i32 to vector<16xi32>
    %mul3A_386 = arith.muli %bitcast3A_380, %mul3A_385 : vector<16xi32>
    %add3A_387 = arith.addi %mul3A_386, %bitcast3A_383 : vector<16xi32>
    %add3A_388 = arith.constant 0 : i32
    %add3A_389 = vector.broadcast %add3A_388 : i32 to vector<16xi32>
    %add3A_390 = arith.addi %add3A_387, %add3A_389 : vector<16xi32>
    %broadcast_in_dim3A_391 = arith.constant true
    %broadcast_in_dim3A_392 = vector.broadcast %broadcast_in_dim3A_391 : i1 to vector<16xi1>
    %unique3A_393, %unique3A_394 = tpu.scan_count mask(%broadcast_in_dim3A_392 : vector<16xi1>) value(%add3A_377 : vector<16xi32>) : vector<16xi1>, vector<16xi32>
    %broadcast_in_dim3A_395 = arith.constant true
    %broadcast_in_dim3A_396 = vector.broadcast %broadcast_in_dim3A_395 : i1 to vector<16xi1>
    %unique3A_397, %unique3A_398 = tpu.scan_count mask(%broadcast_in_dim3A_396 : vector<16xi1>) value(%add3A_390 : vector<16xi32>) : vector<16xi1>, vector<16xi32>
    %convert_element_type3A_399 = arith.sitofp %unique3A_394 : vector<16xi32> to vector<16xf32>
    tpu.vector_store_idx %arg6[%add3A_377], %convert_element_type3A_399 masked %unique3A_393 {add = true} : memref<7696xf32, #tpu.memory_space<vmem>>[vector<16xi32>], vector<16xf32>, vector<16xi1>
    %convert_element_type3A_400 = arith.sitofp %unique3A_398 : vector<16xi32> to vector<16xf32>
    tpu.vector_store_idx %arg6[%add3A_390], %convert_element_type3A_400 masked %unique3A_397 {add = true} : memref<7696xf32, #tpu.memory_space<vmem>>[vector<16xi32>], vector<16xf32>, vector<16xi1>
    %get3A_401 = arith.constant 7248 : index
    %get3A_402 = tpu.vector_load %arg6[%get3A_401] {strides = array<i32>} : memref<7696xf32, #tpu.memory_space<vmem>>, vector<16xf32>,
    %bitcast3A_403 = vector.bitcast %get3A_402 : vector<16xf32> to vector<16xi32>
    %get3A_404 = arith.constant 7376 : index
    %get3A_405 = tpu.vector_load %arg6[%get3A_404] {strides = array<i32>} : memref<7696xf32, #tpu.memory_space<vmem>>, vector<16xf32>,
    %bitcast3A_406 = vector.bitcast %get3A_405 : vector<16xf32> to vector<16xi32>
    %mul3A_407 = arith.constant 16 : i32
    %mul3A_408 = vector.broadcast %mul3A_407 : i32 to vector<16xi32>
    %mul3A_409 = arith.muli %bitcast3A_403, %mul3A_408 : vector<16xi32>
    %add3A_410 = arith.addi %mul3A_409, %bitcast3A_406 : vector<16xi32>
    %add3A_411 = arith.constant 0 : i32
    %add3A_412 = vector.broadcast %add3A_411 : i32 to vector<16xi32>
    %add3A_413 = arith.addi %add3A_410, %add3A_412 : vector<16xi32>
    %get3A_414 = arith.constant 7264 : index
    %get3A_415 = tpu.vector_load %arg6[%get3A_414] {strides = array<i32>} : memref<7696xf32, #tpu.memory_space<vmem>>, vector<16xf32>,
    %bitcast3A_416 = vector.bitcast %get3A_415 : vector<16xf32> to vector<16xi32>
    %get3A_417 = arith.constant 7392 : index
    %get3A_418 = tpu.vector_load %arg6[%get3A_417] {strides = array<i32>} : memref<7696xf32, #tpu.memory_space<vmem>>, vector<16xf32>,
    %bitcast3A_419 = vector.bitcast %get3A_418 : vector<16xf32> to vector<16xi32>
    %mul3A_420 = arith.constant 16 : i32
    %mul3A_421 = vector.broadcast %mul3A_420 : i32 to vector<16xi32>
    %mul3A_422 = arith.muli %bitcast3A_416, %mul3A_421 : vector<16xi32>
    %add3A_423 = arith.addi %mul3A_422, %bitcast3A_419 : vector<16xi32>
    %add3A_424 = arith.constant 0 : i32
    %add3A_425 = vector.broadcast %add3A_424 : i32 to vector<16xi32>
    %add3A_426 = arith.addi %add3A_423, %add3A_425 : vector<16xi32>
    %broadcast_in_dim3A_427 = arith.constant true
    %broadcast_in_dim3A_428 = vector.broadcast %broadcast_in_dim3A_427 : i1 to vector<16xi1>
    %unique3A_429, %unique3A_430 = tpu.scan_count mask(%broadcast_in_dim3A_428 : vector<16xi1>) value(%add3A_413 : vector<16xi32>) : vector<16xi1>, vector<16xi32>
    %broadcast_in_dim3A_431 = arith.constant true
    %broadcast_in_dim3A_432 = vector.broadcast %broadcast_in_dim3A_431 : i1 to vector<16xi1>
    %unique3A_433, %unique3A_434 = tpu.scan_count mask(%broadcast_in_dim3A_432 : vector<16xi1>) value(%add3A_426 : vector<16xi32>) : vector<16xi1>, vector<16xi32>
    %convert_element_type3A_435 = arith.sitofp %unique3A_430 : vector<16xi32> to vector<16xf32>
    tpu.vector_store_idx %arg6[%add3A_413], %convert_element_type3A_435 masked %unique3A_429 {add = true} : memref<7696xf32, #tpu.memory_space<vmem>>[vector<16xi32>], vector<16xf32>, vector<16xi1>
    %convert_element_type3A_436 = arith.sitofp %unique3A_434 : vector<16xi32> to vector<16xf32>
    tpu.vector_store_idx %arg6[%add3A_426], %convert_element_type3A_436 masked %unique3A_433 {add = true} : memref<7696xf32, #tpu.memory_space<vmem>>[vector<16xi32>], vector<16xf32>, vector<16xi1>
    %get3A_437 = arith.constant 7280 : index
    %get3A_438 = tpu.vector_load %arg6[%get3A_437] {strides = array<i32>} : memref<7696xf32, #tpu.memory_space<vmem>>, vector<16xf32>,
    %bitcast3A_439 = vector.bitcast %get3A_438 : vector<16xf32> to vector<16xi32>
    %get3A_440 = arith.constant 7408 : index
    %get3A_441 = tpu.vector_load %arg6[%get3A_440] {strides = array<i32>} : memref<7696xf32, #tpu.memory_space<vmem>>, vector<16xf32>,
    %bitcast3A_442 = vector.bitcast %get3A_441 : vector<16xf32> to vector<16xi32>
    %mul3A_443 = arith.constant 16 : i32
    %mul3A_444 = vector.broadcast %mul3A_443 : i32 to vector<16xi32>
    %mul3A_445 = arith.muli %bitcast3A_439, %mul3A_444 : vector<16xi32>
    %add3A_446 = arith.addi %mul3A_445, %bitcast3A_442 : vector<16xi32>
    %add3A_447 = arith.constant 0 : i32
    %add3A_448 = vector.broadcast %add3A_447 : i32 to vector<16xi32>
    %add3A_449 = arith.addi %add3A_446, %add3A_448 : vector<16xi32>
    %get3A_450 = arith.constant 7296 : index
    %get3A_451 = tpu.vector_load %arg6[%get3A_450] {strides = array<i32>} : memref<7696xf32, #tpu.memory_space<vmem>>, vector<16xf32>,
    %bitcast3A_452 = vector.bitcast %get3A_451 : vector<16xf32> to vector<16xi32>
    %get3A_453 = arith.constant 7424 : index
    %get3A_454 = tpu.vector_load %arg6[%get3A_453] {strides = array<i32>} : memref<7696xf32, #tpu.memory_space<vmem>>, vector<16xf32>,
    %bitcast3A_455 = vector.bitcast %get3A_454 : vector<16xf32> to vector<16xi32>
    %mul3A_456 = arith.constant 16 : i32
    %mul3A_457 = vector.broadcast %mul3A_456 : i32 to vector<16xi32>
    %mul3A_458 = arith.muli %bitcast3A_452, %mul3A_457 : vector<16xi32>
    %add3A_459 = arith.addi %mul3A_458, %bitcast3A_455 : vector<16xi32>
    %add3A_460 = arith.constant 0 : i32
    %add3A_461 = vector.broadcast %add3A_460 : i32 to vector<16xi32>
    %add3A_462 = arith.addi %add3A_459, %add3A_461 : vector<16xi32>
    %broadcast_in_dim3A_463 = arith.constant true
    %broadcast_in_dim3A_464 = vector.broadcast %broadcast_in_dim3A_463 : i1 to vector<16xi1>
    %unique3A_465, %unique3A_466 = tpu.scan_count mask(%broadcast_in_dim3A_464 : vector<16xi1>) value(%add3A_449 : vector<16xi32>) : vector<16xi1>, vector<16xi32>
    %broadcast_in_dim3A_467 = arith.constant true
    %broadcast_in_dim3A_468 = vector.broadcast %broadcast_in_dim3A_467 : i1 to vector<16xi1>
    %unique3A_469, %unique3A_470 = tpu.scan_count mask(%broadcast_in_dim3A_468 : vector<16xi1>) value(%add3A_462 : vector<16xi32>) : vector<16xi1>, vector<16xi32>
    %convert_element_type3A_471 = arith.sitofp %unique3A_466 : vector<16xi32> to vector<16xf32>
    tpu.vector_store_idx %arg6[%add3A_449], %convert_element_type3A_471 masked %unique3A_465 {add = true} : memref<7696xf32, #tpu.memory_space<vmem>>[vector<16xi32>], vector<16xf32>, vector<16xi1>
    %convert_element_type3A_472 = arith.sitofp %unique3A_470 : vector<16xi32> to vector<16xf32>
    tpu.vector_store_idx %arg6[%add3A_462], %convert_element_type3A_472 masked %unique3A_469 {add = true} : memref<7696xf32, #tpu.memory_space<vmem>>[vector<16xi32>], vector<16xf32>, vector<16xi1>
    %get3A_473 = arith.constant 7440 : index
    %get3A_474 = tpu.vector_load %arg6[%get3A_473] {strides = array<i32>} : memref<7696xf32, #tpu.memory_space<vmem>>, vector<16xf32>,
    %bitcast3A_475 = vector.bitcast %get3A_474 : vector<16xf32> to vector<16xi32>
    %get3A_476 = arith.constant 7568 : index
    %get3A_477 = tpu.vector_load %arg6[%get3A_476] {strides = array<i32>} : memref<7696xf32, #tpu.memory_space<vmem>>, vector<16xf32>,
    %bitcast3A_478 = vector.bitcast %get3A_477 : vector<16xf32> to vector<16xi32>
    %mul3A_479 = arith.constant 16 : i32
    %mul3A_480 = vector.broadcast %mul3A_479 : i32 to vector<16xi32>
    %mul3A_481 = arith.muli %bitcast3A_475, %mul3A_480 : vector<16xi32>
    %add3A_482 = arith.addi %mul3A_481, %bitcast3A_478 : vector<16xi32>
    %add3A_483 = arith.constant 0 : i32
    %add3A_484 = vector.broadcast %add3A_483 : i32 to vector<16xi32>
    %add3A_485 = arith.addi %add3A_482, %add3A_484 : vector<16xi32>
    %get3A_486 = arith.constant 7456 : index
    %get3A_487 = tpu.vector_load %arg6[%get3A_486] {strides = array<i32>} : memref<7696xf32, #tpu.memory_space<vmem>>, vector<16xf32>,
    %bitcast3A_488 = vector.bitcast %get3A_487 : vector<16xf32> to vector<16xi32>
    %get3A_489 = arith.constant 7584 : index
    %get3A_490 = tpu.vector_load %arg6[%get3A_489] {strides = array<i32>} : memref<7696xf32, #tpu.memory_space<vmem>>, vector<16xf32>,
    %bitcast3A_491 = vector.bitcast %get3A_490 : vector<16xf32> to vector<16xi32>
    %mul3A_492 = arith.constant 16 : i32
    %mul3A_493 = vector.broadcast %mul3A_492 : i32 to vector<16xi32>
    %mul3A_494 = arith.muli %bitcast3A_488, %mul3A_493 : vector<16xi32>
    %add3A_495 = arith.addi %mul3A_494, %bitcast3A_491 : vector<16xi32>
    %add3A_496 = arith.constant 0 : i32
    %add3A_497 = vector.broadcast %add3A_496 : i32 to vector<16xi32>
    %add3A_498 = arith.addi %add3A_495, %add3A_497 : vector<16xi32>
    %broadcast_in_dim3A_499 = arith.constant true
    %broadcast_in_dim3A_500 = vector.broadcast %broadcast_in_dim3A_499 : i1 to vector<16xi1>
    %unique3A_501, %unique3A_502 = tpu.scan_count mask(%broadcast_in_dim3A_500 : vector<16xi1>) value(%add3A_485 : vector<16xi32>) : vector<16xi1>, vector<16xi32>
    %broadcast_in_dim3A_503 = arith.constant true
    %broadcast_in_dim3A_504 = vector.broadcast %broadcast_in_dim3A_503 : i1 to vector<16xi1>
    %unique3A_505, %unique3A_506 = tpu.scan_count mask(%broadcast_in_dim3A_504 : vector<16xi1>) value(%add3A_498 : vector<16xi32>) : vector<16xi1>, vector<16xi32>
    %convert_element_type3A_507 = arith.sitofp %unique3A_502 : vector<16xi32> to vector<16xf32>
    tpu.vector_store_idx %arg6[%add3A_485], %convert_element_type3A_507 masked %unique3A_501 {add = true} : memref<7696xf32, #tpu.memory_space<vmem>>[vector<16xi32>], vector<16xf32>, vector<16xi1>
    %convert_element_type3A_508 = arith.sitofp %unique3A_506 : vector<16xi32> to vector<16xf32>
    tpu.vector_store_idx %arg6[%add3A_498], %convert_element_type3A_508 masked %unique3A_505 {add = true} : memref<7696xf32, #tpu.memory_space<vmem>>[vector<16xi32>], vector<16xf32>, vector<16xi1>
    %get3A_509 = arith.constant 7472 : index
    %get3A_510 = tpu.vector_load %arg6[%get3A_509] {strides = array<i32>} : memref<7696xf32, #tpu.memory_space<vmem>>, vector<16xf32>,
    %bitcast3A_511 = vector.bitcast %get3A_510 : vector<16xf32> to vector<16xi32>
    %get3A_512 = arith.constant 7600 : index
    %get3A_513 = tpu.vector_load %arg6[%get3A_512] {strides = array<i32>} : memref<7696xf32, #tpu.memory_space<vmem>>, vector<16xf32>,
    %bitcast3A_514 = vector.bitcast %get3A_513 : vector<16xf32> to vector<16xi32>
    %mul3A_515 = arith.constant 16 : i32
    %mul3A_516 = vector.broadcast %mul3A_515 : i32 to vector<16xi32>
    %mul3A_517 = arith.muli %bitcast3A_511, %mul3A_516 : vector<16xi32>
    %add3A_518 = arith.addi %mul3A_517, %bitcast3A_514 : vector<16xi32>
    %add3A_519 = arith.constant 0 : i32
    %add3A_520 = vector.broadcast %add3A_519 : i32 to vector<16xi32>
    %add3A_521 = arith.addi %add3A_518, %add3A_520 : vector<16xi32>
    %get3A_522 = arith.constant 7488 : index
    %get3A_523 = tpu.vector_load %arg6[%get3A_522] {strides = array<i32>} : memref<7696xf32, #tpu.memory_space<vmem>>, vector<16xf32>,
    %bitcast3A_524 = vector.bitcast %get3A_523 : vector<16xf32> to vector<16xi32>
    %get3A_525 = arith.constant 7616 : index
    %get3A_526 = tpu.vector_load %arg6[%get3A_525] {strides = array<i32>} : memref<7696xf32, #tpu.memory_space<vmem>>, vector<16xf32>,
    %bitcast3A_527 = vector.bitcast %get3A_526 : vector<16xf32> to vector<16xi32>
    %mul3A_528 = arith.constant 16 : i32
    %mul3A_529 = vector.broadcast %mul3A_528 : i32 to vector<16xi32>
    %mul3A_530 = arith.muli %bitcast3A_524, %mul3A_529 : vector<16xi32>
    %add3A_531 = arith.addi %mul3A_530, %bitcast3A_527 : vector<16xi32>
    %add3A_532 = arith.constant 0 : i32
    %add3A_533 = vector.broadcast %add3A_532 : i32 to vector<16xi32>
    %add3A_534 = arith.addi %add3A_531, %add3A_533 : vector<16xi32>
    %broadcast_in_dim3A_535 = arith.constant true
    %broadcast_in_dim3A_536 = vector.broadcast %broadcast_in_dim3A_535 : i1 to vector<16xi1>
    %unique3A_537, %unique3A_538 = tpu.scan_count mask(%broadcast_in_dim3A_536 : vector<16xi1>) value(%add3A_521 : vector<16xi32>) : vector<16xi1>, vector<16xi32>
    %broadcast_in_dim3A_539 = arith.constant true
    %broadcast_in_dim3A_540 = vector.broadcast %broadcast_in_dim3A_539 : i1 to vector<16xi1>
    %unique3A_541, %unique3A_542 = tpu.scan_count mask(%broadcast_in_dim3A_540 : vector<16xi1>) value(%add3A_534 : vector<16xi32>) : vector<16xi1>, vector<16xi32>
    %convert_element_type3A_543 = arith.sitofp %unique3A_538 : vector<16xi32> to vector<16xf32>
    tpu.vector_store_idx %arg6[%add3A_521], %convert_element_type3A_543 masked %unique3A_537 {add = true} : memref<7696xf32, #tpu.memory_space<vmem>>[vector<16xi32>], vector<16xf32>, vector<16xi1>
    %convert_element_type3A_544 = arith.sitofp %unique3A_542 : vector<16xi32> to vector<16xf32>
    tpu.vector_store_idx %arg6[%add3A_534], %convert_element_type3A_544 masked %unique3A_541 {add = true} : memref<7696xf32, #tpu.memory_space<vmem>>[vector<16xi32>], vector<16xf32>, vector<16xi1>
    %get3A_545 = arith.constant 7504 : index
    %get3A_546 = tpu.vector_load %arg6[%get3A_545] {strides = array<i32>} : memref<7696xf32, #tpu.memory_space<vmem>>, vector<16xf32>,
    %bitcast3A_547 = vector.bitcast %get3A_546 : vector<16xf32> to vector<16xi32>
    %get3A_548 = arith.constant 7632 : index
    %get3A_549 = tpu.vector_load %arg6[%get3A_548] {strides = array<i32>} : memref<7696xf32, #tpu.memory_space<vmem>>, vector<16xf32>,
    %bitcast3A_550 = vector.bitcast %get3A_549 : vector<16xf32> to vector<16xi32>
    %mul3A_551 = arith.constant 16 : i32
    %mul3A_552 = vector.broadcast %mul3A_551 : i32 to vector<16xi32>
    %mul3A_553 = arith.muli %bitcast3A_547, %mul3A_552 : vector<16xi32>
    %add3A_554 = arith.addi %mul3A_553, %bitcast3A_550 : vector<16xi32>
    %add3A_555 = arith.constant 0 : i32
    %add3A_556 = vector.broadcast %add3A_555 : i32 to vector<16xi32>
    %add3A_557 = arith.addi %add3A_554, %add3A_556 : vector<16xi32>
    %get3A_558 = arith.constant 7520 : index
    %get3A_559 = tpu.vector_load %arg6[%get3A_558] {strides = array<i32>} : memref<7696xf32, #tpu.memory_space<vmem>>, vector<16xf32>,
    %bitcast3A_560 = vector.bitcast %get3A_559 : vector<16xf32> to vector<16xi32>
    %get3A_561 = arith.constant 7648 : index
    %get3A_562 = tpu.vector_load %arg6[%get3A_561] {strides = array<i32>} : memref<7696xf32, #tpu.memory_space<vmem>>, vector<16xf32>,
    %bitcast3A_563 = vector.bitcast %get3A_562 : vector<16xf32> to vector<16xi32>
    %mul3A_564 = arith.constant 16 : i32
    %mul3A_565 = vector.broadcast %mul3A_564 : i32 to vector<16xi32>
    %mul3A_566 = arith.muli %bitcast3A_560, %mul3A_565 : vector<16xi32>
    %add3A_567 = arith.addi %mul3A_566, %bitcast3A_563 : vector<16xi32>
    %add3A_568 = arith.constant 0 : i32
    %add3A_569 = vector.broadcast %add3A_568 : i32 to vector<16xi32>
    %add3A_570 = arith.addi %add3A_567, %add3A_569 : vector<16xi32>
    %broadcast_in_dim3A_571 = arith.constant true
    %broadcast_in_dim3A_572 = vector.broadcast %broadcast_in_dim3A_571 : i1 to vector<16xi1>
    %unique3A_573, %unique3A_574 = tpu.scan_count mask(%broadcast_in_dim3A_572 : vector<16xi1>) value(%add3A_557 : vector<16xi32>) : vector<16xi1>, vector<16xi32>
    %broadcast_in_dim3A_575 = arith.constant true
    %broadcast_in_dim3A_576 = vector.broadcast %broadcast_in_dim3A_575 : i1 to vector<16xi1>
    %unique3A_577, %unique3A_578 = tpu.scan_count mask(%broadcast_in_dim3A_576 : vector<16xi1>) value(%add3A_570 : vector<16xi32>) : vector<16xi1>, vector<16xi32>
    %convert_element_type3A_579 = arith.sitofp %unique3A_574 : vector<16xi32> to vector<16xf32>
    tpu.vector_store_idx %arg6[%add3A_557], %convert_element_type3A_579 masked %unique3A_573 {add = true} : memref<7696xf32, #tpu.memory_space<vmem>>[vector<16xi32>], vector<16xf32>, vector<16xi1>
    %convert_element_type3A_580 = arith.sitofp %unique3A_578 : vector<16xi32> to vector<16xf32>
    tpu.vector_store_idx %arg6[%add3A_570], %convert_element_type3A_580 masked %unique3A_577 {add = true} : memref<7696xf32, #tpu.memory_space<vmem>>[vector<16xi32>], vector<16xf32>, vector<16xi1>
    %get3A_581 = arith.constant 7536 : index
    %get3A_582 = tpu.vector_load %arg6[%get3A_581] {strides = array<i32>} : memref<7696xf32, #tpu.memory_space<vmem>>, vector<16xf32>,
    %bitcast3A_583 = vector.bitcast %get3A_582 : vector<16xf32> to vector<16xi32>
    %get3A_584 = arith.constant 7664 : index
    %get3A_585 = tpu.vector_load %arg6[%get3A_584] {strides = array<i32>} : memref<7696xf32, #tpu.memory_space<vmem>>, vector<16xf32>,
    %bitcast3A_586 = vector.bitcast %get3A_585 : vector<16xf32> to vector<16xi32>
    %mul3A_587 = arith.constant 16 : i32
    %mul3A_588 = vector.broadcast %mul3A_587 : i32 to vector<16xi32>
    %mul3A_589 = arith.muli %bitcast3A_583, %mul3A_588 : vector<16xi32>
    %add3A_590 = arith.addi %mul3A_589, %bitcast3A_586 : vector<16xi32>
    %add3A_591 = arith.constant 0 : i32
    %add3A_592 = vector.broadcast %add3A_591 : i32 to vector<16xi32>
    %add3A_593 = arith.addi %add3A_590, %add3A_592 : vector<16xi32>
    %get3A_594 = arith.constant 7552 : index
    %get3A_595 = tpu.vector_load %arg6[%get3A_594] {strides = array<i32>} : memref<7696xf32, #tpu.memory_space<vmem>>, vector<16xf32>,
    %bitcast3A_596 = vector.bitcast %get3A_595 : vector<16xf32> to vector<16xi32>
    %get3A_597 = arith.constant 7680 : index
    %get3A_598 = tpu.vector_load %arg6[%get3A_597] {strides = array<i32>} : memref<7696xf32, #tpu.memory_space<vmem>>, vector<16xf32>,
    %bitcast3A_599 = vector.bitcast %get3A_598 : vector<16xf32> to vector<16xi32>
    %mul3A_600 = arith.constant 16 : i32
    %mul3A_601 = vector.broadcast %mul3A_600 : i32 to vector<16xi32>
    %mul3A_602 = arith.muli %bitcast3A_596, %mul3A_601 : vector<16xi32>
    %add3A_603 = arith.addi %mul3A_602, %bitcast3A_599 : vector<16xi32>
    %add3A_604 = arith.constant 0 : i32
    %add3A_605 = vector.broadcast %add3A_604 : i32 to vector<16xi32>
    %add3A_606 = arith.addi %add3A_603, %add3A_605 : vector<16xi32>
    %broadcast_in_dim3A_607 = arith.constant true
    %broadcast_in_dim3A_608 = vector.broadcast %broadcast_in_dim3A_607 : i1 to vector<16xi1>
    %unique3A_609, %unique3A_610 = tpu.scan_count mask(%broadcast_in_dim3A_608 : vector<16xi1>) value(%add3A_593 : vector<16xi32>) : vector<16xi1>, vector<16xi32>
    %broadcast_in_dim3A_611 = arith.constant true
    %broadcast_in_dim3A_612 = vector.broadcast %broadcast_in_dim3A_611 : i1 to vector<16xi1>
    %unique3A_613, %unique3A_614 = tpu.scan_count mask(%broadcast_in_dim3A_612 : vector<16xi1>) value(%add3A_606 : vector<16xi32>) : vector<16xi1>, vector<16xi32>
    %convert_element_type3A_615 = arith.sitofp %unique3A_610 : vector<16xi32> to vector<16xf32>
    tpu.vector_store_idx %arg6[%add3A_593], %convert_element_type3A_615 masked %unique3A_609 {add = true} : memref<7696xf32, #tpu.memory_space<vmem>>[vector<16xi32>], vector<16xf32>, vector<16xi1>
    %convert_element_type3A_616 = arith.sitofp %unique3A_614 : vector<16xi32> to vector<16xf32>
    tpu.vector_store_idx %arg6[%add3A_606], %convert_element_type3A_616 masked %unique3A_613 {add = true} : memref<7696xf32, #tpu.memory_space<vmem>>[vector<16xi32>], vector<16xf32>, vector<16xi1>
    %mul3A_617 = arith.constant 256 : i32
    %mul3A_618 = arith.muli %arg1, %mul3A_617 : i32
    "tpu.region"() ({
      %run_scoped3A = tpu.sem_alloc : memref<!tpu.dma_semaphore, #tpu.memory_space<semaphore_mem>>
      %dma_start3A_624 = arith.constant 0 : i32
      %dma_start3A_625 = tpu.memref_slice %arg6[%dma_start3A_624] : memref<7696xf32, #tpu.memory_space<vmem>> -> memref<256xf32, #tpu.memory_space<vmem>>
      %dma_start3A_626 = tpu.memref_slice %arg7[%mul3A_618] : memref<4096xf32, #tpu.memory_space<vmem_shared>> -> memref<256xf32, #tpu.memory_space<vmem_shared>>
      %dma_start3A_627 = tpu.memref_slice %arg7[%mul3A_618] : memref<4096xf32, #tpu.memory_space<vmem_shared>> -> memref<256xf32, #tpu.memory_space<vmem_shared>>
      %dma_start3A_628 = arith.constant 0 : i32
      %dma_start3A_629 = tpu.memref_slice %arg6[%dma_start3A_628] : memref<7696xf32, #tpu.memory_space<vmem>> -> memref<256xf32, #tpu.memory_space<vmem>>
      tpu.enqueue_dma source(%dma_start3A_629 : memref<256xf32, #tpu.memory_space<vmem>>) target(%dma_start3A_627 : memref<256xf32, #tpu.memory_space<vmem_shared>>) target_semaphore(%run_scoped3A : memref<!tpu.dma_semaphore, #tpu.memory_space<semaphore_mem>>)
      %dma_wait3A_630 = arith.constant 0 : i32
      %dma_wait3A_631 = tpu.memref_slice %arg6[%dma_wait3A_630] : memref<7696xf32, #tpu.memory_space<vmem>> -> memref<256xf32, #tpu.memory_space<vmem>>
      %dma_wait3A_632 = tpu.memref_slice %arg7[%mul3A_618] : memref<4096xf32, #tpu.memory_space<vmem_shared>> -> memref<256xf32, #tpu.memory_space<vmem_shared>>
      %dma_wait3A_633 = tpu.memref_slice %arg7[%mul3A_618] : memref<4096xf32, #tpu.memory_space<vmem_shared>> -> memref<256xf32, #tpu.memory_space<vmem_shared>>
      %dma_wait3A_634 = arith.constant 0 : i32
      %dma_wait3A_635 = tpu.memref_slice %arg6[%dma_wait3A_634] : memref<7696xf32, #tpu.memory_space<vmem>> -> memref<256xf32, #tpu.memory_space<vmem>>
      tpu.wait_dma2 semaphore(%run_scoped3A : memref<!tpu.dma_semaphore, #tpu.memory_space<semaphore_mem>>) src(%dma_wait3A_635 : memref<256xf32, #tpu.memory_space<vmem>>) dst(%dma_wait3A_633 : memref<256xf32, #tpu.memory_space<vmem_shared>>)
      tpu.yield
    }) : () -> ()
    %barrier3A = arith.constant 0 : index
    tpu.barrier barrier_id(%barrier3A)
    %eq3A_619 = arith.constant 0 : i32
    %eq3A_620 = arith.cmpi eq, %arg1, %eq3A_619 : i32
    %convert_element_type3A_621 = arith.extui %eq3A_620 : i1 to i32
    %cond3A_622 = arith.constant 0 : i32
    %cond3A_623 = arith.cmpi ne, %convert_element_type3A_621, %cond3A_622 : i32
    scf.if %cond3A_623 {
      "tpu.region"() ({
        %run_scoped3A = tpu.sem_alloc : memref<!tpu.dma_semaphore, #tpu.memory_space<semaphore_mem>>
        %dma_start3A_1663 = arith.constant 256 : i32
        %dma_start3A_1664 = tpu.memref_slice %arg6[%dma_start3A_1663] : memref<7696xf32, #tpu.memory_space<vmem>> -> memref<4096xf32, #tpu.memory_space<vmem>>
        %dma_start3A_1665 = arith.constant 256 : i32
        %dma_start3A_1666 = tpu.memref_slice %arg6[%dma_start3A_1665] : memref<7696xf32, #tpu.memory_space<vmem>> -> memref<4096xf32, #tpu.memory_space<vmem>>
        tpu.enqueue_dma source(%arg7 : memref<4096xf32, #tpu.memory_space<vmem_shared>>) target(%dma_start3A_1666 : memref<4096xf32, #tpu.memory_space<vmem>>) target_semaphore(%run_scoped3A : memref<!tpu.dma_semaphore, #tpu.memory_space<semaphore_mem>>)
        %dma_wait3A_1667 = arith.constant 256 : i32
        %dma_wait3A_1668 = tpu.memref_slice %arg6[%dma_wait3A_1667] : memref<7696xf32, #tpu.memory_space<vmem>> -> memref<4096xf32, #tpu.memory_space<vmem>>
        %dma_wait3A_1669 = arith.constant 256 : i32
        %dma_wait3A_1670 = tpu.memref_slice %arg6[%dma_wait3A_1669] : memref<7696xf32, #tpu.memory_space<vmem>> -> memref<4096xf32, #tpu.memory_space<vmem>>
        tpu.wait_dma2 semaphore(%run_scoped3A : memref<!tpu.dma_semaphore, #tpu.memory_space<semaphore_mem>>) src(%arg7 : memref<4096xf32, #tpu.memory_space<vmem_shared>>) dst(%dma_wait3A_1670 : memref<4096xf32, #tpu.memory_space<vmem>>)
        tpu.yield
      }) : () -> ()
      %get3A_624 = arith.constant 256 : index
      %get3A_625 = tpu.vector_load %arg6[%get3A_624] {strides = array<i32>} : memref<7696xf32, #tpu.memory_space<vmem>>, vector<16xf32>,
      %get3A_626 = arith.constant 512 : index
      %get3A_627 = tpu.vector_load %arg6[%get3A_626] {strides = array<i32>} : memref<7696xf32, #tpu.memory_space<vmem>>, vector<16xf32>,
      %add3A_628 = arith.addf %get3A_625, %get3A_627 : vector<16xf32>
      %get3A_629 = arith.constant 768 : index
      %get3A_630 = tpu.vector_load %arg6[%get3A_629] {strides = array<i32>} : memref<7696xf32, #tpu.memory_space<vmem>>, vector<16xf32>,
      %add3A_631 = arith.addf %add3A_628, %get3A_630 : vector<16xf32>
      %get3A_632 = arith.constant 1024 : index
      %get3A_633 = tpu.vector_load %arg6[%get3A_632] {strides = array<i32>} : memref<7696xf32, #tpu.memory_space<vmem>>, vector<16xf32>,
      %add3A_634 = arith.addf %add3A_631, %get3A_633 : vector<16xf32>
      %get3A_635 = arith.constant 1280 : index
      %get3A_636 = tpu.vector_load %arg6[%get3A_635] {strides = array<i32>} : memref<7696xf32, #tpu.memory_space<vmem>>, vector<16xf32>,
      %add3A_637 = arith.addf %add3A_634, %get3A_636 : vector<16xf32>
      %get3A_638 = arith.constant 1536 : index
      %get3A_639 = tpu.vector_load %arg6[%get3A_638] {strides = array<i32>} : memref<7696xf32, #tpu.memory_space<vmem>>, vector<16xf32>,
      %add3A_640 = arith.addf %add3A_637, %get3A_639 : vector<16xf32>
      %get3A_641 = arith.constant 1792 : index
      %get3A_642 = tpu.vector_load %arg6[%get3A_641] {strides = array<i32>} : memref<7696xf32, #tpu.memory_space<vmem>>, vector<16xf32>,
      %add3A_643 = arith.addf %add3A_640, %get3A_642 : vector<16xf32>
      %get3A_644 = arith.constant 2048 : index
      %get3A_645 = tpu.vector_load %arg6[%get3A_644] {strides = array<i32>} : memref<7696xf32, #tpu.memory_space<vmem>>, vector<16xf32>,
      %add3A_646 = arith.addf %add3A_643, %get3A_645 : vector<16xf32>
      %get3A_647 = arith.constant 2304 : index
      %get3A_648 = tpu.vector_load %arg6[%get3A_647] {strides = array<i32>} : memref<7696xf32, #tpu.memory_space<vmem>>, vector<16xf32>,
      %add3A_649 = arith.addf %add3A_646, %get3A_648 : vector<16xf32>
      %get3A_650 = arith.constant 2560 : index
      %get3A_651 = tpu.vector_load %arg6[%get3A_650] {strides = array<i32>} : memref<7696xf32, #tpu.memory_space<vmem>>, vector<16xf32>,
      %add3A_652 = arith.addf %add3A_649, %get3A_651 : vector<16xf32>
      %get3A_653 = arith.constant 2816 : index
      %get3A_654 = tpu.vector_load %arg6[%get3A_653] {strides = array<i32>} : memref<7696xf32, #tpu.memory_space<vmem>>, vector<16xf32>,
      %add3A_655 = arith.addf %add3A_652, %get3A_654 : vector<16xf32>
      %get3A_656 = arith.constant 3072 : index
      %get3A_657 = tpu.vector_load %arg6[%get3A_656] {strides = array<i32>} : memref<7696xf32, #tpu.memory_space<vmem>>, vector<16xf32>,
      %add3A_658 = arith.addf %add3A_655, %get3A_657 : vector<16xf32>
      %get3A_659 = arith.constant 3328 : index
      %get3A_660 = tpu.vector_load %arg6[%get3A_659] {strides = array<i32>} : memref<7696xf32, #tpu.memory_space<vmem>>, vector<16xf32>,
      %add3A_661 = arith.addf %add3A_658, %get3A_660 : vector<16xf32>
      %get3A_662 = arith.constant 3584 : index
      %get3A_663 = tpu.vector_load %arg6[%get3A_662] {strides = array<i32>} : memref<7696xf32, #tpu.memory_space<vmem>>, vector<16xf32>,
      %add3A_664 = arith.addf %add3A_661, %get3A_663 : vector<16xf32>
      %get3A_665 = arith.constant 3840 : index
      %get3A_666 = tpu.vector_load %arg6[%get3A_665] {strides = array<i32>} : memref<7696xf32, #tpu.memory_space<vmem>>, vector<16xf32>,
      %add3A_667 = arith.addf %add3A_664, %get3A_666 : vector<16xf32>
      %get3A_668 = arith.constant 4096 : index
      %get3A_669 = tpu.vector_load %arg6[%get3A_668] {strides = array<i32>} : memref<7696xf32, #tpu.memory_space<vmem>>, vector<16xf32>,
      %add3A_670 = arith.addf %add3A_667, %get3A_669 : vector<16xf32>
      %swap3A_671 = arith.constant 4352 : index
      %swap3A_672 = tpu.vector_load %arg6[%swap3A_671] {strides = array<i32>} : memref<7696xf32, #tpu.memory_space<vmem>>, vector<16xf32>,
      tpu.vector_store %arg6[%swap3A_671], %add3A_670 {strides = array<i32>} : memref<7696xf32, #tpu.memory_space<vmem>>, vector<16xf32>,
      %add3A_673 = arith.addf %broadcast_in_dim3A_0, %add3A_670 : vector<16xf32>
      %get3A_674 = arith.constant 272 : index
      %get3A_675 = tpu.vector_load %arg6[%get3A_674] {strides = array<i32>} : memref<7696xf32, #tpu.memory_space<vmem>>, vector<16xf32>,
      %get3A_676 = arith.constant 528 : index
      %get3A_677 = tpu.vector_load %arg6[%get3A_676] {strides = array<i32>} : memref<7696xf32, #tpu.memory_space<vmem>>, vector<16xf32>,
      %add3A_678 = arith.addf %get3A_675, %get3A_677 : vector<16xf32>
      %get3A_679 = arith.constant 784 : index
      %get3A_680 = tpu.vector_load %arg6[%get3A_679] {strides = array<i32>} : memref<7696xf32, #tpu.memory_space<vmem>>, vector<16xf32>,
      %add3A_681 = arith.addf %add3A_678, %get3A_680 : vector<16xf32>
      %get3A_682 = arith.constant 1040 : index
      %get3A_683 = tpu.vector_load %arg6[%get3A_682] {strides = array<i32>} : memref<7696xf32, #tpu.memory_space<vmem>>, vector<16xf32>,
      %add3A_684 = arith.addf %add3A_681, %get3A_683 : vector<16xf32>
      %get3A_685 = arith.constant 1296 : index
      %get3A_686 = tpu.vector_load %arg6[%get3A_685] {strides = array<i32>} : memref<7696xf32, #tpu.memory_space<vmem>>, vector<16xf32>,
      %add3A_687 = arith.addf %add3A_684, %get3A_686 : vector<16xf32>
      %get3A_688 = arith.constant 1552 : index
      %get3A_689 = tpu.vector_load %arg6[%get3A_688] {strides = array<i32>} : memref<7696xf32, #tpu.memory_space<vmem>>, vector<16xf32>,
      %add3A_690 = arith.addf %add3A_687, %get3A_689 : vector<16xf32>
      %get3A_691 = arith.constant 1808 : index
      %get3A_692 = tpu.vector_load %arg6[%get3A_691] {strides = array<i32>} : memref<7696xf32, #tpu.memory_space<vmem>>, vector<16xf32>,
      %add3A_693 = arith.addf %add3A_690, %get3A_692 : vector<16xf32>
      %get3A_694 = arith.constant 2064 : index
      %get3A_695 = tpu.vector_load %arg6[%get3A_694] {strides = array<i32>} : memref<7696xf32, #tpu.memory_space<vmem>>, vector<16xf32>,
      %add3A_696 = arith.addf %add3A_693, %get3A_695 : vector<16xf32>
      %get3A_697 = arith.constant 2320 : index
      %get3A_698 = tpu.vector_load %arg6[%get3A_697] {strides = array<i32>} : memref<7696xf32, #tpu.memory_space<vmem>>, vector<16xf32>,
      %add3A_699 = arith.addf %add3A_696, %get3A_698 : vector<16xf32>
      %get3A_700 = arith.constant 2576 : index
      %get3A_701 = tpu.vector_load %arg6[%get3A_700] {strides = array<i32>} : memref<7696xf32, #tpu.memory_space<vmem>>, vector<16xf32>,
      %add3A_702 = arith.addf %add3A_699, %get3A_701 : vector<16xf32>
      %get3A_703 = arith.constant 2832 : index
      %get3A_704 = tpu.vector_load %arg6[%get3A_703] {strides = array<i32>} : memref<7696xf32, #tpu.memory_space<vmem>>, vector<16xf32>,
      %add3A_705 = arith.addf %add3A_702, %get3A_704 : vector<16xf32>
      %get3A_706 = arith.constant 3088 : index
      %get3A_707 = tpu.vector_load %arg6[%get3A_706] {strides = array<i32>} : memref<7696xf32, #tpu.memory_space<vmem>>, vector<16xf32>,
      %add3A_708 = arith.addf %add3A_705, %get3A_707 : vector<16xf32>
      %get3A_709 = arith.constant 3344 : index
      %get3A_710 = tpu.vector_load %arg6[%get3A_709] {strides = array<i32>} : memref<7696xf32, #tpu.memory_space<vmem>>, vector<16xf32>,
      %add3A_711 = arith.addf %add3A_708, %get3A_710 : vector<16xf32>
      %get3A_712 = arith.constant 3600 : index
      %get3A_713 = tpu.vector_load %arg6[%get3A_712] {strides = array<i32>} : memref<7696xf32, #tpu.memory_space<vmem>>, vector<16xf32>,
      %add3A_714 = arith.addf %add3A_711, %get3A_713 : vector<16xf32>
      %get3A_715 = arith.constant 3856 : index
      %get3A_716 = tpu.vector_load %arg6[%get3A_715] {strides = array<i32>} : memref<7696xf32, #tpu.memory_space<vmem>>, vector<16xf32>,
      %add3A_717 = arith.addf %add3A_714, %get3A_716 : vector<16xf32>
      %get3A_718 = arith.constant 4112 : index
      %get3A_719 = tpu.vector_load %arg6[%get3A_718] {strides = array<i32>} : memref<7696xf32, #tpu.memory_space<vmem>>, vector<16xf32>,
      %add3A_720 = arith.addf %add3A_717, %get3A_719 : vector<16xf32>
      %swap3A_721 = arith.constant 4368 : index
      %swap3A_722 = tpu.vector_load %arg6[%swap3A_721] {strides = array<i32>} : memref<7696xf32, #tpu.memory_space<vmem>>, vector<16xf32>,
      tpu.vector_store %arg6[%swap3A_721], %add3A_720 {strides = array<i32>} : memref<7696xf32, #tpu.memory_space<vmem>>, vector<16xf32>,
      %add3A_723 = arith.addf %add3A_673, %add3A_720 : vector<16xf32>
      %get3A_724 = arith.constant 288 : index
      %get3A_725 = tpu.vector_load %arg6[%get3A_724] {strides = array<i32>} : memref<7696xf32, #tpu.memory_space<vmem>>, vector<16xf32>,
      %get3A_726 = arith.constant 544 : index
      %get3A_727 = tpu.vector_load %arg6[%get3A_726] {strides = array<i32>} : memref<7696xf32, #tpu.memory_space<vmem>>, vector<16xf32>,
      %add3A_728 = arith.addf %get3A_725, %get3A_727 : vector<16xf32>
      %get3A_729 = arith.constant 800 : index
      %get3A_730 = tpu.vector_load %arg6[%get3A_729] {strides = array<i32>} : memref<7696xf32, #tpu.memory_space<vmem>>, vector<16xf32>,
      %add3A_731 = arith.addf %add3A_728, %get3A_730 : vector<16xf32>
      %get3A_732 = arith.constant 1056 : index
      %get3A_733 = tpu.vector_load %arg6[%get3A_732] {strides = array<i32>} : memref<7696xf32, #tpu.memory_space<vmem>>, vector<16xf32>,
      %add3A_734 = arith.addf %add3A_731, %get3A_733 : vector<16xf32>
      %get3A_735 = arith.constant 1312 : index
      %get3A_736 = tpu.vector_load %arg6[%get3A_735] {strides = array<i32>} : memref<7696xf32, #tpu.memory_space<vmem>>, vector<16xf32>,
      %add3A_737 = arith.addf %add3A_734, %get3A_736 : vector<16xf32>
      %get3A_738 = arith.constant 1568 : index
      %get3A_739 = tpu.vector_load %arg6[%get3A_738] {strides = array<i32>} : memref<7696xf32, #tpu.memory_space<vmem>>, vector<16xf32>,
      %add3A_740 = arith.addf %add3A_737, %get3A_739 : vector<16xf32>
      %get3A_741 = arith.constant 1824 : index
      %get3A_742 = tpu.vector_load %arg6[%get3A_741] {strides = array<i32>} : memref<7696xf32, #tpu.memory_space<vmem>>, vector<16xf32>,
      %add3A_743 = arith.addf %add3A_740, %get3A_742 : vector<16xf32>
      %get3A_744 = arith.constant 2080 : index
      %get3A_745 = tpu.vector_load %arg6[%get3A_744] {strides = array<i32>} : memref<7696xf32, #tpu.memory_space<vmem>>, vector<16xf32>,
      %add3A_746 = arith.addf %add3A_743, %get3A_745 : vector<16xf32>
      %get3A_747 = arith.constant 2336 : index
      %get3A_748 = tpu.vector_load %arg6[%get3A_747] {strides = array<i32>} : memref<7696xf32, #tpu.memory_space<vmem>>, vector<16xf32>,
      %add3A_749 = arith.addf %add3A_746, %get3A_748 : vector<16xf32>
      %get3A_750 = arith.constant 2592 : index
      %get3A_751 = tpu.vector_load %arg6[%get3A_750] {strides = array<i32>} : memref<7696xf32, #tpu.memory_space<vmem>>, vector<16xf32>,
      %add3A_752 = arith.addf %add3A_749, %get3A_751 : vector<16xf32>
      %get3A_753 = arith.constant 2848 : index
      %get3A_754 = tpu.vector_load %arg6[%get3A_753] {strides = array<i32>} : memref<7696xf32, #tpu.memory_space<vmem>>, vector<16xf32>,
      %add3A_755 = arith.addf %add3A_752, %get3A_754 : vector<16xf32>
      %get3A_756 = arith.constant 3104 : index
      %get3A_757 = tpu.vector_load %arg6[%get3A_756] {strides = array<i32>} : memref<7696xf32, #tpu.memory_space<vmem>>, vector<16xf32>,
      %add3A_758 = arith.addf %add3A_755, %get3A_757 : vector<16xf32>
      %get3A_759 = arith.constant 3360 : index
      %get3A_760 = tpu.vector_load %arg6[%get3A_759] {strides = array<i32>} : memref<7696xf32, #tpu.memory_space<vmem>>, vector<16xf32>,
      %add3A_761 = arith.addf %add3A_758, %get3A_760 : vector<16xf32>
      %get3A_762 = arith.constant 3616 : index
      %get3A_763 = tpu.vector_load %arg6[%get3A_762] {strides = array<i32>} : memref<7696xf32, #tpu.memory_space<vmem>>, vector<16xf32>,
      %add3A_764 = arith.addf %add3A_761, %get3A_763 : vector<16xf32>
      %get3A_765 = arith.constant 3872 : index
      %get3A_766 = tpu.vector_load %arg6[%get3A_765] {strides = array<i32>} : memref<7696xf32, #tpu.memory_space<vmem>>, vector<16xf32>,
      %add3A_767 = arith.addf %add3A_764, %get3A_766 : vector<16xf32>
      %get3A_768 = arith.constant 4128 : index
      %get3A_769 = tpu.vector_load %arg6[%get3A_768] {strides = array<i32>} : memref<7696xf32, #tpu.memory_space<vmem>>, vector<16xf32>,
      %add3A_770 = arith.addf %add3A_767, %get3A_769 : vector<16xf32>
      %swap3A_771 = arith.constant 4384 : index
      %swap3A_772 = tpu.vector_load %arg6[%swap3A_771] {strides = array<i32>} : memref<7696xf32, #tpu.memory_space<vmem>>, vector<16xf32>,
      tpu.vector_store %arg6[%swap3A_771], %add3A_770 {strides = array<i32>} : memref<7696xf32, #tpu.memory_space<vmem>>, vector<16xf32>,
      %add3A_773 = arith.addf %add3A_723, %add3A_770 : vector<16xf32>
      %get3A_774 = arith.constant 304 : index
      %get3A_775 = tpu.vector_load %arg6[%get3A_774] {strides = array<i32>} : memref<7696xf32, #tpu.memory_space<vmem>>, vector<16xf32>,
      %get3A_776 = arith.constant 560 : index
      %get3A_777 = tpu.vector_load %arg6[%get3A_776] {strides = array<i32>} : memref<7696xf32, #tpu.memory_space<vmem>>, vector<16xf32>,
      %add3A_778 = arith.addf %get3A_775, %get3A_777 : vector<16xf32>
      %get3A_779 = arith.constant 816 : index
      %get3A_780 = tpu.vector_load %arg6[%get3A_779] {strides = array<i32>} : memref<7696xf32, #tpu.memory_space<vmem>>, vector<16xf32>,
      %add3A_781 = arith.addf %add3A_778, %get3A_780 : vector<16xf32>
      %get3A_782 = arith.constant 1072 : index
      %get3A_783 = tpu.vector_load %arg6[%get3A_782] {strides = array<i32>} : memref<7696xf32, #tpu.memory_space<vmem>>, vector<16xf32>,
      %add3A_784 = arith.addf %add3A_781, %get3A_783 : vector<16xf32>
      %get3A_785 = arith.constant 1328 : index
      %get3A_786 = tpu.vector_load %arg6[%get3A_785] {strides = array<i32>} : memref<7696xf32, #tpu.memory_space<vmem>>, vector<16xf32>,
      %add3A_787 = arith.addf %add3A_784, %get3A_786 : vector<16xf32>
      %get3A_788 = arith.constant 1584 : index
      %get3A_789 = tpu.vector_load %arg6[%get3A_788] {strides = array<i32>} : memref<7696xf32, #tpu.memory_space<vmem>>, vector<16xf32>,
      %add3A_790 = arith.addf %add3A_787, %get3A_789 : vector<16xf32>
      %get3A_791 = arith.constant 1840 : index
      %get3A_792 = tpu.vector_load %arg6[%get3A_791] {strides = array<i32>} : memref<7696xf32, #tpu.memory_space<vmem>>, vector<16xf32>,
      %add3A_793 = arith.addf %add3A_790, %get3A_792 : vector<16xf32>
      %get3A_794 = arith.constant 2096 : index
      %get3A_795 = tpu.vector_load %arg6[%get3A_794] {strides = array<i32>} : memref<7696xf32, #tpu.memory_space<vmem>>, vector<16xf32>,
      %add3A_796 = arith.addf %add3A_793, %get3A_795 : vector<16xf32>
      %get3A_797 = arith.constant 2352 : index
      %get3A_798 = tpu.vector_load %arg6[%get3A_797] {strides = array<i32>} : memref<7696xf32, #tpu.memory_space<vmem>>, vector<16xf32>,
      %add3A_799 = arith.addf %add3A_796, %get3A_798 : vector<16xf32>
      %get3A_800 = arith.constant 2608 : index
      %get3A_801 = tpu.vector_load %arg6[%get3A_800] {strides = array<i32>} : memref<7696xf32, #tpu.memory_space<vmem>>, vector<16xf32>,
      %add3A_802 = arith.addf %add3A_799, %get3A_801 : vector<16xf32>
      %get3A_803 = arith.constant 2864 : index
      %get3A_804 = tpu.vector_load %arg6[%get3A_803] {strides = array<i32>} : memref<7696xf32, #tpu.memory_space<vmem>>, vector<16xf32>,
      %add3A_805 = arith.addf %add3A_802, %get3A_804 : vector<16xf32>
      %get3A_806 = arith.constant 3120 : index
      %get3A_807 = tpu.vector_load %arg6[%get3A_806] {strides = array<i32>} : memref<7696xf32, #tpu.memory_space<vmem>>, vector<16xf32>,
      %add3A_808 = arith.addf %add3A_805, %get3A_807 : vector<16xf32>
      %get3A_809 = arith.constant 3376 : index
      %get3A_810 = tpu.vector_load %arg6[%get3A_809] {strides = array<i32>} : memref<7696xf32, #tpu.memory_space<vmem>>, vector<16xf32>,
      %add3A_811 = arith.addf %add3A_808, %get3A_810 : vector<16xf32>
      %get3A_812 = arith.constant 3632 : index
      %get3A_813 = tpu.vector_load %arg6[%get3A_812] {strides = array<i32>} : memref<7696xf32, #tpu.memory_space<vmem>>, vector<16xf32>,
      %add3A_814 = arith.addf %add3A_811, %get3A_813 : vector<16xf32>
      %get3A_815 = arith.constant 3888 : index
      %get3A_816 = tpu.vector_load %arg6[%get3A_815] {strides = array<i32>} : memref<7696xf32, #tpu.memory_space<vmem>>, vector<16xf32>,
      %add3A_817 = arith.addf %add3A_814, %get3A_816 : vector<16xf32>
      %get3A_818 = arith.constant 4144 : index
      %get3A_819 = tpu.vector_load %arg6[%get3A_818] {strides = array<i32>} : memref<7696xf32, #tpu.memory_space<vmem>>, vector<16xf32>,
      %add3A_820 = arith.addf %add3A_817, %get3A_819 : vector<16xf32>
      %swap3A_821 = arith.constant 4400 : index
      %swap3A_822 = tpu.vector_load %arg6[%swap3A_821] {strides = array<i32>} : memref<7696xf32, #tpu.memory_space<vmem>>, vector<16xf32>,
      tpu.vector_store %arg6[%swap3A_821], %add3A_820 {strides = array<i32>} : memref<7696xf32, #tpu.memory_space<vmem>>, vector<16xf32>,
      %add3A_823 = arith.addf %add3A_773, %add3A_820 : vector<16xf32>
      %get3A_824 = arith.constant 320 : index
      %get3A_825 = tpu.vector_load %arg6[%get3A_824] {strides = array<i32>} : memref<7696xf32, #tpu.memory_space<vmem>>, vector<16xf32>,
      %get3A_826 = arith.constant 576 : index
      %get3A_827 = tpu.vector_load %arg6[%get3A_826] {strides = array<i32>} : memref<7696xf32, #tpu.memory_space<vmem>>, vector<16xf32>,
      %add3A_828 = arith.addf %get3A_825, %get3A_827 : vector<16xf32>
      %get3A_829 = arith.constant 832 : index
      %get3A_830 = tpu.vector_load %arg6[%get3A_829] {strides = array<i32>} : memref<7696xf32, #tpu.memory_space<vmem>>, vector<16xf32>,
      %add3A_831 = arith.addf %add3A_828, %get3A_830 : vector<16xf32>
      %get3A_832 = arith.constant 1088 : index
      %get3A_833 = tpu.vector_load %arg6[%get3A_832] {strides = array<i32>} : memref<7696xf32, #tpu.memory_space<vmem>>, vector<16xf32>,
      %add3A_834 = arith.addf %add3A_831, %get3A_833 : vector<16xf32>
      %get3A_835 = arith.constant 1344 : index
      %get3A_836 = tpu.vector_load %arg6[%get3A_835] {strides = array<i32>} : memref<7696xf32, #tpu.memory_space<vmem>>, vector<16xf32>,
      %add3A_837 = arith.addf %add3A_834, %get3A_836 : vector<16xf32>
      %get3A_838 = arith.constant 1600 : index
      %get3A_839 = tpu.vector_load %arg6[%get3A_838] {strides = array<i32>} : memref<7696xf32, #tpu.memory_space<vmem>>, vector<16xf32>,
      %add3A_840 = arith.addf %add3A_837, %get3A_839 : vector<16xf32>
      %get3A_841 = arith.constant 1856 : index
      %get3A_842 = tpu.vector_load %arg6[%get3A_841] {strides = array<i32>} : memref<7696xf32, #tpu.memory_space<vmem>>, vector<16xf32>,
      %add3A_843 = arith.addf %add3A_840, %get3A_842 : vector<16xf32>
      %get3A_844 = arith.constant 2112 : index
      %get3A_845 = tpu.vector_load %arg6[%get3A_844] {strides = array<i32>} : memref<7696xf32, #tpu.memory_space<vmem>>, vector<16xf32>,
      %add3A_846 = arith.addf %add3A_843, %get3A_845 : vector<16xf32>
      %get3A_847 = arith.constant 2368 : index
      %get3A_848 = tpu.vector_load %arg6[%get3A_847] {strides = array<i32>} : memref<7696xf32, #tpu.memory_space<vmem>>, vector<16xf32>,
      %add3A_849 = arith.addf %add3A_846, %get3A_848 : vector<16xf32>
      %get3A_850 = arith.constant 2624 : index
      %get3A_851 = tpu.vector_load %arg6[%get3A_850] {strides = array<i32>} : memref<7696xf32, #tpu.memory_space<vmem>>, vector<16xf32>,
      %add3A_852 = arith.addf %add3A_849, %get3A_851 : vector<16xf32>
      %get3A_853 = arith.constant 2880 : index
      %get3A_854 = tpu.vector_load %arg6[%get3A_853] {strides = array<i32>} : memref<7696xf32, #tpu.memory_space<vmem>>, vector<16xf32>,
      %add3A_855 = arith.addf %add3A_852, %get3A_854 : vector<16xf32>
      %get3A_856 = arith.constant 3136 : index
      %get3A_857 = tpu.vector_load %arg6[%get3A_856] {strides = array<i32>} : memref<7696xf32, #tpu.memory_space<vmem>>, vector<16xf32>,
      %add3A_858 = arith.addf %add3A_855, %get3A_857 : vector<16xf32>
      %get3A_859 = arith.constant 3392 : index
      %get3A_860 = tpu.vector_load %arg6[%get3A_859] {strides = array<i32>} : memref<7696xf32, #tpu.memory_space<vmem>>, vector<16xf32>,
      %add3A_861 = arith.addf %add3A_858, %get3A_860 : vector<16xf32>
      %get3A_862 = arith.constant 3648 : index
      %get3A_863 = tpu.vector_load %arg6[%get3A_862] {strides = array<i32>} : memref<7696xf32, #tpu.memory_space<vmem>>, vector<16xf32>,
      %add3A_864 = arith.addf %add3A_861, %get3A_863 : vector<16xf32>
      %get3A_865 = arith.constant 3904 : index
      %get3A_866 = tpu.vector_load %arg6[%get3A_865] {strides = array<i32>} : memref<7696xf32, #tpu.memory_space<vmem>>, vector<16xf32>,
      %add3A_867 = arith.addf %add3A_864, %get3A_866 : vector<16xf32>
      %get3A_868 = arith.constant 4160 : index
      %get3A_869 = tpu.vector_load %arg6[%get3A_868] {strides = array<i32>} : memref<7696xf32, #tpu.memory_space<vmem>>, vector<16xf32>,
      %add3A_870 = arith.addf %add3A_867, %get3A_869 : vector<16xf32>
      %swap3A_871 = arith.constant 4416 : index
      %swap3A_872 = tpu.vector_load %arg6[%swap3A_871] {strides = array<i32>} : memref<7696xf32, #tpu.memory_space<vmem>>, vector<16xf32>,
      tpu.vector_store %arg6[%swap3A_871], %add3A_870 {strides = array<i32>} : memref<7696xf32, #tpu.memory_space<vmem>>, vector<16xf32>,
      %add3A_873 = arith.addf %add3A_823, %add3A_870 : vector<16xf32>
      %get3A_874 = arith.constant 336 : index
      %get3A_875 = tpu.vector_load %arg6[%get3A_874] {strides = array<i32>} : memref<7696xf32, #tpu.memory_space<vmem>>, vector<16xf32>,
      %get3A_876 = arith.constant 592 : index
      %get3A_877 = tpu.vector_load %arg6[%get3A_876] {strides = array<i32>} : memref<7696xf32, #tpu.memory_space<vmem>>, vector<16xf32>,
      %add3A_878 = arith.addf %get3A_875, %get3A_877 : vector<16xf32>
      %get3A_879 = arith.constant 848 : index
      %get3A_880 = tpu.vector_load %arg6[%get3A_879] {strides = array<i32>} : memref<7696xf32, #tpu.memory_space<vmem>>, vector<16xf32>,
      %add3A_881 = arith.addf %add3A_878, %get3A_880 : vector<16xf32>
      %get3A_882 = arith.constant 1104 : index
      %get3A_883 = tpu.vector_load %arg6[%get3A_882] {strides = array<i32>} : memref<7696xf32, #tpu.memory_space<vmem>>, vector<16xf32>,
      %add3A_884 = arith.addf %add3A_881, %get3A_883 : vector<16xf32>
      %get3A_885 = arith.constant 1360 : index
      %get3A_886 = tpu.vector_load %arg6[%get3A_885] {strides = array<i32>} : memref<7696xf32, #tpu.memory_space<vmem>>, vector<16xf32>,
      %add3A_887 = arith.addf %add3A_884, %get3A_886 : vector<16xf32>
      %get3A_888 = arith.constant 1616 : index
      %get3A_889 = tpu.vector_load %arg6[%get3A_888] {strides = array<i32>} : memref<7696xf32, #tpu.memory_space<vmem>>, vector<16xf32>,
      %add3A_890 = arith.addf %add3A_887, %get3A_889 : vector<16xf32>
      %get3A_891 = arith.constant 1872 : index
      %get3A_892 = tpu.vector_load %arg6[%get3A_891] {strides = array<i32>} : memref<7696xf32, #tpu.memory_space<vmem>>, vector<16xf32>,
      %add3A_893 = arith.addf %add3A_890, %get3A_892 : vector<16xf32>
      %get3A_894 = arith.constant 2128 : index
      %get3A_895 = tpu.vector_load %arg6[%get3A_894] {strides = array<i32>} : memref<7696xf32, #tpu.memory_space<vmem>>, vector<16xf32>,
      %add3A_896 = arith.addf %add3A_893, %get3A_895 : vector<16xf32>
      %get3A_897 = arith.constant 2384 : index
      %get3A_898 = tpu.vector_load %arg6[%get3A_897] {strides = array<i32>} : memref<7696xf32, #tpu.memory_space<vmem>>, vector<16xf32>,
      %add3A_899 = arith.addf %add3A_896, %get3A_898 : vector<16xf32>
      %get3A_900 = arith.constant 2640 : index
      %get3A_901 = tpu.vector_load %arg6[%get3A_900] {strides = array<i32>} : memref<7696xf32, #tpu.memory_space<vmem>>, vector<16xf32>,
      %add3A_902 = arith.addf %add3A_899, %get3A_901 : vector<16xf32>
      %get3A_903 = arith.constant 2896 : index
      %get3A_904 = tpu.vector_load %arg6[%get3A_903] {strides = array<i32>} : memref<7696xf32, #tpu.memory_space<vmem>>, vector<16xf32>,
      %add3A_905 = arith.addf %add3A_902, %get3A_904 : vector<16xf32>
      %get3A_906 = arith.constant 3152 : index
      %get3A_907 = tpu.vector_load %arg6[%get3A_906] {strides = array<i32>} : memref<7696xf32, #tpu.memory_space<vmem>>, vector<16xf32>,
      %add3A_908 = arith.addf %add3A_905, %get3A_907 : vector<16xf32>
      %get3A_909 = arith.constant 3408 : index
      %get3A_910 = tpu.vector_load %arg6[%get3A_909] {strides = array<i32>} : memref<7696xf32, #tpu.memory_space<vmem>>, vector<16xf32>,
      %add3A_911 = arith.addf %add3A_908, %get3A_910 : vector<16xf32>
      %get3A_912 = arith.constant 3664 : index
      %get3A_913 = tpu.vector_load %arg6[%get3A_912] {strides = array<i32>} : memref<7696xf32, #tpu.memory_space<vmem>>, vector<16xf32>,
      %add3A_914 = arith.addf %add3A_911, %get3A_913 : vector<16xf32>
      %get3A_915 = arith.constant 3920 : index
      %get3A_916 = tpu.vector_load %arg6[%get3A_915] {strides = array<i32>} : memref<7696xf32, #tpu.memory_space<vmem>>, vector<16xf32>,
      %add3A_917 = arith.addf %add3A_914, %get3A_916 : vector<16xf32>
      %get3A_918 = arith.constant 4176 : index
      %get3A_919 = tpu.vector_load %arg6[%get3A_918] {strides = array<i32>} : memref<7696xf32, #tpu.memory_space<vmem>>, vector<16xf32>,
      %add3A_920 = arith.addf %add3A_917, %get3A_919 : vector<16xf32>
      %swap3A_921 = arith.constant 4432 : index
      %swap3A_922 = tpu.vector_load %arg6[%swap3A_921] {strides = array<i32>} : memref<7696xf32, #tpu.memory_space<vmem>>, vector<16xf32>,
      tpu.vector_store %arg6[%swap3A_921], %add3A_920 {strides = array<i32>} : memref<7696xf32, #tpu.memory_space<vmem>>, vector<16xf32>,
      %add3A_923 = arith.addf %add3A_873, %add3A_920 : vector<16xf32>
      %get3A_924 = arith.constant 352 : index
      %get3A_925 = tpu.vector_load %arg6[%get3A_924] {strides = array<i32>} : memref<7696xf32, #tpu.memory_space<vmem>>, vector<16xf32>,
      %get3A_926 = arith.constant 608 : index
      %get3A_927 = tpu.vector_load %arg6[%get3A_926] {strides = array<i32>} : memref<7696xf32, #tpu.memory_space<vmem>>, vector<16xf32>,
      %add3A_928 = arith.addf %get3A_925, %get3A_927 : vector<16xf32>
      %get3A_929 = arith.constant 864 : index
      %get3A_930 = tpu.vector_load %arg6[%get3A_929] {strides = array<i32>} : memref<7696xf32, #tpu.memory_space<vmem>>, vector<16xf32>,
      %add3A_931 = arith.addf %add3A_928, %get3A_930 : vector<16xf32>
      %get3A_932 = arith.constant 1120 : index
      %get3A_933 = tpu.vector_load %arg6[%get3A_932] {strides = array<i32>} : memref<7696xf32, #tpu.memory_space<vmem>>, vector<16xf32>,
      %add3A_934 = arith.addf %add3A_931, %get3A_933 : vector<16xf32>
      %get3A_935 = arith.constant 1376 : index
      %get3A_936 = tpu.vector_load %arg6[%get3A_935] {strides = array<i32>} : memref<7696xf32, #tpu.memory_space<vmem>>, vector<16xf32>,
      %add3A_937 = arith.addf %add3A_934, %get3A_936 : vector<16xf32>
      %get3A_938 = arith.constant 1632 : index
      %get3A_939 = tpu.vector_load %arg6[%get3A_938] {strides = array<i32>} : memref<7696xf32, #tpu.memory_space<vmem>>, vector<16xf32>,
      %add3A_940 = arith.addf %add3A_937, %get3A_939 : vector<16xf32>
      %get3A_941 = arith.constant 1888 : index
      %get3A_942 = tpu.vector_load %arg6[%get3A_941] {strides = array<i32>} : memref<7696xf32, #tpu.memory_space<vmem>>, vector<16xf32>,
      %add3A_943 = arith.addf %add3A_940, %get3A_942 : vector<16xf32>
      %get3A_944 = arith.constant 2144 : index
      %get3A_945 = tpu.vector_load %arg6[%get3A_944] {strides = array<i32>} : memref<7696xf32, #tpu.memory_space<vmem>>, vector<16xf32>,
      %add3A_946 = arith.addf %add3A_943, %get3A_945 : vector<16xf32>
      %get3A_947 = arith.constant 2400 : index
      %get3A_948 = tpu.vector_load %arg6[%get3A_947] {strides = array<i32>} : memref<7696xf32, #tpu.memory_space<vmem>>, vector<16xf32>,
      %add3A_949 = arith.addf %add3A_946, %get3A_948 : vector<16xf32>
      %get3A_950 = arith.constant 2656 : index
      %get3A_951 = tpu.vector_load %arg6[%get3A_950] {strides = array<i32>} : memref<7696xf32, #tpu.memory_space<vmem>>, vector<16xf32>,
      %add3A_952 = arith.addf %add3A_949, %get3A_951 : vector<16xf32>
      %get3A_953 = arith.constant 2912 : index
      %get3A_954 = tpu.vector_load %arg6[%get3A_953] {strides = array<i32>} : memref<7696xf32, #tpu.memory_space<vmem>>, vector<16xf32>,
      %add3A_955 = arith.addf %add3A_952, %get3A_954 : vector<16xf32>
      %get3A_956 = arith.constant 3168 : index
      %get3A_957 = tpu.vector_load %arg6[%get3A_956] {strides = array<i32>} : memref<7696xf32, #tpu.memory_space<vmem>>, vector<16xf32>,
      %add3A_958 = arith.addf %add3A_955, %get3A_957 : vector<16xf32>
      %get3A_959 = arith.constant 3424 : index
      %get3A_960 = tpu.vector_load %arg6[%get3A_959] {strides = array<i32>} : memref<7696xf32, #tpu.memory_space<vmem>>, vector<16xf32>,
      %add3A_961 = arith.addf %add3A_958, %get3A_960 : vector<16xf32>
      %get3A_962 = arith.constant 3680 : index
      %get3A_963 = tpu.vector_load %arg6[%get3A_962] {strides = array<i32>} : memref<7696xf32, #tpu.memory_space<vmem>>, vector<16xf32>,
      %add3A_964 = arith.addf %add3A_961, %get3A_963 : vector<16xf32>
      %get3A_965 = arith.constant 3936 : index
      %get3A_966 = tpu.vector_load %arg6[%get3A_965] {strides = array<i32>} : memref<7696xf32, #tpu.memory_space<vmem>>, vector<16xf32>,
      %add3A_967 = arith.addf %add3A_964, %get3A_966 : vector<16xf32>
      %get3A_968 = arith.constant 4192 : index
      %get3A_969 = tpu.vector_load %arg6[%get3A_968] {strides = array<i32>} : memref<7696xf32, #tpu.memory_space<vmem>>, vector<16xf32>,
      %add3A_970 = arith.addf %add3A_967, %get3A_969 : vector<16xf32>
      %swap3A_971 = arith.constant 4448 : index
      %swap3A_972 = tpu.vector_load %arg6[%swap3A_971] {strides = array<i32>} : memref<7696xf32, #tpu.memory_space<vmem>>, vector<16xf32>,
      tpu.vector_store %arg6[%swap3A_971], %add3A_970 {strides = array<i32>} : memref<7696xf32, #tpu.memory_space<vmem>>, vector<16xf32>,
      %add3A_973 = arith.addf %add3A_923, %add3A_970 : vector<16xf32>
      %get3A_974 = arith.constant 368 : index
      %get3A_975 = tpu.vector_load %arg6[%get3A_974] {strides = array<i32>} : memref<7696xf32, #tpu.memory_space<vmem>>, vector<16xf32>,
      %get3A_976 = arith.constant 624 : index
      %get3A_977 = tpu.vector_load %arg6[%get3A_976] {strides = array<i32>} : memref<7696xf32, #tpu.memory_space<vmem>>, vector<16xf32>,
      %add3A_978 = arith.addf %get3A_975, %get3A_977 : vector<16xf32>
      %get3A_979 = arith.constant 880 : index
      %get3A_980 = tpu.vector_load %arg6[%get3A_979] {strides = array<i32>} : memref<7696xf32, #tpu.memory_space<vmem>>, vector<16xf32>,
      %add3A_981 = arith.addf %add3A_978, %get3A_980 : vector<16xf32>
      %get3A_982 = arith.constant 1136 : index
      %get3A_983 = tpu.vector_load %arg6[%get3A_982] {strides = array<i32>} : memref<7696xf32, #tpu.memory_space<vmem>>, vector<16xf32>,
      %add3A_984 = arith.addf %add3A_981, %get3A_983 : vector<16xf32>
      %get3A_985 = arith.constant 1392 : index
      %get3A_986 = tpu.vector_load %arg6[%get3A_985] {strides = array<i32>} : memref<7696xf32, #tpu.memory_space<vmem>>, vector<16xf32>,
      %add3A_987 = arith.addf %add3A_984, %get3A_986 : vector<16xf32>
      %get3A_988 = arith.constant 1648 : index
      %get3A_989 = tpu.vector_load %arg6[%get3A_988] {strides = array<i32>} : memref<7696xf32, #tpu.memory_space<vmem>>, vector<16xf32>,
      %add3A_990 = arith.addf %add3A_987, %get3A_989 : vector<16xf32>
      %get3A_991 = arith.constant 1904 : index
      %get3A_992 = tpu.vector_load %arg6[%get3A_991] {strides = array<i32>} : memref<7696xf32, #tpu.memory_space<vmem>>, vector<16xf32>,
      %add3A_993 = arith.addf %add3A_990, %get3A_992 : vector<16xf32>
      %get3A_994 = arith.constant 2160 : index
      %get3A_995 = tpu.vector_load %arg6[%get3A_994] {strides = array<i32>} : memref<7696xf32, #tpu.memory_space<vmem>>, vector<16xf32>,
      %add3A_996 = arith.addf %add3A_993, %get3A_995 : vector<16xf32>
      %get3A_997 = arith.constant 2416 : index
      %get3A_998 = tpu.vector_load %arg6[%get3A_997] {strides = array<i32>} : memref<7696xf32, #tpu.memory_space<vmem>>, vector<16xf32>,
      %add3A_999 = arith.addf %add3A_996, %get3A_998 : vector<16xf32>
      %get3A_1000 = arith.constant 2672 : index
      %get3A_1001 = tpu.vector_load %arg6[%get3A_1000] {strides = array<i32>} : memref<7696xf32, #tpu.memory_space<vmem>>, vector<16xf32>,
      %add3A_1002 = arith.addf %add3A_999, %get3A_1001 : vector<16xf32>
      %get3A_1003 = arith.constant 2928 : index
      %get3A_1004 = tpu.vector_load %arg6[%get3A_1003] {strides = array<i32>} : memref<7696xf32, #tpu.memory_space<vmem>>, vector<16xf32>,
      %add3A_1005 = arith.addf %add3A_1002, %get3A_1004 : vector<16xf32>
      %get3A_1006 = arith.constant 3184 : index
      %get3A_1007 = tpu.vector_load %arg6[%get3A_1006] {strides = array<i32>} : memref<7696xf32, #tpu.memory_space<vmem>>, vector<16xf32>,
      %add3A_1008 = arith.addf %add3A_1005, %get3A_1007 : vector<16xf32>
      %get3A_1009 = arith.constant 3440 : index
      %get3A_1010 = tpu.vector_load %arg6[%get3A_1009] {strides = array<i32>} : memref<7696xf32, #tpu.memory_space<vmem>>, vector<16xf32>,
      %add3A_1011 = arith.addf %add3A_1008, %get3A_1010 : vector<16xf32>
      %get3A_1012 = arith.constant 3696 : index
      %get3A_1013 = tpu.vector_load %arg6[%get3A_1012] {strides = array<i32>} : memref<7696xf32, #tpu.memory_space<vmem>>, vector<16xf32>,
      %add3A_1014 = arith.addf %add3A_1011, %get3A_1013 : vector<16xf32>
      %get3A_1015 = arith.constant 3952 : index
      %get3A_1016 = tpu.vector_load %arg6[%get3A_1015] {strides = array<i32>} : memref<7696xf32, #tpu.memory_space<vmem>>, vector<16xf32>,
      %add3A_1017 = arith.addf %add3A_1014, %get3A_1016 : vector<16xf32>
      %get3A_1018 = arith.constant 4208 : index
      %get3A_1019 = tpu.vector_load %arg6[%get3A_1018] {strides = array<i32>} : memref<7696xf32, #tpu.memory_space<vmem>>, vector<16xf32>,
      %add3A_1020 = arith.addf %add3A_1017, %get3A_1019 : vector<16xf32>
      %swap3A_1021 = arith.constant 4464 : index
      %swap3A_1022 = tpu.vector_load %arg6[%swap3A_1021] {strides = array<i32>} : memref<7696xf32, #tpu.memory_space<vmem>>, vector<16xf32>,
      tpu.vector_store %arg6[%swap3A_1021], %add3A_1020 {strides = array<i32>} : memref<7696xf32, #tpu.memory_space<vmem>>, vector<16xf32>,
      %add3A_1023 = arith.addf %add3A_973, %add3A_1020 : vector<16xf32>
      %get3A_1024 = arith.constant 384 : index
      %get3A_1025 = tpu.vector_load %arg6[%get3A_1024] {strides = array<i32>} : memref<7696xf32, #tpu.memory_space<vmem>>, vector<16xf32>,
      %get3A_1026 = arith.constant 640 : index
      %get3A_1027 = tpu.vector_load %arg6[%get3A_1026] {strides = array<i32>} : memref<7696xf32, #tpu.memory_space<vmem>>, vector<16xf32>,
      %add3A_1028 = arith.addf %get3A_1025, %get3A_1027 : vector<16xf32>
      %get3A_1029 = arith.constant 896 : index
      %get3A_1030 = tpu.vector_load %arg6[%get3A_1029] {strides = array<i32>} : memref<7696xf32, #tpu.memory_space<vmem>>, vector<16xf32>,
      %add3A_1031 = arith.addf %add3A_1028, %get3A_1030 : vector<16xf32>
      %get3A_1032 = arith.constant 1152 : index
      %get3A_1033 = tpu.vector_load %arg6[%get3A_1032] {strides = array<i32>} : memref<7696xf32, #tpu.memory_space<vmem>>, vector<16xf32>,
      %add3A_1034 = arith.addf %add3A_1031, %get3A_1033 : vector<16xf32>
      %get3A_1035 = arith.constant 1408 : index
      %get3A_1036 = tpu.vector_load %arg6[%get3A_1035] {strides = array<i32>} : memref<7696xf32, #tpu.memory_space<vmem>>, vector<16xf32>,
      %add3A_1037 = arith.addf %add3A_1034, %get3A_1036 : vector<16xf32>
      %get3A_1038 = arith.constant 1664 : index
      %get3A_1039 = tpu.vector_load %arg6[%get3A_1038] {strides = array<i32>} : memref<7696xf32, #tpu.memory_space<vmem>>, vector<16xf32>,
      %add3A_1040 = arith.addf %add3A_1037, %get3A_1039 : vector<16xf32>
      %get3A_1041 = arith.constant 1920 : index
      %get3A_1042 = tpu.vector_load %arg6[%get3A_1041] {strides = array<i32>} : memref<7696xf32, #tpu.memory_space<vmem>>, vector<16xf32>,
      %add3A_1043 = arith.addf %add3A_1040, %get3A_1042 : vector<16xf32>
      %get3A_1044 = arith.constant 2176 : index
      %get3A_1045 = tpu.vector_load %arg6[%get3A_1044] {strides = array<i32>} : memref<7696xf32, #tpu.memory_space<vmem>>, vector<16xf32>,
      %add3A_1046 = arith.addf %add3A_1043, %get3A_1045 : vector<16xf32>
      %get3A_1047 = arith.constant 2432 : index
      %get3A_1048 = tpu.vector_load %arg6[%get3A_1047] {strides = array<i32>} : memref<7696xf32, #tpu.memory_space<vmem>>, vector<16xf32>,
      %add3A_1049 = arith.addf %add3A_1046, %get3A_1048 : vector<16xf32>
      %get3A_1050 = arith.constant 2688 : index
      %get3A_1051 = tpu.vector_load %arg6[%get3A_1050] {strides = array<i32>} : memref<7696xf32, #tpu.memory_space<vmem>>, vector<16xf32>,
      %add3A_1052 = arith.addf %add3A_1049, %get3A_1051 : vector<16xf32>
      %get3A_1053 = arith.constant 2944 : index
      %get3A_1054 = tpu.vector_load %arg6[%get3A_1053] {strides = array<i32>} : memref<7696xf32, #tpu.memory_space<vmem>>, vector<16xf32>,
      %add3A_1055 = arith.addf %add3A_1052, %get3A_1054 : vector<16xf32>
      %get3A_1056 = arith.constant 3200 : index
      %get3A_1057 = tpu.vector_load %arg6[%get3A_1056] {strides = array<i32>} : memref<7696xf32, #tpu.memory_space<vmem>>, vector<16xf32>,
      %add3A_1058 = arith.addf %add3A_1055, %get3A_1057 : vector<16xf32>
      %get3A_1059 = arith.constant 3456 : index
      %get3A_1060 = tpu.vector_load %arg6[%get3A_1059] {strides = array<i32>} : memref<7696xf32, #tpu.memory_space<vmem>>, vector<16xf32>,
      %add3A_1061 = arith.addf %add3A_1058, %get3A_1060 : vector<16xf32>
      %get3A_1062 = arith.constant 3712 : index
      %get3A_1063 = tpu.vector_load %arg6[%get3A_1062] {strides = array<i32>} : memref<7696xf32, #tpu.memory_space<vmem>>, vector<16xf32>,
      %add3A_1064 = arith.addf %add3A_1061, %get3A_1063 : vector<16xf32>
      %get3A_1065 = arith.constant 3968 : index
      %get3A_1066 = tpu.vector_load %arg6[%get3A_1065] {strides = array<i32>} : memref<7696xf32, #tpu.memory_space<vmem>>, vector<16xf32>,
      %add3A_1067 = arith.addf %add3A_1064, %get3A_1066 : vector<16xf32>
      %get3A_1068 = arith.constant 4224 : index
      %get3A_1069 = tpu.vector_load %arg6[%get3A_1068] {strides = array<i32>} : memref<7696xf32, #tpu.memory_space<vmem>>, vector<16xf32>,
      %add3A_1070 = arith.addf %add3A_1067, %get3A_1069 : vector<16xf32>
      %swap3A_1071 = arith.constant 4480 : index
      %swap3A_1072 = tpu.vector_load %arg6[%swap3A_1071] {strides = array<i32>} : memref<7696xf32, #tpu.memory_space<vmem>>, vector<16xf32>,
      tpu.vector_store %arg6[%swap3A_1071], %add3A_1070 {strides = array<i32>} : memref<7696xf32, #tpu.memory_space<vmem>>, vector<16xf32>,
      %add3A_1073 = arith.addf %add3A_1023, %add3A_1070 : vector<16xf32>
      %get3A_1074 = arith.constant 400 : index
      %get3A_1075 = tpu.vector_load %arg6[%get3A_1074] {strides = array<i32>} : memref<7696xf32, #tpu.memory_space<vmem>>, vector<16xf32>,
      %get3A_1076 = arith.constant 656 : index
      %get3A_1077 = tpu.vector_load %arg6[%get3A_1076] {strides = array<i32>} : memref<7696xf32, #tpu.memory_space<vmem>>, vector<16xf32>,
      %add3A_1078 = arith.addf %get3A_1075, %get3A_1077 : vector<16xf32>
      %get3A_1079 = arith.constant 912 : index
      %get3A_1080 = tpu.vector_load %arg6[%get3A_1079] {strides = array<i32>} : memref<7696xf32, #tpu.memory_space<vmem>>, vector<16xf32>,
      %add3A_1081 = arith.addf %add3A_1078, %get3A_1080 : vector<16xf32>
      %get3A_1082 = arith.constant 1168 : index
      %get3A_1083 = tpu.vector_load %arg6[%get3A_1082] {strides = array<i32>} : memref<7696xf32, #tpu.memory_space<vmem>>, vector<16xf32>,
      %add3A_1084 = arith.addf %add3A_1081, %get3A_1083 : vector<16xf32>
      %get3A_1085 = arith.constant 1424 : index
      %get3A_1086 = tpu.vector_load %arg6[%get3A_1085] {strides = array<i32>} : memref<7696xf32, #tpu.memory_space<vmem>>, vector<16xf32>,
      %add3A_1087 = arith.addf %add3A_1084, %get3A_1086 : vector<16xf32>
      %get3A_1088 = arith.constant 1680 : index
      %get3A_1089 = tpu.vector_load %arg6[%get3A_1088] {strides = array<i32>} : memref<7696xf32, #tpu.memory_space<vmem>>, vector<16xf32>,
      %add3A_1090 = arith.addf %add3A_1087, %get3A_1089 : vector<16xf32>
      %get3A_1091 = arith.constant 1936 : index
      %get3A_1092 = tpu.vector_load %arg6[%get3A_1091] {strides = array<i32>} : memref<7696xf32, #tpu.memory_space<vmem>>, vector<16xf32>,
      %add3A_1093 = arith.addf %add3A_1090, %get3A_1092 : vector<16xf32>
      %get3A_1094 = arith.constant 2192 : index
      %get3A_1095 = tpu.vector_load %arg6[%get3A_1094] {strides = array<i32>} : memref<7696xf32, #tpu.memory_space<vmem>>, vector<16xf32>,
      %add3A_1096 = arith.addf %add3A_1093, %get3A_1095 : vector<16xf32>
      %get3A_1097 = arith.constant 2448 : index
      %get3A_1098 = tpu.vector_load %arg6[%get3A_1097] {strides = array<i32>} : memref<7696xf32, #tpu.memory_space<vmem>>, vector<16xf32>,
      %add3A_1099 = arith.addf %add3A_1096, %get3A_1098 : vector<16xf32>
      %get3A_1100 = arith.constant 2704 : index
      %get3A_1101 = tpu.vector_load %arg6[%get3A_1100] {strides = array<i32>} : memref<7696xf32, #tpu.memory_space<vmem>>, vector<16xf32>,
      %add3A_1102 = arith.addf %add3A_1099, %get3A_1101 : vector<16xf32>
      %get3A_1103 = arith.constant 2960 : index
      %get3A_1104 = tpu.vector_load %arg6[%get3A_1103] {strides = array<i32>} : memref<7696xf32, #tpu.memory_space<vmem>>, vector<16xf32>,
      %add3A_1105 = arith.addf %add3A_1102, %get3A_1104 : vector<16xf32>
      %get3A_1106 = arith.constant 3216 : index
      %get3A_1107 = tpu.vector_load %arg6[%get3A_1106] {strides = array<i32>} : memref<7696xf32, #tpu.memory_space<vmem>>, vector<16xf32>,
      %add3A_1108 = arith.addf %add3A_1105, %get3A_1107 : vector<16xf32>
      %get3A_1109 = arith.constant 3472 : index
      %get3A_1110 = tpu.vector_load %arg6[%get3A_1109] {strides = array<i32>} : memref<7696xf32, #tpu.memory_space<vmem>>, vector<16xf32>,
      %add3A_1111 = arith.addf %add3A_1108, %get3A_1110 : vector<16xf32>
      %get3A_1112 = arith.constant 3728 : index
      %get3A_1113 = tpu.vector_load %arg6[%get3A_1112] {strides = array<i32>} : memref<7696xf32, #tpu.memory_space<vmem>>, vector<16xf32>,
      %add3A_1114 = arith.addf %add3A_1111, %get3A_1113 : vector<16xf32>
      %get3A_1115 = arith.constant 3984 : index
      %get3A_1116 = tpu.vector_load %arg6[%get3A_1115] {strides = array<i32>} : memref<7696xf32, #tpu.memory_space<vmem>>, vector<16xf32>,
      %add3A_1117 = arith.addf %add3A_1114, %get3A_1116 : vector<16xf32>
      %get3A_1118 = arith.constant 4240 : index
      %get3A_1119 = tpu.vector_load %arg6[%get3A_1118] {strides = array<i32>} : memref<7696xf32, #tpu.memory_space<vmem>>, vector<16xf32>,
      %add3A_1120 = arith.addf %add3A_1117, %get3A_1119 : vector<16xf32>
      %swap3A_1121 = arith.constant 4496 : index
      %swap3A_1122 = tpu.vector_load %arg6[%swap3A_1121] {strides = array<i32>} : memref<7696xf32, #tpu.memory_space<vmem>>, vector<16xf32>,
      tpu.vector_store %arg6[%swap3A_1121], %add3A_1120 {strides = array<i32>} : memref<7696xf32, #tpu.memory_space<vmem>>, vector<16xf32>,
      %add3A_1123 = arith.addf %add3A_1073, %add3A_1120 : vector<16xf32>
      %get3A_1124 = arith.constant 416 : index
      %get3A_1125 = tpu.vector_load %arg6[%get3A_1124] {strides = array<i32>} : memref<7696xf32, #tpu.memory_space<vmem>>, vector<16xf32>,
      %get3A_1126 = arith.constant 672 : index
      %get3A_1127 = tpu.vector_load %arg6[%get3A_1126] {strides = array<i32>} : memref<7696xf32, #tpu.memory_space<vmem>>, vector<16xf32>,
      %add3A_1128 = arith.addf %get3A_1125, %get3A_1127 : vector<16xf32>
      %get3A_1129 = arith.constant 928 : index
      %get3A_1130 = tpu.vector_load %arg6[%get3A_1129] {strides = array<i32>} : memref<7696xf32, #tpu.memory_space<vmem>>, vector<16xf32>,
      %add3A_1131 = arith.addf %add3A_1128, %get3A_1130 : vector<16xf32>
      %get3A_1132 = arith.constant 1184 : index
      %get3A_1133 = tpu.vector_load %arg6[%get3A_1132] {strides = array<i32>} : memref<7696xf32, #tpu.memory_space<vmem>>, vector<16xf32>,
      %add3A_1134 = arith.addf %add3A_1131, %get3A_1133 : vector<16xf32>
      %get3A_1135 = arith.constant 1440 : index
      %get3A_1136 = tpu.vector_load %arg6[%get3A_1135] {strides = array<i32>} : memref<7696xf32, #tpu.memory_space<vmem>>, vector<16xf32>,
      %add3A_1137 = arith.addf %add3A_1134, %get3A_1136 : vector<16xf32>
      %get3A_1138 = arith.constant 1696 : index
      %get3A_1139 = tpu.vector_load %arg6[%get3A_1138] {strides = array<i32>} : memref<7696xf32, #tpu.memory_space<vmem>>, vector<16xf32>,
      %add3A_1140 = arith.addf %add3A_1137, %get3A_1139 : vector<16xf32>
      %get3A_1141 = arith.constant 1952 : index
      %get3A_1142 = tpu.vector_load %arg6[%get3A_1141] {strides = array<i32>} : memref<7696xf32, #tpu.memory_space<vmem>>, vector<16xf32>,
      %add3A_1143 = arith.addf %add3A_1140, %get3A_1142 : vector<16xf32>
      %get3A_1144 = arith.constant 2208 : index
      %get3A_1145 = tpu.vector_load %arg6[%get3A_1144] {strides = array<i32>} : memref<7696xf32, #tpu.memory_space<vmem>>, vector<16xf32>,
      %add3A_1146 = arith.addf %add3A_1143, %get3A_1145 : vector<16xf32>
      %get3A_1147 = arith.constant 2464 : index
      %get3A_1148 = tpu.vector_load %arg6[%get3A_1147] {strides = array<i32>} : memref<7696xf32, #tpu.memory_space<vmem>>, vector<16xf32>,
      %add3A_1149 = arith.addf %add3A_1146, %get3A_1148 : vector<16xf32>
      %get3A_1150 = arith.constant 2720 : index
      %get3A_1151 = tpu.vector_load %arg6[%get3A_1150] {strides = array<i32>} : memref<7696xf32, #tpu.memory_space<vmem>>, vector<16xf32>,
      %add3A_1152 = arith.addf %add3A_1149, %get3A_1151 : vector<16xf32>
      %get3A_1153 = arith.constant 2976 : index
      %get3A_1154 = tpu.vector_load %arg6[%get3A_1153] {strides = array<i32>} : memref<7696xf32, #tpu.memory_space<vmem>>, vector<16xf32>,
      %add3A_1155 = arith.addf %add3A_1152, %get3A_1154 : vector<16xf32>
      %get3A_1156 = arith.constant 3232 : index
      %get3A_1157 = tpu.vector_load %arg6[%get3A_1156] {strides = array<i32>} : memref<7696xf32, #tpu.memory_space<vmem>>, vector<16xf32>,
      %add3A_1158 = arith.addf %add3A_1155, %get3A_1157 : vector<16xf32>
      %get3A_1159 = arith.constant 3488 : index
      %get3A_1160 = tpu.vector_load %arg6[%get3A_1159] {strides = array<i32>} : memref<7696xf32, #tpu.memory_space<vmem>>, vector<16xf32>,
      %add3A_1161 = arith.addf %add3A_1158, %get3A_1160 : vector<16xf32>
      %get3A_1162 = arith.constant 3744 : index
      %get3A_1163 = tpu.vector_load %arg6[%get3A_1162] {strides = array<i32>} : memref<7696xf32, #tpu.memory_space<vmem>>, vector<16xf32>,
      %add3A_1164 = arith.addf %add3A_1161, %get3A_1163 : vector<16xf32>
      %get3A_1165 = arith.constant 4000 : index
      %get3A_1166 = tpu.vector_load %arg6[%get3A_1165] {strides = array<i32>} : memref<7696xf32, #tpu.memory_space<vmem>>, vector<16xf32>,
      %add3A_1167 = arith.addf %add3A_1164, %get3A_1166 : vector<16xf32>
      %get3A_1168 = arith.constant 4256 : index
      %get3A_1169 = tpu.vector_load %arg6[%get3A_1168] {strides = array<i32>} : memref<7696xf32, #tpu.memory_space<vmem>>, vector<16xf32>,
      %add3A_1170 = arith.addf %add3A_1167, %get3A_1169 : vector<16xf32>
      %swap3A_1171 = arith.constant 4512 : index
      %swap3A_1172 = tpu.vector_load %arg6[%swap3A_1171] {strides = array<i32>} : memref<7696xf32, #tpu.memory_space<vmem>>, vector<16xf32>,
      tpu.vector_store %arg6[%swap3A_1171], %add3A_1170 {strides = array<i32>} : memref<7696xf32, #tpu.memory_space<vmem>>, vector<16xf32>,
      %add3A_1173 = arith.addf %add3A_1123, %add3A_1170 : vector<16xf32>
      %get3A_1174 = arith.constant 432 : index
      %get3A_1175 = tpu.vector_load %arg6[%get3A_1174] {strides = array<i32>} : memref<7696xf32, #tpu.memory_space<vmem>>, vector<16xf32>,
      %get3A_1176 = arith.constant 688 : index
      %get3A_1177 = tpu.vector_load %arg6[%get3A_1176] {strides = array<i32>} : memref<7696xf32, #tpu.memory_space<vmem>>, vector<16xf32>,
      %add3A_1178 = arith.addf %get3A_1175, %get3A_1177 : vector<16xf32>
      %get3A_1179 = arith.constant 944 : index
      %get3A_1180 = tpu.vector_load %arg6[%get3A_1179] {strides = array<i32>} : memref<7696xf32, #tpu.memory_space<vmem>>, vector<16xf32>,
      %add3A_1181 = arith.addf %add3A_1178, %get3A_1180 : vector<16xf32>
      %get3A_1182 = arith.constant 1200 : index
      %get3A_1183 = tpu.vector_load %arg6[%get3A_1182] {strides = array<i32>} : memref<7696xf32, #tpu.memory_space<vmem>>, vector<16xf32>,
      %add3A_1184 = arith.addf %add3A_1181, %get3A_1183 : vector<16xf32>
      %get3A_1185 = arith.constant 1456 : index
      %get3A_1186 = tpu.vector_load %arg6[%get3A_1185] {strides = array<i32>} : memref<7696xf32, #tpu.memory_space<vmem>>, vector<16xf32>,
      %add3A_1187 = arith.addf %add3A_1184, %get3A_1186 : vector<16xf32>
      %get3A_1188 = arith.constant 1712 : index
      %get3A_1189 = tpu.vector_load %arg6[%get3A_1188] {strides = array<i32>} : memref<7696xf32, #tpu.memory_space<vmem>>, vector<16xf32>,
      %add3A_1190 = arith.addf %add3A_1187, %get3A_1189 : vector<16xf32>
      %get3A_1191 = arith.constant 1968 : index
      %get3A_1192 = tpu.vector_load %arg6[%get3A_1191] {strides = array<i32>} : memref<7696xf32, #tpu.memory_space<vmem>>, vector<16xf32>,
      %add3A_1193 = arith.addf %add3A_1190, %get3A_1192 : vector<16xf32>
      %get3A_1194 = arith.constant 2224 : index
      %get3A_1195 = tpu.vector_load %arg6[%get3A_1194] {strides = array<i32>} : memref<7696xf32, #tpu.memory_space<vmem>>, vector<16xf32>,
      %add3A_1196 = arith.addf %add3A_1193, %get3A_1195 : vector<16xf32>
      %get3A_1197 = arith.constant 2480 : index
      %get3A_1198 = tpu.vector_load %arg6[%get3A_1197] {strides = array<i32>} : memref<7696xf32, #tpu.memory_space<vmem>>, vector<16xf32>,
      %add3A_1199 = arith.addf %add3A_1196, %get3A_1198 : vector<16xf32>
      %get3A_1200 = arith.constant 2736 : index
      %get3A_1201 = tpu.vector_load %arg6[%get3A_1200] {strides = array<i32>} : memref<7696xf32, #tpu.memory_space<vmem>>, vector<16xf32>,
      %add3A_1202 = arith.addf %add3A_1199, %get3A_1201 : vector<16xf32>
      %get3A_1203 = arith.constant 2992 : index
      %get3A_1204 = tpu.vector_load %arg6[%get3A_1203] {strides = array<i32>} : memref<7696xf32, #tpu.memory_space<vmem>>, vector<16xf32>,
      %add3A_1205 = arith.addf %add3A_1202, %get3A_1204 : vector<16xf32>
      %get3A_1206 = arith.constant 3248 : index
      %get3A_1207 = tpu.vector_load %arg6[%get3A_1206] {strides = array<i32>} : memref<7696xf32, #tpu.memory_space<vmem>>, vector<16xf32>,
      %add3A_1208 = arith.addf %add3A_1205, %get3A_1207 : vector<16xf32>
      %get3A_1209 = arith.constant 3504 : index
      %get3A_1210 = tpu.vector_load %arg6[%get3A_1209] {strides = array<i32>} : memref<7696xf32, #tpu.memory_space<vmem>>, vector<16xf32>,
      %add3A_1211 = arith.addf %add3A_1208, %get3A_1210 : vector<16xf32>
      %get3A_1212 = arith.constant 3760 : index
      %get3A_1213 = tpu.vector_load %arg6[%get3A_1212] {strides = array<i32>} : memref<7696xf32, #tpu.memory_space<vmem>>, vector<16xf32>,
      %add3A_1214 = arith.addf %add3A_1211, %get3A_1213 : vector<16xf32>
      %get3A_1215 = arith.constant 4016 : index
      %get3A_1216 = tpu.vector_load %arg6[%get3A_1215] {strides = array<i32>} : memref<7696xf32, #tpu.memory_space<vmem>>, vector<16xf32>,
      %add3A_1217 = arith.addf %add3A_1214, %get3A_1216 : vector<16xf32>
      %get3A_1218 = arith.constant 4272 : index
      %get3A_1219 = tpu.vector_load %arg6[%get3A_1218] {strides = array<i32>} : memref<7696xf32, #tpu.memory_space<vmem>>, vector<16xf32>,
      %add3A_1220 = arith.addf %add3A_1217, %get3A_1219 : vector<16xf32>
      %swap3A_1221 = arith.constant 4528 : index
      %swap3A_1222 = tpu.vector_load %arg6[%swap3A_1221] {strides = array<i32>} : memref<7696xf32, #tpu.memory_space<vmem>>, vector<16xf32>,
      tpu.vector_store %arg6[%swap3A_1221], %add3A_1220 {strides = array<i32>} : memref<7696xf32, #tpu.memory_space<vmem>>, vector<16xf32>,
      %add3A_1223 = arith.addf %add3A_1173, %add3A_1220 : vector<16xf32>
      %get3A_1224 = arith.constant 448 : index
      %get3A_1225 = tpu.vector_load %arg6[%get3A_1224] {strides = array<i32>} : memref<7696xf32, #tpu.memory_space<vmem>>, vector<16xf32>,
      %get3A_1226 = arith.constant 704 : index
      %get3A_1227 = tpu.vector_load %arg6[%get3A_1226] {strides = array<i32>} : memref<7696xf32, #tpu.memory_space<vmem>>, vector<16xf32>,
      %add3A_1228 = arith.addf %get3A_1225, %get3A_1227 : vector<16xf32>
      %get3A_1229 = arith.constant 960 : index
      %get3A_1230 = tpu.vector_load %arg6[%get3A_1229] {strides = array<i32>} : memref<7696xf32, #tpu.memory_space<vmem>>, vector<16xf32>,
      %add3A_1231 = arith.addf %add3A_1228, %get3A_1230 : vector<16xf32>
      %get3A_1232 = arith.constant 1216 : index
      %get3A_1233 = tpu.vector_load %arg6[%get3A_1232] {strides = array<i32>} : memref<7696xf32, #tpu.memory_space<vmem>>, vector<16xf32>,
      %add3A_1234 = arith.addf %add3A_1231, %get3A_1233 : vector<16xf32>
      %get3A_1235 = arith.constant 1472 : index
      %get3A_1236 = tpu.vector_load %arg6[%get3A_1235] {strides = array<i32>} : memref<7696xf32, #tpu.memory_space<vmem>>, vector<16xf32>,
      %add3A_1237 = arith.addf %add3A_1234, %get3A_1236 : vector<16xf32>
      %get3A_1238 = arith.constant 1728 : index
      %get3A_1239 = tpu.vector_load %arg6[%get3A_1238] {strides = array<i32>} : memref<7696xf32, #tpu.memory_space<vmem>>, vector<16xf32>,
      %add3A_1240 = arith.addf %add3A_1237, %get3A_1239 : vector<16xf32>
      %get3A_1241 = arith.constant 1984 : index
      %get3A_1242 = tpu.vector_load %arg6[%get3A_1241] {strides = array<i32>} : memref<7696xf32, #tpu.memory_space<vmem>>, vector<16xf32>,
      %add3A_1243 = arith.addf %add3A_1240, %get3A_1242 : vector<16xf32>
      %get3A_1244 = arith.constant 2240 : index
      %get3A_1245 = tpu.vector_load %arg6[%get3A_1244] {strides = array<i32>} : memref<7696xf32, #tpu.memory_space<vmem>>, vector<16xf32>,
      %add3A_1246 = arith.addf %add3A_1243, %get3A_1245 : vector<16xf32>
      %get3A_1247 = arith.constant 2496 : index
      %get3A_1248 = tpu.vector_load %arg6[%get3A_1247] {strides = array<i32>} : memref<7696xf32, #tpu.memory_space<vmem>>, vector<16xf32>,
      %add3A_1249 = arith.addf %add3A_1246, %get3A_1248 : vector<16xf32>
      %get3A_1250 = arith.constant 2752 : index
      %get3A_1251 = tpu.vector_load %arg6[%get3A_1250] {strides = array<i32>} : memref<7696xf32, #tpu.memory_space<vmem>>, vector<16xf32>,
      %add3A_1252 = arith.addf %add3A_1249, %get3A_1251 : vector<16xf32>
      %get3A_1253 = arith.constant 3008 : index
      %get3A_1254 = tpu.vector_load %arg6[%get3A_1253] {strides = array<i32>} : memref<7696xf32, #tpu.memory_space<vmem>>, vector<16xf32>,
      %add3A_1255 = arith.addf %add3A_1252, %get3A_1254 : vector<16xf32>
      %get3A_1256 = arith.constant 3264 : index
      %get3A_1257 = tpu.vector_load %arg6[%get3A_1256] {strides = array<i32>} : memref<7696xf32, #tpu.memory_space<vmem>>, vector<16xf32>,
      %add3A_1258 = arith.addf %add3A_1255, %get3A_1257 : vector<16xf32>
      %get3A_1259 = arith.constant 3520 : index
      %get3A_1260 = tpu.vector_load %arg6[%get3A_1259] {strides = array<i32>} : memref<7696xf32, #tpu.memory_space<vmem>>, vector<16xf32>,
      %add3A_1261 = arith.addf %add3A_1258, %get3A_1260 : vector<16xf32>
      %get3A_1262 = arith.constant 3776 : index
      %get3A_1263 = tpu.vector_load %arg6[%get3A_1262] {strides = array<i32>} : memref<7696xf32, #tpu.memory_space<vmem>>, vector<16xf32>,
      %add3A_1264 = arith.addf %add3A_1261, %get3A_1263 : vector<16xf32>
      %get3A_1265 = arith.constant 4032 : index
      %get3A_1266 = tpu.vector_load %arg6[%get3A_1265] {strides = array<i32>} : memref<7696xf32, #tpu.memory_space<vmem>>, vector<16xf32>,
      %add3A_1267 = arith.addf %add3A_1264, %get3A_1266 : vector<16xf32>
      %get3A_1268 = arith.constant 4288 : index
      %get3A_1269 = tpu.vector_load %arg6[%get3A_1268] {strides = array<i32>} : memref<7696xf32, #tpu.memory_space<vmem>>, vector<16xf32>,
      %add3A_1270 = arith.addf %add3A_1267, %get3A_1269 : vector<16xf32>
      %swap3A_1271 = arith.constant 4544 : index
      %swap3A_1272 = tpu.vector_load %arg6[%swap3A_1271] {strides = array<i32>} : memref<7696xf32, #tpu.memory_space<vmem>>, vector<16xf32>,
      tpu.vector_store %arg6[%swap3A_1271], %add3A_1270 {strides = array<i32>} : memref<7696xf32, #tpu.memory_space<vmem>>, vector<16xf32>,
      %add3A_1273 = arith.addf %add3A_1223, %add3A_1270 : vector<16xf32>
      %get3A_1274 = arith.constant 464 : index
      %get3A_1275 = tpu.vector_load %arg6[%get3A_1274] {strides = array<i32>} : memref<7696xf32, #tpu.memory_space<vmem>>, vector<16xf32>,
      %get3A_1276 = arith.constant 720 : index
      %get3A_1277 = tpu.vector_load %arg6[%get3A_1276] {strides = array<i32>} : memref<7696xf32, #tpu.memory_space<vmem>>, vector<16xf32>,
      %add3A_1278 = arith.addf %get3A_1275, %get3A_1277 : vector<16xf32>
      %get3A_1279 = arith.constant 976 : index
      %get3A_1280 = tpu.vector_load %arg6[%get3A_1279] {strides = array<i32>} : memref<7696xf32, #tpu.memory_space<vmem>>, vector<16xf32>,
      %add3A_1281 = arith.addf %add3A_1278, %get3A_1280 : vector<16xf32>
      %get3A_1282 = arith.constant 1232 : index
      %get3A_1283 = tpu.vector_load %arg6[%get3A_1282] {strides = array<i32>} : memref<7696xf32, #tpu.memory_space<vmem>>, vector<16xf32>,
      %add3A_1284 = arith.addf %add3A_1281, %get3A_1283 : vector<16xf32>
      %get3A_1285 = arith.constant 1488 : index
      %get3A_1286 = tpu.vector_load %arg6[%get3A_1285] {strides = array<i32>} : memref<7696xf32, #tpu.memory_space<vmem>>, vector<16xf32>,
      %add3A_1287 = arith.addf %add3A_1284, %get3A_1286 : vector<16xf32>
      %get3A_1288 = arith.constant 1744 : index
      %get3A_1289 = tpu.vector_load %arg6[%get3A_1288] {strides = array<i32>} : memref<7696xf32, #tpu.memory_space<vmem>>, vector<16xf32>,
      %add3A_1290 = arith.addf %add3A_1287, %get3A_1289 : vector<16xf32>
      %get3A_1291 = arith.constant 2000 : index
      %get3A_1292 = tpu.vector_load %arg6[%get3A_1291] {strides = array<i32>} : memref<7696xf32, #tpu.memory_space<vmem>>, vector<16xf32>,
      %add3A_1293 = arith.addf %add3A_1290, %get3A_1292 : vector<16xf32>
      %get3A_1294 = arith.constant 2256 : index
      %get3A_1295 = tpu.vector_load %arg6[%get3A_1294] {strides = array<i32>} : memref<7696xf32, #tpu.memory_space<vmem>>, vector<16xf32>,
      %add3A_1296 = arith.addf %add3A_1293, %get3A_1295 : vector<16xf32>
      %get3A_1297 = arith.constant 2512 : index
      %get3A_1298 = tpu.vector_load %arg6[%get3A_1297] {strides = array<i32>} : memref<7696xf32, #tpu.memory_space<vmem>>, vector<16xf32>,
      %add3A_1299 = arith.addf %add3A_1296, %get3A_1298 : vector<16xf32>
      %get3A_1300 = arith.constant 2768 : index
      %get3A_1301 = tpu.vector_load %arg6[%get3A_1300] {strides = array<i32>} : memref<7696xf32, #tpu.memory_space<vmem>>, vector<16xf32>,
      %add3A_1302 = arith.addf %add3A_1299, %get3A_1301 : vector<16xf32>
      %get3A_1303 = arith.constant 3024 : index
      %get3A_1304 = tpu.vector_load %arg6[%get3A_1303] {strides = array<i32>} : memref<7696xf32, #tpu.memory_space<vmem>>, vector<16xf32>,
      %add3A_1305 = arith.addf %add3A_1302, %get3A_1304 : vector<16xf32>
      %get3A_1306 = arith.constant 3280 : index
      %get3A_1307 = tpu.vector_load %arg6[%get3A_1306] {strides = array<i32>} : memref<7696xf32, #tpu.memory_space<vmem>>, vector<16xf32>,
      %add3A_1308 = arith.addf %add3A_1305, %get3A_1307 : vector<16xf32>
      %get3A_1309 = arith.constant 3536 : index
      %get3A_1310 = tpu.vector_load %arg6[%get3A_1309] {strides = array<i32>} : memref<7696xf32, #tpu.memory_space<vmem>>, vector<16xf32>,
      %add3A_1311 = arith.addf %add3A_1308, %get3A_1310 : vector<16xf32>
      %get3A_1312 = arith.constant 3792 : index
      %get3A_1313 = tpu.vector_load %arg6[%get3A_1312] {strides = array<i32>} : memref<7696xf32, #tpu.memory_space<vmem>>, vector<16xf32>,
      %add3A_1314 = arith.addf %add3A_1311, %get3A_1313 : vector<16xf32>
      %get3A_1315 = arith.constant 4048 : index
      %get3A_1316 = tpu.vector_load %arg6[%get3A_1315] {strides = array<i32>} : memref<7696xf32, #tpu.memory_space<vmem>>, vector<16xf32>,
      %add3A_1317 = arith.addf %add3A_1314, %get3A_1316 : vector<16xf32>
      %get3A_1318 = arith.constant 4304 : index
      %get3A_1319 = tpu.vector_load %arg6[%get3A_1318] {strides = array<i32>} : memref<7696xf32, #tpu.memory_space<vmem>>, vector<16xf32>,
      %add3A_1320 = arith.addf %add3A_1317, %get3A_1319 : vector<16xf32>
      %swap3A_1321 = arith.constant 4560 : index
      %swap3A_1322 = tpu.vector_load %arg6[%swap3A_1321] {strides = array<i32>} : memref<7696xf32, #tpu.memory_space<vmem>>, vector<16xf32>,
      tpu.vector_store %arg6[%swap3A_1321], %add3A_1320 {strides = array<i32>} : memref<7696xf32, #tpu.memory_space<vmem>>, vector<16xf32>,
      %add3A_1323 = arith.addf %add3A_1273, %add3A_1320 : vector<16xf32>
      %get3A_1324 = arith.constant 480 : index
      %get3A_1325 = tpu.vector_load %arg6[%get3A_1324] {strides = array<i32>} : memref<7696xf32, #tpu.memory_space<vmem>>, vector<16xf32>,
      %get3A_1326 = arith.constant 736 : index
      %get3A_1327 = tpu.vector_load %arg6[%get3A_1326] {strides = array<i32>} : memref<7696xf32, #tpu.memory_space<vmem>>, vector<16xf32>,
      %add3A_1328 = arith.addf %get3A_1325, %get3A_1327 : vector<16xf32>
      %get3A_1329 = arith.constant 992 : index
      %get3A_1330 = tpu.vector_load %arg6[%get3A_1329] {strides = array<i32>} : memref<7696xf32, #tpu.memory_space<vmem>>, vector<16xf32>,
      %add3A_1331 = arith.addf %add3A_1328, %get3A_1330 : vector<16xf32>
      %get3A_1332 = arith.constant 1248 : index
      %get3A_1333 = tpu.vector_load %arg6[%get3A_1332] {strides = array<i32>} : memref<7696xf32, #tpu.memory_space<vmem>>, vector<16xf32>,
      %add3A_1334 = arith.addf %add3A_1331, %get3A_1333 : vector<16xf32>
      %get3A_1335 = arith.constant 1504 : index
      %get3A_1336 = tpu.vector_load %arg6[%get3A_1335] {strides = array<i32>} : memref<7696xf32, #tpu.memory_space<vmem>>, vector<16xf32>,
      %add3A_1337 = arith.addf %add3A_1334, %get3A_1336 : vector<16xf32>
      %get3A_1338 = arith.constant 1760 : index
      %get3A_1339 = tpu.vector_load %arg6[%get3A_1338] {strides = array<i32>} : memref<7696xf32, #tpu.memory_space<vmem>>, vector<16xf32>,
      %add3A_1340 = arith.addf %add3A_1337, %get3A_1339 : vector<16xf32>
      %get3A_1341 = arith.constant 2016 : index
      %get3A_1342 = tpu.vector_load %arg6[%get3A_1341] {strides = array<i32>} : memref<7696xf32, #tpu.memory_space<vmem>>, vector<16xf32>,
      %add3A_1343 = arith.addf %add3A_1340, %get3A_1342 : vector<16xf32>
      %get3A_1344 = arith.constant 2272 : index
      %get3A_1345 = tpu.vector_load %arg6[%get3A_1344] {strides = array<i32>} : memref<7696xf32, #tpu.memory_space<vmem>>, vector<16xf32>,
      %add3A_1346 = arith.addf %add3A_1343, %get3A_1345 : vector<16xf32>
      %get3A_1347 = arith.constant 2528 : index
      %get3A_1348 = tpu.vector_load %arg6[%get3A_1347] {strides = array<i32>} : memref<7696xf32, #tpu.memory_space<vmem>>, vector<16xf32>,
      %add3A_1349 = arith.addf %add3A_1346, %get3A_1348 : vector<16xf32>
      %get3A_1350 = arith.constant 2784 : index
      %get3A_1351 = tpu.vector_load %arg6[%get3A_1350] {strides = array<i32>} : memref<7696xf32, #tpu.memory_space<vmem>>, vector<16xf32>,
      %add3A_1352 = arith.addf %add3A_1349, %get3A_1351 : vector<16xf32>
      %get3A_1353 = arith.constant 3040 : index
      %get3A_1354 = tpu.vector_load %arg6[%get3A_1353] {strides = array<i32>} : memref<7696xf32, #tpu.memory_space<vmem>>, vector<16xf32>,
      %add3A_1355 = arith.addf %add3A_1352, %get3A_1354 : vector<16xf32>
      %get3A_1356 = arith.constant 3296 : index
      %get3A_1357 = tpu.vector_load %arg6[%get3A_1356] {strides = array<i32>} : memref<7696xf32, #tpu.memory_space<vmem>>, vector<16xf32>,
      %add3A_1358 = arith.addf %add3A_1355, %get3A_1357 : vector<16xf32>
      %get3A_1359 = arith.constant 3552 : index
      %get3A_1360 = tpu.vector_load %arg6[%get3A_1359] {strides = array<i32>} : memref<7696xf32, #tpu.memory_space<vmem>>, vector<16xf32>,
      %add3A_1361 = arith.addf %add3A_1358, %get3A_1360 : vector<16xf32>
      %get3A_1362 = arith.constant 3808 : index
      %get3A_1363 = tpu.vector_load %arg6[%get3A_1362] {strides = array<i32>} : memref<7696xf32, #tpu.memory_space<vmem>>, vector<16xf32>,
      %add3A_1364 = arith.addf %add3A_1361, %get3A_1363 : vector<16xf32>
      %get3A_1365 = arith.constant 4064 : index
      %get3A_1366 = tpu.vector_load %arg6[%get3A_1365] {strides = array<i32>} : memref<7696xf32, #tpu.memory_space<vmem>>, vector<16xf32>,
      %add3A_1367 = arith.addf %add3A_1364, %get3A_1366 : vector<16xf32>
      %get3A_1368 = arith.constant 4320 : index
      %get3A_1369 = tpu.vector_load %arg6[%get3A_1368] {strides = array<i32>} : memref<7696xf32, #tpu.memory_space<vmem>>, vector<16xf32>,
      %add3A_1370 = arith.addf %add3A_1367, %get3A_1369 : vector<16xf32>
      %swap3A_1371 = arith.constant 4576 : index
      %swap3A_1372 = tpu.vector_load %arg6[%swap3A_1371] {strides = array<i32>} : memref<7696xf32, #tpu.memory_space<vmem>>, vector<16xf32>,
      tpu.vector_store %arg6[%swap3A_1371], %add3A_1370 {strides = array<i32>} : memref<7696xf32, #tpu.memory_space<vmem>>, vector<16xf32>,
      %add3A_1373 = arith.addf %add3A_1323, %add3A_1370 : vector<16xf32>
      %get3A_1374 = arith.constant 496 : index
      %get3A_1375 = tpu.vector_load %arg6[%get3A_1374] {strides = array<i32>} : memref<7696xf32, #tpu.memory_space<vmem>>, vector<16xf32>,
      %get3A_1376 = arith.constant 752 : index
      %get3A_1377 = tpu.vector_load %arg6[%get3A_1376] {strides = array<i32>} : memref<7696xf32, #tpu.memory_space<vmem>>, vector<16xf32>,
      %add3A_1378 = arith.addf %get3A_1375, %get3A_1377 : vector<16xf32>
      %get3A_1379 = arith.constant 1008 : index
      %get3A_1380 = tpu.vector_load %arg6[%get3A_1379] {strides = array<i32>} : memref<7696xf32, #tpu.memory_space<vmem>>, vector<16xf32>,
      %add3A_1381 = arith.addf %add3A_1378, %get3A_1380 : vector<16xf32>
      %get3A_1382 = arith.constant 1264 : index
      %get3A_1383 = tpu.vector_load %arg6[%get3A_1382] {strides = array<i32>} : memref<7696xf32, #tpu.memory_space<vmem>>, vector<16xf32>,
      %add3A_1384 = arith.addf %add3A_1381, %get3A_1383 : vector<16xf32>
      %get3A_1385 = arith.constant 1520 : index
      %get3A_1386 = tpu.vector_load %arg6[%get3A_1385] {strides = array<i32>} : memref<7696xf32, #tpu.memory_space<vmem>>, vector<16xf32>,
      %add3A_1387 = arith.addf %add3A_1384, %get3A_1386 : vector<16xf32>
      %get3A_1388 = arith.constant 1776 : index
      %get3A_1389 = tpu.vector_load %arg6[%get3A_1388] {strides = array<i32>} : memref<7696xf32, #tpu.memory_space<vmem>>, vector<16xf32>,
      %add3A_1390 = arith.addf %add3A_1387, %get3A_1389 : vector<16xf32>
      %get3A_1391 = arith.constant 2032 : index
      %get3A_1392 = tpu.vector_load %arg6[%get3A_1391] {strides = array<i32>} : memref<7696xf32, #tpu.memory_space<vmem>>, vector<16xf32>,
      %add3A_1393 = arith.addf %add3A_1390, %get3A_1392 : vector<16xf32>
      %get3A_1394 = arith.constant 2288 : index
      %get3A_1395 = tpu.vector_load %arg6[%get3A_1394] {strides = array<i32>} : memref<7696xf32, #tpu.memory_space<vmem>>, vector<16xf32>,
      %add3A_1396 = arith.addf %add3A_1393, %get3A_1395 : vector<16xf32>
      %get3A_1397 = arith.constant 2544 : index
      %get3A_1398 = tpu.vector_load %arg6[%get3A_1397] {strides = array<i32>} : memref<7696xf32, #tpu.memory_space<vmem>>, vector<16xf32>,
      %add3A_1399 = arith.addf %add3A_1396, %get3A_1398 : vector<16xf32>
      %get3A_1400 = arith.constant 2800 : index
      %get3A_1401 = tpu.vector_load %arg6[%get3A_1400] {strides = array<i32>} : memref<7696xf32, #tpu.memory_space<vmem>>, vector<16xf32>,
      %add3A_1402 = arith.addf %add3A_1399, %get3A_1401 : vector<16xf32>
      %get3A_1403 = arith.constant 3056 : index
      %get3A_1404 = tpu.vector_load %arg6[%get3A_1403] {strides = array<i32>} : memref<7696xf32, #tpu.memory_space<vmem>>, vector<16xf32>,
      %add3A_1405 = arith.addf %add3A_1402, %get3A_1404 : vector<16xf32>
      %get3A_1406 = arith.constant 3312 : index
      %get3A_1407 = tpu.vector_load %arg6[%get3A_1406] {strides = array<i32>} : memref<7696xf32, #tpu.memory_space<vmem>>, vector<16xf32>,
      %add3A_1408 = arith.addf %add3A_1405, %get3A_1407 : vector<16xf32>
      %get3A_1409 = arith.constant 3568 : index
      %get3A_1410 = tpu.vector_load %arg6[%get3A_1409] {strides = array<i32>} : memref<7696xf32, #tpu.memory_space<vmem>>, vector<16xf32>,
      %add3A_1411 = arith.addf %add3A_1408, %get3A_1410 : vector<16xf32>
      %get3A_1412 = arith.constant 3824 : index
      %get3A_1413 = tpu.vector_load %arg6[%get3A_1412] {strides = array<i32>} : memref<7696xf32, #tpu.memory_space<vmem>>, vector<16xf32>,
      %add3A_1414 = arith.addf %add3A_1411, %get3A_1413 : vector<16xf32>
      %get3A_1415 = arith.constant 4080 : index
      %get3A_1416 = tpu.vector_load %arg6[%get3A_1415] {strides = array<i32>} : memref<7696xf32, #tpu.memory_space<vmem>>, vector<16xf32>,
      %add3A_1417 = arith.addf %add3A_1414, %get3A_1416 : vector<16xf32>
      %get3A_1418 = arith.constant 4336 : index
      %get3A_1419 = tpu.vector_load %arg6[%get3A_1418] {strides = array<i32>} : memref<7696xf32, #tpu.memory_space<vmem>>, vector<16xf32>,
      %add3A_1420 = arith.addf %add3A_1417, %get3A_1419 : vector<16xf32>
      %swap3A_1421 = arith.constant 4592 : index
      %swap3A_1422 = tpu.vector_load %arg6[%swap3A_1421] {strides = array<i32>} : memref<7696xf32, #tpu.memory_space<vmem>>, vector<16xf32>,
      tpu.vector_store %arg6[%swap3A_1421], %add3A_1420 {strides = array<i32>} : memref<7696xf32, #tpu.memory_space<vmem>>, vector<16xf32>,
      %add3A_1423 = arith.addf %add3A_1373, %add3A_1420 : vector<16xf32>
      %mul3A_1424 = arith.constant 16 : i32
      %mul3A_1425 = vector.broadcast %mul3A_1424 : i32 to vector<16xi32>
      %mul3A_1426 = arith.muli %iota3A, %mul3A_1425 : vector<16xi32>
      %add3A_1427 = arith.constant 0 : i32
      %add3A_1428 = vector.broadcast %add3A_1427 : i32 to vector<16xi32>
      %add3A_1429 = arith.addi %mul3A_1426, %add3A_1428 : vector<16xi32>
      %gather3A = arith.constant 4352 : i32
      %gather3A_1430 = tpu.memref_slice %arg6[%gather3A] : memref<7696xf32, #tpu.memory_space<vmem>> -> memref<256xf32, #tpu.memory_space<vmem>>
      %gather3A_1431 = tpu.vector_load_idx %gather3A_1430[%add3A_1429] : memref<256xf32, #tpu.memory_space<vmem>>[vector<16xi32>], vector<16xf32>,
      %add3A_1432 = arith.addf %broadcast_in_dim3A_0, %gather3A_1431 : vector<16xf32>
      %add3A_1433 = arith.addf %add3A_670, %gather3A_1431 : vector<16xf32>
      %swap3A_1434 = arith.constant 4608 : index
      %swap3A_1435 = tpu.vector_load %arg6[%swap3A_1434] {strides = array<i32>} : memref<7696xf32, #tpu.memory_space<vmem>>, vector<16xf32>,
      tpu.vector_store %arg6[%swap3A_1434], %add3A_1433 {strides = array<i32>} : memref<7696xf32, #tpu.memory_space<vmem>>, vector<16xf32>,
      %mul3A_1436 = arith.constant 16 : i32
      %mul3A_1437 = vector.broadcast %mul3A_1436 : i32 to vector<16xi32>
      %mul3A_1438 = arith.muli %iota3A, %mul3A_1437 : vector<16xi32>
      %add3A_1439 = arith.constant 1 : i32
      %add3A_1440 = vector.broadcast %add3A_1439 : i32 to vector<16xi32>
      %add3A_1441 = arith.addi %mul3A_1438, %add3A_1440 : vector<16xi32>
      %gather3A_1442 = arith.constant 4352 : i32
      %gather3A_1443 = tpu.memref_slice %arg6[%gather3A_1442] : memref<7696xf32, #tpu.memory_space<vmem>> -> memref<256xf32, #tpu.memory_space<vmem>>
      %gather3A_1444 = tpu.vector_load_idx %gather3A_1443[%add3A_1441] : memref<256xf32, #tpu.memory_space<vmem>>[vector<16xi32>], vector<16xf32>,
      %add3A_1445 = arith.addf %add3A_1432, %gather3A_1444 : vector<16xf32>
      %add3A_1446 = arith.addf %add3A_720, %gather3A_1444 : vector<16xf32>
      %swap3A_1447 = arith.constant 4736 : index
      %swap3A_1448 = tpu.vector_load %arg6[%swap3A_1447] {strides = array<i32>} : memref<7696xf32, #tpu.memory_space<vmem>>, vector<16xf32>,
      tpu.vector_store %arg6[%swap3A_1447], %add3A_1446 {strides = array<i32>} : memref<7696xf32, #tpu.memory_space<vmem>>, vector<16xf32>,
      %mul3A_1449 = arith.constant 16 : i32
      %mul3A_1450 = vector.broadcast %mul3A_1449 : i32 to vector<16xi32>
      %mul3A_1451 = arith.muli %iota3A, %mul3A_1450 : vector<16xi32>
      %add3A_1452 = arith.constant 2 : i32
      %add3A_1453 = vector.broadcast %add3A_1452 : i32 to vector<16xi32>
      %add3A_1454 = arith.addi %mul3A_1451, %add3A_1453 : vector<16xi32>
      %gather3A_1455 = arith.constant 4352 : i32
      %gather3A_1456 = tpu.memref_slice %arg6[%gather3A_1455] : memref<7696xf32, #tpu.memory_space<vmem>> -> memref<256xf32, #tpu.memory_space<vmem>>
      %gather3A_1457 = tpu.vector_load_idx %gather3A_1456[%add3A_1454] : memref<256xf32, #tpu.memory_space<vmem>>[vector<16xi32>], vector<16xf32>,
      %add3A_1458 = arith.addf %add3A_1445, %gather3A_1457 : vector<16xf32>
      %add3A_1459 = arith.addf %add3A_770, %gather3A_1457 : vector<16xf32>
      %swap3A_1460 = arith.constant 4864 : index
      %swap3A_1461 = tpu.vector_load %arg6[%swap3A_1460] {strides = array<i32>} : memref<7696xf32, #tpu.memory_space<vmem>>, vector<16xf32>,
      tpu.vector_store %arg6[%swap3A_1460], %add3A_1459 {strides = array<i32>} : memref<7696xf32, #tpu.memory_space<vmem>>, vector<16xf32>,
      %mul3A_1462 = arith.constant 16 : i32
      %mul3A_1463 = vector.broadcast %mul3A_1462 : i32 to vector<16xi32>
      %mul3A_1464 = arith.muli %iota3A, %mul3A_1463 : vector<16xi32>
      %add3A_1465 = arith.constant 3 : i32
      %add3A_1466 = vector.broadcast %add3A_1465 : i32 to vector<16xi32>
      %add3A_1467 = arith.addi %mul3A_1464, %add3A_1466 : vector<16xi32>
      %gather3A_1468 = arith.constant 4352 : i32
      %gather3A_1469 = tpu.memref_slice %arg6[%gather3A_1468] : memref<7696xf32, #tpu.memory_space<vmem>> -> memref<256xf32, #tpu.memory_space<vmem>>
      %gather3A_1470 = tpu.vector_load_idx %gather3A_1469[%add3A_1467] : memref<256xf32, #tpu.memory_space<vmem>>[vector<16xi32>], vector<16xf32>,
      %add3A_1471 = arith.addf %add3A_1458, %gather3A_1470 : vector<16xf32>
      %add3A_1472 = arith.addf %add3A_820, %gather3A_1470 : vector<16xf32>
      %swap3A_1473 = arith.constant 4992 : index
      %swap3A_1474 = tpu.vector_load %arg6[%swap3A_1473] {strides = array<i32>} : memref<7696xf32, #tpu.memory_space<vmem>>, vector<16xf32>,
      tpu.vector_store %arg6[%swap3A_1473], %add3A_1472 {strides = array<i32>} : memref<7696xf32, #tpu.memory_space<vmem>>, vector<16xf32>,
      %mul3A_1475 = arith.constant 16 : i32
      %mul3A_1476 = vector.broadcast %mul3A_1475 : i32 to vector<16xi32>
      %mul3A_1477 = arith.muli %iota3A, %mul3A_1476 : vector<16xi32>
      %add3A_1478 = arith.constant 4 : i32
      %add3A_1479 = vector.broadcast %add3A_1478 : i32 to vector<16xi32>
      %add3A_1480 = arith.addi %mul3A_1477, %add3A_1479 : vector<16xi32>
      %gather3A_1481 = arith.constant 4352 : i32
      %gather3A_1482 = tpu.memref_slice %arg6[%gather3A_1481] : memref<7696xf32, #tpu.memory_space<vmem>> -> memref<256xf32, #tpu.memory_space<vmem>>
      %gather3A_1483 = tpu.vector_load_idx %gather3A_1482[%add3A_1480] : memref<256xf32, #tpu.memory_space<vmem>>[vector<16xi32>], vector<16xf32>,
      %add3A_1484 = arith.addf %add3A_1471, %gather3A_1483 : vector<16xf32>
      %add3A_1485 = arith.addf %add3A_870, %gather3A_1483 : vector<16xf32>
      %swap3A_1486 = arith.constant 5120 : index
      %swap3A_1487 = tpu.vector_load %arg6[%swap3A_1486] {strides = array<i32>} : memref<7696xf32, #tpu.memory_space<vmem>>, vector<16xf32>,
      tpu.vector_store %arg6[%swap3A_1486], %add3A_1485 {strides = array<i32>} : memref<7696xf32, #tpu.memory_space<vmem>>, vector<16xf32>,
      %mul3A_1488 = arith.constant 16 : i32
      %mul3A_1489 = vector.broadcast %mul3A_1488 : i32 to vector<16xi32>
      %mul3A_1490 = arith.muli %iota3A, %mul3A_1489 : vector<16xi32>
      %add3A_1491 = arith.constant 5 : i32
      %add3A_1492 = vector.broadcast %add3A_1491 : i32 to vector<16xi32>
      %add3A_1493 = arith.addi %mul3A_1490, %add3A_1492 : vector<16xi32>
      %gather3A_1494 = arith.constant 4352 : i32
      %gather3A_1495 = tpu.memref_slice %arg6[%gather3A_1494] : memref<7696xf32, #tpu.memory_space<vmem>> -> memref<256xf32, #tpu.memory_space<vmem>>
      %gather3A_1496 = tpu.vector_load_idx %gather3A_1495[%add3A_1493] : memref<256xf32, #tpu.memory_space<vmem>>[vector<16xi32>], vector<16xf32>,
      %add3A_1497 = arith.addf %add3A_1484, %gather3A_1496 : vector<16xf32>
      %add3A_1498 = arith.addf %add3A_920, %gather3A_1496 : vector<16xf32>
      %swap3A_1499 = arith.constant 5248 : index
      %swap3A_1500 = tpu.vector_load %arg6[%swap3A_1499] {strides = array<i32>} : memref<7696xf32, #tpu.memory_space<vmem>>, vector<16xf32>,
      tpu.vector_store %arg6[%swap3A_1499], %add3A_1498 {strides = array<i32>} : memref<7696xf32, #tpu.memory_space<vmem>>, vector<16xf32>,
      %mul3A_1501 = arith.constant 16 : i32
      %mul3A_1502 = vector.broadcast %mul3A_1501 : i32 to vector<16xi32>
      %mul3A_1503 = arith.muli %iota3A, %mul3A_1502 : vector<16xi32>
      %add3A_1504 = arith.constant 6 : i32
      %add3A_1505 = vector.broadcast %add3A_1504 : i32 to vector<16xi32>
      %add3A_1506 = arith.addi %mul3A_1503, %add3A_1505 : vector<16xi32>
      %gather3A_1507 = arith.constant 4352 : i32
      %gather3A_1508 = tpu.memref_slice %arg6[%gather3A_1507] : memref<7696xf32, #tpu.memory_space<vmem>> -> memref<256xf32, #tpu.memory_space<vmem>>
      %gather3A_1509 = tpu.vector_load_idx %gather3A_1508[%add3A_1506] : memref<256xf32, #tpu.memory_space<vmem>>[vector<16xi32>], vector<16xf32>,
      %add3A_1510 = arith.addf %add3A_1497, %gather3A_1509 : vector<16xf32>
      %add3A_1511 = arith.addf %add3A_970, %gather3A_1509 : vector<16xf32>
      %swap3A_1512 = arith.constant 5376 : index
      %swap3A_1513 = tpu.vector_load %arg6[%swap3A_1512] {strides = array<i32>} : memref<7696xf32, #tpu.memory_space<vmem>>, vector<16xf32>,
      tpu.vector_store %arg6[%swap3A_1512], %add3A_1511 {strides = array<i32>} : memref<7696xf32, #tpu.memory_space<vmem>>, vector<16xf32>,
      %mul3A_1514 = arith.constant 16 : i32
      %mul3A_1515 = vector.broadcast %mul3A_1514 : i32 to vector<16xi32>
      %mul3A_1516 = arith.muli %iota3A, %mul3A_1515 : vector<16xi32>
      %add3A_1517 = arith.constant 7 : i32
      %add3A_1518 = vector.broadcast %add3A_1517 : i32 to vector<16xi32>
      %add3A_1519 = arith.addi %mul3A_1516, %add3A_1518 : vector<16xi32>
      %gather3A_1520 = arith.constant 4352 : i32
      %gather3A_1521 = tpu.memref_slice %arg6[%gather3A_1520] : memref<7696xf32, #tpu.memory_space<vmem>> -> memref<256xf32, #tpu.memory_space<vmem>>
      %gather3A_1522 = tpu.vector_load_idx %gather3A_1521[%add3A_1519] : memref<256xf32, #tpu.memory_space<vmem>>[vector<16xi32>], vector<16xf32>,
      %add3A_1523 = arith.addf %add3A_1510, %gather3A_1522 : vector<16xf32>
      %add3A_1524 = arith.addf %add3A_1020, %gather3A_1522 : vector<16xf32>
      %swap3A_1525 = arith.constant 5504 : index
      %swap3A_1526 = tpu.vector_load %arg6[%swap3A_1525] {strides = array<i32>} : memref<7696xf32, #tpu.memory_space<vmem>>, vector<16xf32>,
      tpu.vector_store %arg6[%swap3A_1525], %add3A_1524 {strides = array<i32>} : memref<7696xf32, #tpu.memory_space<vmem>>, vector<16xf32>,
      %mul3A_1527 = arith.constant 16 : i32
      %mul3A_1528 = vector.broadcast %mul3A_1527 : i32 to vector<16xi32>
      %mul3A_1529 = arith.muli %iota3A, %mul3A_1528 : vector<16xi32>
      %add3A_1530 = arith.constant 8 : i32
      %add3A_1531 = vector.broadcast %add3A_1530 : i32 to vector<16xi32>
      %add3A_1532 = arith.addi %mul3A_1529, %add3A_1531 : vector<16xi32>
      %gather3A_1533 = arith.constant 4352 : i32
      %gather3A_1534 = tpu.memref_slice %arg6[%gather3A_1533] : memref<7696xf32, #tpu.memory_space<vmem>> -> memref<256xf32, #tpu.memory_space<vmem>>
      %gather3A_1535 = tpu.vector_load_idx %gather3A_1534[%add3A_1532] : memref<256xf32, #tpu.memory_space<vmem>>[vector<16xi32>], vector<16xf32>,
      %add3A_1536 = arith.addf %add3A_1523, %gather3A_1535 : vector<16xf32>
      %add3A_1537 = arith.addf %add3A_1070, %gather3A_1535 : vector<16xf32>
      %swap3A_1538 = arith.constant 5632 : index
      %swap3A_1539 = tpu.vector_load %arg6[%swap3A_1538] {strides = array<i32>} : memref<7696xf32, #tpu.memory_space<vmem>>, vector<16xf32>,
      tpu.vector_store %arg6[%swap3A_1538], %add3A_1537 {strides = array<i32>} : memref<7696xf32, #tpu.memory_space<vmem>>, vector<16xf32>,
      %mul3A_1540 = arith.constant 16 : i32
      %mul3A_1541 = vector.broadcast %mul3A_1540 : i32 to vector<16xi32>
      %mul3A_1542 = arith.muli %iota3A, %mul3A_1541 : vector<16xi32>
      %add3A_1543 = arith.constant 9 : i32
      %add3A_1544 = vector.broadcast %add3A_1543 : i32 to vector<16xi32>
      %add3A_1545 = arith.addi %mul3A_1542, %add3A_1544 : vector<16xi32>
      %gather3A_1546 = arith.constant 4352 : i32
      %gather3A_1547 = tpu.memref_slice %arg6[%gather3A_1546] : memref<7696xf32, #tpu.memory_space<vmem>> -> memref<256xf32, #tpu.memory_space<vmem>>
      %gather3A_1548 = tpu.vector_load_idx %gather3A_1547[%add3A_1545] : memref<256xf32, #tpu.memory_space<vmem>>[vector<16xi32>], vector<16xf32>,
      %add3A_1549 = arith.addf %add3A_1536, %gather3A_1548 : vector<16xf32>
      %add3A_1550 = arith.addf %add3A_1120, %gather3A_1548 : vector<16xf32>
      %swap3A_1551 = arith.constant 5760 : index
      %swap3A_1552 = tpu.vector_load %arg6[%swap3A_1551] {strides = array<i32>} : memref<7696xf32, #tpu.memory_space<vmem>>, vector<16xf32>,
      tpu.vector_store %arg6[%swap3A_1551], %add3A_1550 {strides = array<i32>} : memref<7696xf32, #tpu.memory_space<vmem>>, vector<16xf32>,
      %mul3A_1553 = arith.constant 16 : i32
      %mul3A_1554 = vector.broadcast %mul3A_1553 : i32 to vector<16xi32>
      %mul3A_1555 = arith.muli %iota3A, %mul3A_1554 : vector<16xi32>
      %add3A_1556 = arith.constant 10 : i32
      %add3A_1557 = vector.broadcast %add3A_1556 : i32 to vector<16xi32>
      %add3A_1558 = arith.addi %mul3A_1555, %add3A_1557 : vector<16xi32>
      %gather3A_1559 = arith.constant 4352 : i32
      %gather3A_1560 = tpu.memref_slice %arg6[%gather3A_1559] : memref<7696xf32, #tpu.memory_space<vmem>> -> memref<256xf32, #tpu.memory_space<vmem>>
      %gather3A_1561 = tpu.vector_load_idx %gather3A_1560[%add3A_1558] : memref<256xf32, #tpu.memory_space<vmem>>[vector<16xi32>], vector<16xf32>,
      %add3A_1562 = arith.addf %add3A_1549, %gather3A_1561 : vector<16xf32>
      %add3A_1563 = arith.addf %add3A_1170, %gather3A_1561 : vector<16xf32>
      %swap3A_1564 = arith.constant 5888 : index
      %swap3A_1565 = tpu.vector_load %arg6[%swap3A_1564] {strides = array<i32>} : memref<7696xf32, #tpu.memory_space<vmem>>, vector<16xf32>,
      tpu.vector_store %arg6[%swap3A_1564], %add3A_1563 {strides = array<i32>} : memref<7696xf32, #tpu.memory_space<vmem>>, vector<16xf32>,
      %mul3A_1566 = arith.constant 16 : i32
      %mul3A_1567 = vector.broadcast %mul3A_1566 : i32 to vector<16xi32>
      %mul3A_1568 = arith.muli %iota3A, %mul3A_1567 : vector<16xi32>
      %add3A_1569 = arith.constant 11 : i32
      %add3A_1570 = vector.broadcast %add3A_1569 : i32 to vector<16xi32>
      %add3A_1571 = arith.addi %mul3A_1568, %add3A_1570 : vector<16xi32>
      %gather3A_1572 = arith.constant 4352 : i32
      %gather3A_1573 = tpu.memref_slice %arg6[%gather3A_1572] : memref<7696xf32, #tpu.memory_space<vmem>> -> memref<256xf32, #tpu.memory_space<vmem>>
      %gather3A_1574 = tpu.vector_load_idx %gather3A_1573[%add3A_1571] : memref<256xf32, #tpu.memory_space<vmem>>[vector<16xi32>], vector<16xf32>,
      %add3A_1575 = arith.addf %add3A_1562, %gather3A_1574 : vector<16xf32>
      %add3A_1576 = arith.addf %add3A_1220, %gather3A_1574 : vector<16xf32>
      %swap3A_1577 = arith.constant 6016 : index
      %swap3A_1578 = tpu.vector_load %arg6[%swap3A_1577] {strides = array<i32>} : memref<7696xf32, #tpu.memory_space<vmem>>, vector<16xf32>,
      tpu.vector_store %arg6[%swap3A_1577], %add3A_1576 {strides = array<i32>} : memref<7696xf32, #tpu.memory_space<vmem>>, vector<16xf32>,
      %mul3A_1579 = arith.constant 16 : i32
      %mul3A_1580 = vector.broadcast %mul3A_1579 : i32 to vector<16xi32>
      %mul3A_1581 = arith.muli %iota3A, %mul3A_1580 : vector<16xi32>
      %add3A_1582 = arith.constant 12 : i32
      %add3A_1583 = vector.broadcast %add3A_1582 : i32 to vector<16xi32>
      %add3A_1584 = arith.addi %mul3A_1581, %add3A_1583 : vector<16xi32>
      %gather3A_1585 = arith.constant 4352 : i32
      %gather3A_1586 = tpu.memref_slice %arg6[%gather3A_1585] : memref<7696xf32, #tpu.memory_space<vmem>> -> memref<256xf32, #tpu.memory_space<vmem>>
      %gather3A_1587 = tpu.vector_load_idx %gather3A_1586[%add3A_1584] : memref<256xf32, #tpu.memory_space<vmem>>[vector<16xi32>], vector<16xf32>,
      %add3A_1588 = arith.addf %add3A_1575, %gather3A_1587 : vector<16xf32>
      %add3A_1589 = arith.addf %add3A_1270, %gather3A_1587 : vector<16xf32>
      %swap3A_1590 = arith.constant 6144 : index
      %swap3A_1591 = tpu.vector_load %arg6[%swap3A_1590] {strides = array<i32>} : memref<7696xf32, #tpu.memory_space<vmem>>, vector<16xf32>,
      tpu.vector_store %arg6[%swap3A_1590], %add3A_1589 {strides = array<i32>} : memref<7696xf32, #tpu.memory_space<vmem>>, vector<16xf32>,
      %mul3A_1592 = arith.constant 16 : i32
      %mul3A_1593 = vector.broadcast %mul3A_1592 : i32 to vector<16xi32>
      %mul3A_1594 = arith.muli %iota3A, %mul3A_1593 : vector<16xi32>
      %add3A_1595 = arith.constant 13 : i32
      %add3A_1596 = vector.broadcast %add3A_1595 : i32 to vector<16xi32>
      %add3A_1597 = arith.addi %mul3A_1594, %add3A_1596 : vector<16xi32>
      %gather3A_1598 = arith.constant 4352 : i32
      %gather3A_1599 = tpu.memref_slice %arg6[%gather3A_1598] : memref<7696xf32, #tpu.memory_space<vmem>> -> memref<256xf32, #tpu.memory_space<vmem>>
      %gather3A_1600 = tpu.vector_load_idx %gather3A_1599[%add3A_1597] : memref<256xf32, #tpu.memory_space<vmem>>[vector<16xi32>], vector<16xf32>,
      %add3A_1601 = arith.addf %add3A_1588, %gather3A_1600 : vector<16xf32>
      %add3A_1602 = arith.addf %add3A_1320, %gather3A_1600 : vector<16xf32>
      %swap3A_1603 = arith.constant 6272 : index
      %swap3A_1604 = tpu.vector_load %arg6[%swap3A_1603] {strides = array<i32>} : memref<7696xf32, #tpu.memory_space<vmem>>, vector<16xf32>,
      tpu.vector_store %arg6[%swap3A_1603], %add3A_1602 {strides = array<i32>} : memref<7696xf32, #tpu.memory_space<vmem>>, vector<16xf32>,
      %mul3A_1605 = arith.constant 16 : i32
      %mul3A_1606 = vector.broadcast %mul3A_1605 : i32 to vector<16xi32>
      %mul3A_1607 = arith.muli %iota3A, %mul3A_1606 : vector<16xi32>
      %add3A_1608 = arith.constant 14 : i32
      %add3A_1609 = vector.broadcast %add3A_1608 : i32 to vector<16xi32>
      %add3A_1610 = arith.addi %mul3A_1607, %add3A_1609 : vector<16xi32>
      %gather3A_1611 = arith.constant 4352 : i32
      %gather3A_1612 = tpu.memref_slice %arg6[%gather3A_1611] : memref<7696xf32, #tpu.memory_space<vmem>> -> memref<256xf32, #tpu.memory_space<vmem>>
      %gather3A_1613 = tpu.vector_load_idx %gather3A_1612[%add3A_1610] : memref<256xf32, #tpu.memory_space<vmem>>[vector<16xi32>], vector<16xf32>,
      %add3A_1614 = arith.addf %add3A_1601, %gather3A_1613 : vector<16xf32>
      %add3A_1615 = arith.addf %add3A_1370, %gather3A_1613 : vector<16xf32>
      %swap3A_1616 = arith.constant 6400 : index
      %swap3A_1617 = tpu.vector_load %arg6[%swap3A_1616] {strides = array<i32>} : memref<7696xf32, #tpu.memory_space<vmem>>, vector<16xf32>,
      tpu.vector_store %arg6[%swap3A_1616], %add3A_1615 {strides = array<i32>} : memref<7696xf32, #tpu.memory_space<vmem>>, vector<16xf32>,
      %mul3A_1618 = arith.constant 16 : i32
      %mul3A_1619 = vector.broadcast %mul3A_1618 : i32 to vector<16xi32>
      %mul3A_1620 = arith.muli %iota3A, %mul3A_1619 : vector<16xi32>
      %add3A_1621 = arith.constant 15 : i32
      %add3A_1622 = vector.broadcast %add3A_1621 : i32 to vector<16xi32>
      %add3A_1623 = arith.addi %mul3A_1620, %add3A_1622 : vector<16xi32>
      %gather3A_1624 = arith.constant 4352 : i32
      %gather3A_1625 = tpu.memref_slice %arg6[%gather3A_1624] : memref<7696xf32, #tpu.memory_space<vmem>> -> memref<256xf32, #tpu.memory_space<vmem>>
      %gather3A_1626 = tpu.vector_load_idx %gather3A_1625[%add3A_1623] : memref<256xf32, #tpu.memory_space<vmem>>[vector<16xi32>], vector<16xf32>,
      %add3A_1627 = arith.addf %add3A_1614, %gather3A_1626 : vector<16xf32>
      %add3A_1628 = arith.addf %add3A_1420, %gather3A_1626 : vector<16xf32>
      %swap3A_1629 = arith.constant 6528 : index
      %swap3A_1630 = tpu.vector_load %arg6[%swap3A_1629] {strides = array<i32>} : memref<7696xf32, #tpu.memory_space<vmem>>, vector<16xf32>,
      tpu.vector_store %arg6[%swap3A_1629], %add3A_1628 {strides = array<i32>} : memref<7696xf32, #tpu.memory_space<vmem>>, vector<16xf32>,
      %add3A_1631 = arith.addf %add3A_1627, %add3A_1423 : vector<16xf32>
      %dma_wait3A_1632 = arith.constant 6656 : i32
      %dma_wait3A_1633 = tpu.memref_slice %arg6[%dma_wait3A_1632] : memref<7696xf32, #tpu.memory_space<vmem>> -> memref<16xf32, #tpu.memory_space<vmem>>
      %dma_wait3A_1634 = arith.constant 6656 : i32
      %dma_wait3A_1635 = tpu.memref_slice %arg6[%dma_wait3A_1634] : memref<7696xf32, #tpu.memory_space<vmem>> -> memref<16xf32, #tpu.memory_space<vmem>>
      tpu.wait_dma2 semaphore(%arg9 : memref<!tpu.dma_semaphore, #tpu.memory_space<semaphore_mem>>) src(%arg3 : memref<16xf32, #tpu.memory_space<hbm>>) dst(%dma_wait3A_1635 : memref<16xf32, #tpu.memory_space<vmem>>)
      %get3A_1636 = arith.constant 6656 : index
      %get3A_1637 = tpu.vector_load %arg6[%get3A_1636] {strides = array<i32>} : memref<7696xf32, #tpu.memory_space<vmem>>, vector<16xf32>,
      %mul3A_1638 = arith.constant 9.900000e-01 : f32
      %mul3A_1639 = vector.broadcast %mul3A_1638 : f32 to vector<16xf32>
      %mul3A_1640 = arith.mulf %get3A_1637, %mul3A_1639 : vector<16xf32>
      %mul3A_1641 = arith.constant 1.2207031E-6 : f32
      %mul3A_1642 = vector.broadcast %mul3A_1641 : f32 to vector<16xf32>
      %mul3A_1643 = arith.mulf %add3A_1631, %mul3A_1642 : vector<16xf32>
      %add3A_1644 = arith.addf %mul3A_1640, %mul3A_1643 : vector<16xf32>
      %swap3A_1645 = arith.constant 6656 : index
      %swap3A_1646 = tpu.vector_load %arg6[%swap3A_1645] {strides = array<i32>} : memref<7696xf32, #tpu.memory_space<vmem>>, vector<16xf32>,
      tpu.vector_store %arg6[%swap3A_1645], %add3A_1644 {strides = array<i32>} : memref<7696xf32, #tpu.memory_space<vmem>>, vector<16xf32>,
      %dma_start3A_1647 = arith.constant 6656 : i32
      %dma_start3A_1648 = tpu.memref_slice %arg6[%dma_start3A_1647] : memref<7696xf32, #tpu.memory_space<vmem>> -> memref<16xf32, #tpu.memory_space<vmem>>
      %dma_start3A_1649 = arith.constant 6656 : i32
      %dma_start3A_1650 = tpu.memref_slice %arg6[%dma_start3A_1649] : memref<7696xf32, #tpu.memory_space<vmem>> -> memref<16xf32, #tpu.memory_space<vmem>>
      tpu.enqueue_dma source(%dma_start3A_1650 : memref<16xf32, #tpu.memory_space<vmem>>) target(%arg4 : memref<16xf32, #tpu.memory_space<hbm>>) target_semaphore(%arg9 : memref<!tpu.dma_semaphore, #tpu.memory_space<semaphore_mem>>)
      %dma_start3A_1651 = arith.constant 4608 : i32
      %dma_start3A_1652 = tpu.memref_slice %arg6[%dma_start3A_1651] : memref<7696xf32, #tpu.memory_space<vmem>> -> memref<2048xf32, #tpu.memory_space<vmem>>
      %dma_start3A_1653 = arith.constant 4608 : i32
      %dma_start3A_1654 = tpu.memref_slice %arg6[%dma_start3A_1653] : memref<7696xf32, #tpu.memory_space<vmem>> -> memref<2048xf32, #tpu.memory_space<vmem>>
      tpu.enqueue_dma source(%dma_start3A_1654 : memref<2048xf32, #tpu.memory_space<vmem>>) target(%arg5 : memref<2048xf32, #tpu.memory_space<hbm>>) target_semaphore(%arg8 : memref<!tpu.dma_semaphore, #tpu.memory_space<semaphore_mem>>)
      %dma_wait3A_1655 = arith.constant 6656 : i32
      %dma_wait3A_1656 = tpu.memref_slice %arg6[%dma_wait3A_1655] : memref<7696xf32, #tpu.memory_space<vmem>> -> memref<16xf32, #tpu.memory_space<vmem>>
      %dma_wait3A_1657 = arith.constant 6656 : i32
      %dma_wait3A_1658 = tpu.memref_slice %arg6[%dma_wait3A_1657] : memref<7696xf32, #tpu.memory_space<vmem>> -> memref<16xf32, #tpu.memory_space<vmem>>
      tpu.wait_dma2 semaphore(%arg9 : memref<!tpu.dma_semaphore, #tpu.memory_space<semaphore_mem>>) src(%dma_wait3A_1658 : memref<16xf32, #tpu.memory_space<vmem>>) dst(%arg4 : memref<16xf32, #tpu.memory_space<hbm>>)
      %dma_wait3A_1659 = arith.constant 4608 : i32
      %dma_wait3A_1660 = tpu.memref_slice %arg6[%dma_wait3A_1659] : memref<7696xf32, #tpu.memory_space<vmem>> -> memref<2048xf32, #tpu.memory_space<vmem>>
      %dma_wait3A_1661 = arith.constant 4608 : i32
      %dma_wait3A_1662 = tpu.memref_slice %arg6[%dma_wait3A_1661] : memref<7696xf32, #tpu.memory_space<vmem>> -> memref<2048xf32, #tpu.memory_space<vmem>>
      tpu.wait_dma2 semaphore(%arg8 : memref<!tpu.dma_semaphore, #tpu.memory_space<semaphore_mem>>) src(%dma_wait3A_1662 : memref<2048xf32, #tpu.memory_space<vmem>>) dst(%arg5 : memref<2048xf32, #tpu.memory_space<hbm>>)
    } else {
    }
    return
  }
}

</mosaic_0001>

<sc_bundles>
// kernel: kernel.3.cloned.1.call-start
scs
__scs_entry_jumppad:
0x0: {  	(pc) =	sbr.rel $0x88, $3  }
0x1: {  	(tag) =	ssettag $0x0;
	lr =	simm.s32 $0x1  }
0x2: {  	[smem:$0x3F9E] =	sst lr;
	_ =	strace $0xD0000000  }
0x3: {  	_ = 	snop  }
0x4: {  	_ = 	snop  }
0x5: {  	_ = 	snop  }
0x6: {  	_ = 	snop  }
0x7: {  	_ = 	snop  }
__scs_overlays_trampoline_lowered:
0x8: {  	[smem:$0x3FAD] =	sst s0  }
0x9: {  	[smem:$0x3FAE] =	sst s1  }
0xa: {  	[smem:$0x3FAF] =	sst s2  }
0xb: {  	[smem:$0x3FB0] =	sst s3  }
0xc: {  	[smem:$0x3FB1] =	sst s4  }
0xd: {  	[smem:$0x3FB2] =	sst s5  }
0xe: {  	[smem:$0x3FB3] =	sst s6  }
0xf: {  	[smem:$0x3FB4] =	sst s7  }
0x10: {  	[smem:$0x3FB5] =	sst s8  }
0x11: {  	[smem:$0x3FB6] =	sst s9;
	s0 =	simm.s32 @!p0 $0x0  }
0x12: {  	s1 =	sld [smem:$0x3F9C];
	s0 =	simm.s32 @p0 $0x1  }
0x13: {  	[smem:$0x3FB7] =	sst s0;
	s0 =	simm.s32 @!p1 $0x0  }
0x14: {  	s2 =	sld [smem:$0x3F9B];
	s0 =	simm.s32 @p1 $0x1  }
0x15: {  	[smem:$0x3FB8] =	sst s0;
	s0 =	simm.s32 @!p2 $0x0  }
0x16: {  	s3 =	sld [smem:$0x3FDB];
	s0 =	simm.s32 @p2 $0x1  }
0x17: {  	s4 =	simm.s32 $0x1BF5;
	[smem:$0x3FBA] =	sst s0  }
0x18: {  	s0 =	sld [smem:$0x3F9D];
	_ =	swait.ge [sflag:s4], $0x0  }
0x19: {  	s7 =	sld [smem:$0x3F9E]  }
0x1a: {  	s8 =	sadd.s32 $0xFFFFE003, lr  }
0x1b: {  	s9 =	sadd.s32 $0xFFFFFEF7, lr;
	s5 =	simm.s32 $0xFFFFFFFF;
	p2 =	slt.u32 s8, $0xFFFFF086  }
0x1c: {  	p1 =	slt.u32 s9, $0xF7A;
	s5 =	simm.s32 @!p2 $0x0  }
0x1d: {  	s5 =	simm.s32 @p1 $0x1;
	p0 =	seq.s32 s7, s2  }
0x1e: {  	s7 =	smul.u32 @!p0 $0xF7A, s2;
	p2 =	seq.s32 @!p0 s5, $0x0  }
0x1f: {  	s9 =	smul.u32 $0xF7A, s1;
	s8 =	simm.s32 @!p0 $0x1BF5;
	p2 =	por !p2, p0  }
0x20: {  	[sflag:s8] =	ssyncset.s32 @!p0 $0xFFFFF086;
	s6 =	sadd.s32 @!p0 s3, s7;
	s7 =	simm.s32 @!p0 $0x108  }
0x21: {  	s3 =	sadd.s32 s3, s9;
	s6 =	sadd.s32 @!p0 $0x88, s6;
	s7 =	simm.s32 @p2 $0x1082  }
0x22: {  	[simem:s7], [sflag:s8] =	dma.local @!p0 [hbm:s6], $0xF7A  }
0x23: {  	s9 =	sor.u32 $0xD0000000, s2;
	s6 =	simm.s32 $0x108;
	_ =	swait.ge @!p0 [sflag:s8], $0x0  }
0x24: {  	s3 =	sadd.s32 $0x88, s3;
	s6 =	simm.s32 @!p1 $0x1082;
	[sflag:s4] =	ssyncset.s32 $0xFFFFF086  }
0x25: {  	[simem:s6], [sflag:s4] =	dma.local [hbm:s3], $0xF7A  }
0x26: {  	[smem:$0x3F9E] =	sst s1;
	(tag) =	ssettag s2;
	_ =	strace s9  }
0x27: {  	s1 =	sld [smem:$0x3FAE]  }
0x28: {  	s2 =	sld [smem:$0x3FAF]  }
0x29: {  	s4 =	sld [smem:$0x3FB1]  }
0x2a: {  	p0 =	seq.s32 s5, $0x0;
	s5 =	sld [smem:$0x3FB2]  }
0x2b: {  	s6 =	sld [smem:$0x3FB3]  }
0x2c: {  	s7 =	sld [smem:$0x3FB4]  }
0x2d: {  	s3 =	simm.s32 $0x108;
	s8 =	sld [smem:$0x3FB5]  }
0x2e: {  	s3 =	simm.s32 @!p0 $0x1082;
	s9 =	sld [smem:$0x3FB6]  }
0x2f: {  	lr =	sadd.s32 s0, s3;
	s0 =	sld [smem:$0x3FAD]  }
0x30: {  	s3 =	sld [smem:$0x3FB0]  }
0x31: {  	[smem:$0x3FB9] =	sst s10  }
0x32: {  	s10 =	sld [smem:$0x3FB7];
	_ =	sdelay $0x3  }
0x33: {  	p0 =	seq.s32 s10, $0x1;
	s10 =	sld [smem:$0x3FB9];
	_ =	sdelay $0x3  }
0x34: {  	[smem:$0x3FB9] =	sst s10  }
0x35: {  	s10 =	sld [smem:$0x3FB8];
	_ =	sdelay $0x3  }
0x36: {  	p1 =	seq.s32 s10, $0x1;
	s10 =	sld [smem:$0x3FB9];
	_ =	sdelay $0x3  }
0x37: {  	[smem:$0x3FB9] =	sst s10  }
0x38: {  	s10 =	sld [smem:$0x3FBA]  }
0x39: {  	_ = 	snop;
	(pc) =	sbr.ind lr, $3  }
0x3a: {  	_ = 	snop  }
0x3b: {  	_ = 	snop  }
0x3c: {  	p2 =	seq.s32 s10, $0x1;
	s10 =	sld [smem:$0x3FB9]  }
0x3d: {  	_ =	shalt  }
0x3e: {  	_ =	shalt  }
0x3f: {  	_ =	shalt  }
0x40: {  	_ =	shalt  }
0x41: {  	_ =	shalt  }
0x42: {  	_ =	shalt  }
0x43: {  	_ =	shalt  }
0x44: {  	_ =	shalt  }
0x45: {  	_ =	shalt  }
0x46: {  	_ =	shalt  }
0x47: {  	_ =	shalt  }
0x48: {  	_ =	shalt  }
0x49: {  	_ =	shalt  }
0x4a: {  	_ =	shalt  }
0x4b: {  	_ =	shalt  }
0x4c: {  	_ =	shalt  }
0x4d: {  	_ =	shalt  }
0x4e: {  	_ =	shalt  }
0x4f: {  	_ =	shalt  }
0x50: {  	_ =	shalt  }
0x51: {  	_ =	shalt  }
0x52: {  	_ =	shalt  }
0x53: {  	_ =	shalt  }
0x54: {  	_ =	shalt  }
0x55: {  	_ =	shalt  }
0x56: {  	_ =	shalt  }
0x57: {  	_ =	shalt  }
0x58: {  	_ =	shalt  }
0x59: {  	_ =	shalt  }
0x5a: {  	_ =	shalt  }
0x5b: {  	_ =	shalt  }
0x5c: {  	_ =	shalt  }
0x5d: {  	_ =	shalt  }
0x5e: {  	_ =	shalt  }
0x5f: {  	_ =	shalt  }
0x60: {  	_ =	shalt  }
0x61: {  	_ =	shalt  }
0x62: {  	_ =	shalt  }
0x63: {  	_ =	shalt  }
0x64: {  	_ =	shalt  }
0x65: {  	_ =	shalt  }
0x66: {  	_ =	shalt  }
0x67: {  	_ =	shalt  }
0x68: {  	_ =	shalt  }
0x69: {  	_ =	shalt  }
0x6a: {  	_ =	shalt  }
0x6b: {  	_ =	shalt  }
0x6c: {  	_ =	shalt  }
0x6d: {  	_ =	shalt  }
0x6e: {  	_ =	shalt  }
0x6f: {  	_ =	shalt  }
0x70: {  	_ =	shalt  }
0x71: {  	_ =	shalt  }
0x72: {  	_ =	shalt  }
0x73: {  	_ =	shalt  }
0x74: {  	_ =	shalt  }
0x75: {  	_ =	shalt  }
0x76: {  	_ =	shalt  }
0x77: {  	_ =	shalt  }
0x78: {  	_ =	shalt  }
0x79: {  	_ =	shalt  }
0x7a: {  	_ =	shalt  }
0x7b: {  	_ =	shalt  }
0x7c: {  	_ =	shalt  }
0x7d: {  	_ =	shalt  }
0x7e: {  	_ =	shalt  }
0x7f: {  	_ =	shalt  }
0x80: {  	_ =	shalt  }
0x81: {  	_ =	shalt  }
0x82: {  	_ =	shalt  }
0x83: {  	_ =	shalt  }
0x84: {  	_ =	shalt  }
0x85: {  	_ =	shalt  }
0x86: {  	_ =	shalt  }
0x87: {  	_ =	shalt  }
.Lfunc_end0:
.L_simem_size_0:
called_computation_lowered:
.L_overlay_start_0:
0x88: {  	s0 =	sld [smem:$0x3FD9]  }
0x89: {  	s1 =	sld [smem:$0x3FFE];
	_ =	sdelay $0x3  }
0x8a: {  	s0 =	sadd.s32 s1, s0  }
0x8b: {  	[smem:$0x3FC5] =	sst s0  }
0x8c: {  	_ = 	snop  }
0x8d: {  	s0 =	sld [smem:$0x3FD0];
	_ =	sdelay $0x2  }
0x8e: {  	s2 =	simm.s32 $0xA;
	s3 =	simm.s32 $0x10;
	s13 =	sld [smem:$0x3FC8]  }
0x8f: {  	[smem:s3], [sflag:s2] =	dma.local [hbm:s0], $0x1  }
0x90: {  	_ =	swait.eq [sflag:s2], $0x1  }
0x91: {  	[sflag:s2] =	ssyncset.done $0x0  }
0x92: {  	s14 =	sld [smem:$0x10];
	[sflag:s2] =	ssyncadd.s32 $0xFFFFFFFF  }
0x93: {  	s15 =	sld [smem:$0x11];
	(tm) =	ssettm $0x1  }
0x94: {  	s16 =	sld [smem:$0x3FFB];
	_ =	sdelay $0x3  }
0x95: {  	_ =	strace s16  }
0x96: {  	s3 =	sld [smem:$0x3FFC];
	_ =	sdelay $0x3  }
0x97: {  	_ =	strace s3  }
0x98: {  	s3 =	sld [smem:$0x3FFD];
	_ =	sdelay $0x3  }
0x99: {  	_ =	strace s3  }
0x9a: {  	_ =	strace $0x8FFFFFFF  }
0x9b: {  	s17 =	sld [smem:$0x3FDB];
	_ =	sdelay $0x1  }
0x9c: {  	s4 =	simm.s32 $_scs_section_size  }
0x9d: {  	s5 =	simm.s32 $_size__tile_overlayer_lowered;
	s6 =	simm.s32 $_tile_overlayer_lowered  }
0x9e: {  	s20 =	simm.s32 $0x1BFF;
	s19 =	sshll.u32 s6, $0x1;
	s3 =	sadd.s32 s4, s17  }
0x9f: {  	s7 =	simm.s32 $0x0;
	s18 =	sshll.u32 s5, $0x1;
	s5 =	sadd.s32 s19, s3  }
0xa0: {  	[timem:s7], [sflag:s20] =	dma.local [hbm:s5], s18  }
0xa1: {  	_ =	swait.ge [sflag:s20], s18  }
0xa2: {  	s4 =	ssub.s32 $0x0, s18;
	[sflag:s20] =	ssyncset.done $0x0  }
0xa3: {  	[sflag:s20] =	ssyncadd.s32 s4;
	_ =	sdelay $0x1  }
0xa4: {  	s21 =	simm.s32 $0x1B8B  }
0xa5: {  	_ =	swait.ge [sflag:s21], $0x1  }
0xa6: {  	[sflag:s21] =	ssyncset.done $0x0  }
0xa7: {  	s23 =	simm.s32 $0x1B8E;
	s22 =	sld [smem:$0x3FFE];
	[sflag:s21] =	ssyncadd.s32 $0xFFFFFFFF  }
0xa8: {  	s24 =	simm.s32 $execute0_lowered;
	[smem:$0x3FD2] =	sst s23  }
0xa9: {  	s5 =	sshll.u32 s24, $0x1;
	_ =	strace $0x80000046;
	[dreg:$0x1] =	wrdreg $0xFFFFFFFF  }
0xaa: {  	s25 =	simm.s32 $_size_execute0_lowered;
	s3 =	sadd.s32 s3, s5;
	[dreg:$0x0] =	wrdreg $0x0  }
0xab: {  	s5 =	sshll.u32 s25, $0x1;
	[dreg:$0x2] =	wrdreg s3  }
0xac: {  	[dreg:$0x3] =	wrdreg s5  }
0xad: {  	[dreg:$0x4] =	wrdreg $0xC0  }
0xae: {  	_ =	task [dreg:s7], $0x5FFFF  }
0xaf: {  	[dreg:$0x1] =	wrdreg $0xFFFFFFFF  }
0xb0: {  	[dreg:$0x0] =	wrdreg $0x60  }
0xb1: {  	[dreg:$0x2] =	wrdreg s22  }
0xb2: {  	[dreg:$0x3] =	wrdreg s13  }
0xb3: {  	[dreg:$0x4] =	wrdreg s14  }
0xb4: {  	[dreg:$0x5] =	wrdreg s15  }
0xb5: {  	[dreg:$0x6] =	wrdreg $0x1E800  }
0xb6: {  	[dreg:$0x7] =	wrdreg $0x9  }
0xb7: {  	_ =	task.clear_ibuf [dreg:s7], $0x8FFFF;
	_ =	strace $0x90000046  }
0xb8: {  	s26 =	simm.s32 $0x9;
	_ =	strace $0x80000048  }
0xb9: {  	_ =	swait.ge [sflag:s26], $0x1  }
0xba: {  	[sflag:s26] =	ssyncadd.s32 $0xFFFFFFFF  }
0xbb: {  	_ =	strace $0x90000048  }
0xbc: {  	_ =	sfence  }
0xbd: {  	s28 =	sld [smem:$0x0];
	_ =	sdelay $0x1  }
0xbe: {  	s29 =	srdreg.scid  }
0xbf: {  	s30 =	sshll.u32 s29, $0xD;
	s31 =	sshrl.u32 s29, $0x2  }
0xc0: {  	s1 =	sand.u32 $0x1, s29;
	s2 =	sand.u32 $0x4000, s30;
	s0 =	sadd.s32 s31, s28  }
0xc1: {  	s1 =	sor.u32 s2, s1;
	s0 =	sshll.u32 s0, $0x11  }
0xc2: {  	s0 =	sor.u32 s0, s1  }
0xc3: {  	s0 =	sadd.s32 $0x8F2B, s0  }
0xc4: {  	[sflag:s0] =	ssyncadd.remote.s32 $0x1  }
0xc5: {  	_ =	sfence.sel $0xFFFF  }
0xc6: {  	[dreg:$0x0] =	wrdreg $0xFFFFFFFF;
	(pc) =	sbr.abs _section_cstart, $3  }
0xc7: {  	[dreg:$0x1] =	wrdreg $0xFFFFFFFF  }
0xc8: {  	_ =	task.clear_ibuf [dreg:s7], $0x2FFFF;
	_ =	strace $0x9FFFFFFF  }
0xc9: {  	(tm) =	ssettm $0x7FFFFFFF  }
tec
execute0_lowered:
.L_overlay_start_1:
0x0: {  	(tag) =	ssettag $0x1  }
0x1: {  	s4 =	rddreg [dreg:$0x0]  }
0x2: {  	s7 =	rddreg [dreg:$0x1]  }
0x3: {  	s2 =	rddreg [dreg:$0x2]  }
0x4: {  	s1 =	rddreg [dreg:$0x3]  }
0x5: {  	s5 =	rddreg [dreg:$0x4];
	s6 =	stileid.u32  }
0x6: {  	s0 =	rddreg [dreg:$0x5];
	s3 =	simm.s32 $0x0;
	s8 =	sshll.u32 s6, $0x7  }
0x7: {  	s31 =	simm.s32 $0x1A10;
	[smem:$0x7FF] =	sst s3;
	s4 =	sadd.s32 s8, s4  }
0x8: {  	p0 =	sne.s32 s6, $0x0;
	_ =	strace $0x80000047;
	s4 =	sadd.s32 $0x800, s4  }
0x9: {  	[tilespmem:s31], [sflag:$0x1] =	stream.linear.gather [hbm4b:s4+s3], $0x400, $0x38;
	[tilespmem:$0x1F80] =	vst v63  }
0xa: {  	s8 =	simm.s32 @!p0 $0x1A00;
	s4 =	simm.s32 @!p0 $0x0  }
0xb: {  	v0 =	vimm.f32 $0.0e+00;
	[tilespmem:s8], [sflag:$0x2] =	stream.linear.gather @!p0 [hbm4b:s7+s4], $0x10, $0x38;
	[tilespmem:$0x1F80] =	vst v63  }
0xc: {  	[tilespmem:$0x0] =	vst v0  }
0xd: {  	[tilespmem:$0x10] =	vst v0  }
0xe: {  	[tilespmem:$0x20] =	vst v0  }
0xf: {  	[tilespmem:$0x30] =	vst v0  }
0x10: {  	[tilespmem:$0x40] =	vst v0  }
0x11: {  	[tilespmem:$0x50] =	vst v0  }
0x12: {  	[tilespmem:$0x60] =	vst v0  }
0x13: {  	[tilespmem:$0x70] =	vst v0  }
0x14: {  	[tilespmem:$0x80] =	vst v0  }
0x15: {  	[tilespmem:$0x90] =	vst v0  }
0x16: {  	[tilespmem:$0xA0] =	vst v0  }
0x17: {  	[tilespmem:$0xB0] =	vst v0  }
0x18: {  	[tilespmem:$0xC0] =	vst v0  }
0x19: {  	[tilespmem:$0xD0] =	vst v0  }
0x1a: {  	[tilespmem:$0xE0] =	vst v0  }
0x1b: {  	s4 =	simm.s32 $0x1;
	[tilespmem:$0xF0] =	vst v0  }
0x1c: {  	_ =	swait.ge [sflag:s4], $0x400  }
0x1d: {  	[sflag:s4] =	ssyncset.done $0x0  }
0x1e: {  	[sflag:s4] =	ssyncadd.s32 $0xFFFFFC00  }
0x1f: {  	v15 =	vld [tilespmem:$0x1A10]  }
0x20: {  	v1 =	vld [tilespmem:$0x1A90]  }
0x21: {  	v2 =	vld [tilespmem:$0x1A20]  }
0x22: {  	v3 =	vld [tilespmem:$0x1AA0];
	_ =	sdelay $0x2  }
0x23: {  	v0 =	vshll.u32 v15, $0x4  }
0x24: {  	v16 =	vshll.u32 v2, $0x4;
	v0 =	vadd.s32 v1, v0  }
0x25: {  	v1 =	vadd.s32 v3, v16;
	(xrf1) =	vunique.msk.u32 $0xffff, v0  }
0x26: {  	(xrf1) =	vunique.msk.u32 $0xffff, v1;
	_ =	sdelay $0xc  }
0x27: {  	_, v17, vm0 =	vpop (xrf1)  }
0x28: {  	_, v18, vm1 =	vpop (xrf1);
	_ =	sdelay $0x2  }
0x29: {  	v2 =	vcvt.s32.f32 v17  }
0x2a: {  	v3 =	vcvt.s32.f32 v18  }
0x2b: {  	[tilespmem:v0+s3+$0x0] =	vst.idx.add.f32.msk vm0, v2  }
0x2c: {  	[tilespmem:v1+s3+$0x0] =	vst.idx.add.f32.msk vm1, v3  }
0x2d: {  	v0 =	vld [tilespmem:$0x1A30]  }
0x2e: {  	v1 =	vld [tilespmem:$0x1AB0]  }
0x2f: {  	v2 =	vld [tilespmem:$0x1A40]  }
0x30: {  	v3 =	vld [tilespmem:$0x1AC0];
	_ =	sdelay $0x2  }
0x31: {  	v0 =	vshll.u32 v0, $0x4  }
0x32: {  	v19 =	vshll.u32 v2, $0x4;
	v0 =	vadd.s32 v1, v0  }
0x33: {  	v1 =	vadd.s32 v3, v19;
	(xrf1) =	vunique.msk.u32 $0xffff, v0  }
0x34: {  	(xrf1) =	vunique.msk.u32 $0xffff, v1;
	_ =	sdelay $0xc  }
0x35: {  	_, v20, vm10 =	vpop (xrf1)  }
0x36: {  	_, v21, vm11 =	vpop (xrf1);
	_ =	sdelay $0x2  }
0x37: {  	v2 =	vcvt.s32.f32 v20  }
0x38: {  	v3 =	vcvt.s32.f32 v21  }
0x39: {  	[tilespmem:v0+s3+$0x0] =	vst.idx.add.f32.msk vm10, v2  }
0x3a: {  	[tilespmem:v1+s3+$0x0] =	vst.idx.add.f32.msk vm11, v3  }
0x3b: {  	v0 =	vld [tilespmem:$0x1A50]  }
0x3c: {  	v1 =	vld [tilespmem:$0x1AD0]  }
0x3d: {  	v2 =	vld [tilespmem:$0x1A60]  }
0x3e: {  	v3 =	vld [tilespmem:$0x1AE0];
	_ =	sdelay $0x2  }
0x3f: {  	v0 =	vshll.u32 v0, $0x4  }
0x40: {  	v22 =	vshll.u32 v2, $0x4;
	v0 =	vadd.s32 v1, v0  }
0x41: {  	v1 =	vadd.s32 v3, v22;
	(xrf1) =	vunique.msk.u32 $0xffff, v0  }
0x42: {  	(xrf1) =	vunique.msk.u32 $0xffff, v1;
	_ =	sdelay $0xc  }
0x43: {  	_, v23, vm12 =	vpop (xrf1)  }
0x44: {  	_, v24, vm13 =	vpop (xrf1);
	_ =	sdelay $0x2  }
0x45: {  	v2 =	vcvt.s32.f32 v23  }
0x46: {  	v3 =	vcvt.s32.f32 v24  }
0x47: {  	[tilespmem:v0+s3+$0x0] =	vst.idx.add.f32.msk vm12, v2  }
0x48: {  	[tilespmem:v1+s3+$0x0] =	vst.idx.add.f32.msk vm13, v3  }
0x49: {  	v0 =	vld [tilespmem:$0x1A70]  }
0x4a: {  	v1 =	vld [tilespmem:$0x1AF0]  }
0x4b: {  	v2 =	vld [tilespmem:$0x1A80]  }
0x4c: {  	v3 =	vld [tilespmem:$0x1B00];
	_ =	sdelay $0x2  }
0x4d: {  	v0 =	vshll.u32 v0, $0x4  }
0x4e: {  	v25 =	vshll.u32 v2, $0x4;
	v0 =	vadd.s32 v1, v0  }
0x4f: {  	v1 =	vadd.s32 v3, v25;
	(xrf1) =	vunique.msk.u32 $0xffff, v0  }
0x50: {  	(xrf1) =	vunique.msk.u32 $0xffff, v1;
	_ =	sdelay $0xc  }
0x51: {  	_, v26, vm14 =	vpop (xrf1)  }
0x52: {  	_, v27, vm15 =	vpop (xrf1);
	_ =	sdelay $0x2  }
0x53: {  	v2 =	vcvt.s32.f32 v26  }
0x54: {  	v3 =	vcvt.s32.f32 v27  }
0x55: {  	[tilespmem:v0+s3+$0x0] =	vst.idx.add.f32.msk vm14, v2  }
0x56: {  	[tilespmem:v1+s3+$0x0] =	vst.idx.add.f32.msk vm15, v3  }
0x57: {  	v0 =	vld [tilespmem:$0x1B10]  }
0x58: {  	v1 =	vld [tilespmem:$0x1B90]  }
0x59: {  	v2 =	vld [tilespmem:$0x1B20]  }
0x5a: {  	v3 =	vld [tilespmem:$0x1BA0];
	_ =	sdelay $0x2  }
0x5b: {  	v0 =	vshll.u32 v0, $0x4  }
0x5c: {  	v28 =	vshll.u32 v2, $0x4;
	v0 =	vadd.s32 v1, v0  }
0x5d: {  	v1 =	vadd.s32 v3, v28;
	(xrf1) =	vunique.msk.u32 $0xffff, v0  }
0x5e: {  	(xrf1) =	vunique.msk.u32 $0xffff, v1;
	_ =	sdelay $0xc  }
0x5f: {  	_, v29, vm4 =	vpop (xrf1)  }
0x60: {  	_, v30, vm5 =	vpop (xrf1);
	_ =	sdelay $0x2  }
0x61: {  	v2 =	vcvt.s32.f32 v29  }
0x62: {  	v3 =	vcvt.s32.f32 v30  }
0x63: {  	[tilespmem:v0+s3+$0x0] =	vst.idx.add.f32.msk vm4, v2  }
0x64: {  	[tilespmem:v1+s3+$0x0] =	vst.idx.add.f32.msk vm5, v3  }
0x65: {  	v0 =	vld [tilespmem:$0x1B30]  }
0x66: {  	v1 =	vld [tilespmem:$0x1BB0]  }
0x67: {  	v2 =	vld [tilespmem:$0x1B40]  }
0x68: {  	v3 =	vld [tilespmem:$0x1BC0];
	_ =	sdelay $0x2  }
0x69: {  	v0 =	vshll.u32 v0, $0x4  }
0x6a: {  	v31 =	vshll.u32 v2, $0x4;
	v0 =	vadd.s32 v1, v0  }
0x6b: {  	v1 =	vadd.s32 v3, v31;
	(xrf1) =	vunique.msk.u32 $0xffff, v0  }
0x6c: {  	(xrf1) =	vunique.msk.u32 $0xffff, v1;
	_ =	sdelay $0xc  }
0x6d: {  	_, v32, vm6 =	vpop (xrf1)  }
0x6e: {  	_, v33, vm7 =	vpop (xrf1);
	_ =	sdelay $0x2  }
0x6f: {  	v2 =	vcvt.s32.f32 v32  }
0x70: {  	v3 =	vcvt.s32.f32 v33  }
0x71: {  	[tilespmem:v0+s3+$0x0] =	vst.idx.add.f32.msk vm6, v2  }
0x72: {  	[tilespmem:v1+s3+$0x0] =	vst.idx.add.f32.msk vm7, v3  }
0x73: {  	v0 =	vld [tilespmem:$0x1B50]  }
0x74: {  	v1 =	vld [tilespmem:$0x1BD0]  }
0x75: {  	v2 =	vld [tilespmem:$0x1B60]  }
0x76: {  	v3 =	vld [tilespmem:$0x1BE0];
	_ =	sdelay $0x2  }
0x77: {  	v0 =	vshll.u32 v0, $0x4  }
0x78: {  	v34 =	vshll.u32 v2, $0x4;
	v0 =	vadd.s32 v1, v0  }
0x79: {  	v1 =	vadd.s32 v3, v34;
	(xrf1) =	vunique.msk.u32 $0xffff, v0  }
0x7a: {  	(xrf1) =	vunique.msk.u32 $0xffff, v1;
	_ =	sdelay $0xc  }
0x7b: {  	_, v35, vm8 =	vpop (xrf1)  }
0x7c: {  	_, v36, vm9 =	vpop (xrf1);
	_ =	sdelay $0x2  }
0x7d: {  	v2 =	vcvt.s32.f32 v35  }
0x7e: {  	v3 =	vcvt.s32.f32 v36  }
0x7f: {  	[tilespmem:v0+s3+$0x0] =	vst.idx.add.f32.msk vm8, v2  }
0x80: {  	[tilespmem:v1+s3+$0x0] =	vst.idx.add.f32.msk vm9, v3  }
0x81: {  	v0 =	vld [tilespmem:$0x1B70]  }
0x82: {  	v1 =	vld [tilespmem:$0x1BF0]  }
0x83: {  	v2 =	vld [tilespmem:$0x1B80]  }
0x84: {  	v3 =	vld [tilespmem:$0x1C00];
	_ =	sdelay $0x2  }
0x85: {  	v0 =	vshll.u32 v0, $0x4  }
0x86: {  	v37 =	vshll.u32 v2, $0x4;
	v0 =	vadd.s32 v1, v0  }
0x87: {  	v1 =	vadd.s32 v3, v37;
	(xrf1) =	vunique.msk.u32 $0xffff, v0  }
0x88: {  	(xrf1) =	vunique.msk.u32 $0xffff, v1;
	_ =	sdelay $0xc  }
0x89: {  	_, v38, vm10 =	vpop (xrf1)  }
0x8a: {  	_, v39, vm11 =	vpop (xrf1);
	_ =	sdelay $0x2  }
0x8b: {  	v2 =	vcvt.s32.f32 v38  }
0x8c: {  	v3 =	vcvt.s32.f32 v39  }
0x8d: {  	[tilespmem:v0+s3+$0x0] =	vst.idx.add.f32.msk vm10, v2  }
0x8e: {  	[tilespmem:v1+s3+$0x0] =	vst.idx.add.f32.msk vm11, v3  }
0x8f: {  	v0 =	vld [tilespmem:$0x1C10]  }
0x90: {  	v1 =	vld [tilespmem:$0x1C90]  }
0x91: {  	v2 =	vld [tilespmem:$0x1C20]  }
0x92: {  	v3 =	vld [tilespmem:$0x1CA0];
	_ =	sdelay $0x2  }
0x93: {  	v0 =	vshll.u32 v0, $0x4  }
0x94: {  	v40 =	vshll.u32 v2, $0x4;
	v0 =	vadd.s32 v1, v0  }
0x95: {  	v1 =	vadd.s32 v3, v40;
	(xrf1) =	vunique.msk.u32 $0xffff, v0  }
0x96: {  	(xrf1) =	vunique.msk.u32 $0xffff, v1;
	_ =	sdelay $0xc  }
0x97: {  	_, v41, vm12 =	vpop (xrf1)  }
0x98: {  	_, v42, vm13 =	vpop (xrf1);
	_ =	sdelay $0x2  }
0x99: {  	v2 =	vcvt.s32.f32 v41  }
0x9a: {  	v3 =	vcvt.s32.f32 v42  }
0x9b: {  	[tilespmem:v0+s3+$0x0] =	vst.idx.add.f32.msk vm12, v2  }
0x9c: {  	[tilespmem:v1+s3+$0x0] =	vst.idx.add.f32.msk vm13, v3  }
0x9d: {  	v0 =	vld [tilespmem:$0x1C30]  }
0x9e: {  	v1 =	vld [tilespmem:$0x1CB0]  }
0x9f: {  	v2 =	vld [tilespmem:$0x1C40]  }
0xa0: {  	v3 =	vld [tilespmem:$0x1CC0];
	_ =	sdelay $0x2  }
0xa1: {  	v0 =	vshll.u32 v0, $0x4  }
0xa2: {  	v43 =	vshll.u32 v2, $0x4;
	v0 =	vadd.s32 v1, v0  }
0xa3: {  	v1 =	vadd.s32 v3, v43;
	(xrf1) =	vunique.msk.u32 $0xffff, v0  }
0xa4: {  	(xrf1) =	vunique.msk.u32 $0xffff, v1;
	_ =	sdelay $0xc  }
0xa5: {  	_, v44, vm14 =	vpop (xrf1)  }
0xa6: {  	_, v45, vm15 =	vpop (xrf1);
	_ =	sdelay $0x2  }
0xa7: {  	v2 =	vcvt.s32.f32 v44  }
0xa8: {  	v3 =	vcvt.s32.f32 v45  }
0xa9: {  	[tilespmem:v0+s3+$0x0] =	vst.idx.add.f32.msk vm14, v2  }
0xaa: {  	[tilespmem:v1+s3+$0x0] =	vst.idx.add.f32.msk vm15, v3  }
0xab: {  	v0 =	vld [tilespmem:$0x1C50]  }
0xac: {  	v1 =	vld [tilespmem:$0x1CD0]  }
0xad: {  	v2 =	vld [tilespmem:$0x1C60]  }
0xae: {  	v3 =	vld [tilespmem:$0x1CE0];
	_ =	sdelay $0x2  }
0xaf: {  	v0 =	vshll.u32 v0, $0x4  }
0xb0: {  	v46 =	vshll.u32 v2, $0x4;
	v0 =	vadd.s32 v1, v0  }
0xb1: {  	v1 =	vadd.s32 v3, v46;
	(xrf1) =	vunique.msk.u32 $0xffff, v0  }
0xb2: {  	(xrf1) =	vunique.msk.u32 $0xffff, v1;
	_ =	sdelay $0xc  }
0xb3: {  	_, v47, vm4 =	vpop (xrf1)  }
0xb4: {  	_, v48, vm5 =	vpop (xrf1);
	_ =	sdelay $0x2  }
0xb5: {  	v2 =	vcvt.s32.f32 v47  }
0xb6: {  	v3 =	vcvt.s32.f32 v48  }
0xb7: {  	[tilespmem:v0+s3+$0x0] =	vst.idx.add.f32.msk vm4, v2  }
0xb8: {  	[tilespmem:v1+s3+$0x0] =	vst.idx.add.f32.msk vm5, v3  }
0xb9: {  	v0 =	vld [tilespmem:$0x1C70]  }
0xba: {  	v1 =	vld [tilespmem:$0x1CF0]  }
0xbb: {  	v2 =	vld [tilespmem:$0x1C80]  }
0xbc: {  	v3 =	vld [tilespmem:$0x1D00];
	_ =	sdelay $0x2  }
0xbd: {  	v0 =	vshll.u32 v0, $0x4  }
0xbe: {  	v49 =	vshll.u32 v2, $0x4;
	v0 =	vadd.s32 v1, v0  }
0xbf: {  	v1 =	vadd.s32 v3, v49;
	(xrf1) =	vunique.msk.u32 $0xffff, v0  }
0xc0: {  	(xrf1) =	vunique.msk.u32 $0xffff, v1;
	_ =	sdelay $0xc  }
0xc1: {  	_, v50, vm6 =	vpop (xrf1)  }
0xc2: {  	_, v51, vm7 =	vpop (xrf1);
	_ =	sdelay $0x2  }
0xc3: {  	v2 =	vcvt.s32.f32 v50  }
0xc4: {  	v3 =	vcvt.s32.f32 v51  }
0xc5: {  	[tilespmem:v0+s3+$0x0] =	vst.idx.add.f32.msk vm6, v2  }
0xc6: {  	[tilespmem:v1+s3+$0x0] =	vst.idx.add.f32.msk vm7, v3  }
0xc7: {  	v0 =	vld [tilespmem:$0x1D10]  }
0xc8: {  	v1 =	vld [tilespmem:$0x1D90]  }
0xc9: {  	v2 =	vld [tilespmem:$0x1D20]  }
0xca: {  	v3 =	vld [tilespmem:$0x1DA0];
	_ =	sdelay $0x2  }
0xcb: {  	v0 =	vshll.u32 v0, $0x4  }
0xcc: {  	v52 =	vshll.u32 v2, $0x4;
	v0 =	vadd.s32 v1, v0  }
0xcd: {  	v1 =	vadd.s32 v3, v52;
	(xrf1) =	vunique.msk.u32 $0xffff, v0  }
0xce: {  	(xrf1) =	vunique.msk.u32 $0xffff, v1;
	_ =	sdelay $0xc  }
0xcf: {  	_, v53, vm8 =	vpop (xrf1)  }
0xd0: {  	_, v54, vm9 =	vpop (xrf1);
	_ =	sdelay $0x2  }
0xd1: {  	v2 =	vcvt.s32.f32 v53  }
0xd2: {  	v3 =	vcvt.s32.f32 v54  }
0xd3: {  	[tilespmem:v0+s3+$0x0] =	vst.idx.add.f32.msk vm8, v2  }
0xd4: {  	[tilespmem:v1+s3+$0x0] =	vst.idx.add.f32.msk vm9, v3  }
0xd5: {  	v0 =	vld [tilespmem:$0x1D30]  }
0xd6: {  	v1 =	vld [tilespmem:$0x1DB0]  }
0xd7: {  	v2 =	vld [tilespmem:$0x1D40]  }
0xd8: {  	v3 =	vld [tilespmem:$0x1DC0];
	_ =	sdelay $0x2  }
0xd9: {  	v0 =	vshll.u32 v0, $0x4  }
0xda: {  	v55 =	vshll.u32 v2, $0x4;
	v0 =	vadd.s32 v1, v0  }
0xdb: {  	v1 =	vadd.s32 v3, v55;
	(xrf1) =	vunique.msk.u32 $0xffff, v0  }
0xdc: {  	(xrf1) =	vunique.msk.u32 $0xffff, v1;
	_ =	sdelay $0xc  }
0xdd: {  	_, v56, vm10 =	vpop (xrf1)  }
0xde: {  	_, v57, vm11 =	vpop (xrf1);
	_ =	sdelay $0x2  }
0xdf: {  	v2 =	vcvt.s32.f32 v56  }
0xe0: {  	v3 =	vcvt.s32.f32 v57  }
0xe1: {  	[tilespmem:v0+s3+$0x0] =	vst.idx.add.f32.msk vm10, v2  }
0xe2: {  	[tilespmem:v1+s3+$0x0] =	vst.idx.add.f32.msk vm11, v3  }
0xe3: {  	v0 =	vld [tilespmem:$0x1D50]  }
0xe4: {  	v1 =	vld [tilespmem:$0x1DD0]  }
0xe5: {  	v2 =	vld [tilespmem:$0x1D60]  }
0xe6: {  	v3 =	vld [tilespmem:$0x1DE0];
	_ =	sdelay $0x2  }
0xe7: {  	v0 =	vshll.u32 v0, $0x4  }
0xe8: {  	v58 =	vshll.u32 v2, $0x4;
	v0 =	vadd.s32 v1, v0  }
0xe9: {  	v1 =	vadd.s32 v3, v58;
	(xrf1) =	vunique.msk.u32 $0xffff, v0  }
0xea: {  	(xrf1) =	vunique.msk.u32 $0xffff, v1;
	_ =	sdelay $0xc  }
0xeb: {  	_, v59, vm12 =	vpop (xrf1)  }
0xec: {  	_, v60, vm13 =	vpop (xrf1);
	_ =	sdelay $0x2  }
0xed: {  	v2 =	vcvt.s32.f32 v59  }
0xee: {  	v3 =	vcvt.s32.f32 v60  }
0xef: {  	[tilespmem:v0+s3+$0x0] =	vst.idx.add.f32.msk vm12, v2  }
0xf0: {  	[tilespmem:v1+s3+$0x0] =	vst.idx.add.f32.msk vm13, v3  }
0xf1: {  	v0 =	vld [tilespmem:$0x1D70]  }
0xf2: {  	v1 =	vld [tilespmem:$0x1DF0]  }
0xf3: {  	v2 =	vld [tilespmem:$0x1D80]  }
0xf4: {  	v3 =	vld [tilespmem:$0x1E00];
	_ =	sdelay $0x2  }
0xf5: {  	v0 =	vshll.u32 v0, $0x4  }
0xf6: {  	v61 =	vshll.u32 v2, $0x4;
	v0 =	vadd.s32 v1, v0  }
0xf7: {  	v1 =	vadd.s32 v3, v61;
	(xrf1) =	vunique.msk.u32 $0xffff, v0  }
0xf8: {  	(xrf1) =	vunique.msk.u32 $0xffff, v1;
	_ =	sdelay $0xc  }
0xf9: {  	_, v62, vm14 =	vpop (xrf1)  }
0xfa: {  	_, v63, vm15 =	vpop (xrf1);
	_ =	sdelay $0x2  }
0xfb: {  	v2 =	vcvt.s32.f32 v62  }
0xfc: {  	v3 =	vcvt.s32.f32 v63  }
0xfd: {  	s6 =	sshll.u32 s6, $0x8;
	[tilespmem:v0+s3+$0x0] =	vst.idx.add.f32.msk vm14, v2  }
0xfe: {  	s6 =	sadd.s32 s6, s5;
	[tilespmem:v1+s3+$0x0] =	vst.idx.add.f32.msk vm15, v3  }
0xff: {  	[spmem:s6] =	stream.linear.scatter [tilespmem:s3], [sflag:$0x3], $0x100, $0x38;
	[tilespmem:$0x1F80] =	vst v63  }
0x100: {  	s6 =	simm.s32 $0x3  }
0x101: {  	_ =	swait.ge [sflag:s6], $0x100  }
0x102: {  	[sflag:s6] =	ssyncset.done $0x0  }
0x103: {  	[sflag:s6] =	ssyncadd.s32 $0xFFFFFF00  }
0x104: {  	[bflag:$0x0] =	sbarrier.arrive $0xFFFF  }
0x105: {  	_ =	sfence.sel @p0 $0x180000  }
0x106: {  	[bflag:$0x0] =	sbarrier.arrive @p0 $0xFFFF  }
0x107: {  	_ =	strace @p0 $0x90000047  }
0x108: {  	[bflag:$0x2] =	sbarrier.arrive @p0 $0xFFFF  }
0x109: {  	_ =	shalt @p0  }
.LBB2_1:
0x10a: {  	s7 =	simm.s32 $0x100  }
0x10b: {  	[tilespmem:s7], [sflag:$0x3] =	stream.linear.gather [spmem:s5], $0x1000, $0x38;
	[tilespmem:$0x1F80] =	vst v63  }
0x10c: {  	_ =	swait.ge [sflag:s6], $0x1000  }
0x10d: {  	[sflag:s6] =	ssyncset.done $0x0  }
0x10e: {  	[sflag:s6] =	ssyncadd.s32 $0xFFFFF000  }
0x10f: {  	v28 =	vld [tilespmem:$0x100]  }
0x110: {  	v48 =	vld [tilespmem:$0x200]  }
0x111: {  	v43 =	vld [tilespmem:$0x300]  }
0x112: {  	v35 =	vld [tilespmem:$0x400]  }
0x113: {  	v42 =	vld [tilespmem:$0x500]  }
0x114: {  	v52 =	vld [tilespmem:$0x600]  }
0x115: {  	v59 =	vld [tilespmem:$0x700]  }
0x116: {  	v0 =	vld [tilespmem:$0x800]  }
0x117: {  	v61 =	vld [tilespmem:$0x900]  }
0x118: {  	v62 =	vld [tilespmem:$0xA00]  }
0x119: {  	v63 =	vld [tilespmem:$0xB00]  }
0x11a: {  	v4 =	vld [tilespmem:$0xC00]  }
0x11b: {  	v5 =	vld [tilespmem:$0xD00]  }
0x11c: {  	v6 =	vld [tilespmem:$0xE00]  }
0x11d: {  	v7 =	vld [tilespmem:$0xF00]  }
0x11e: {  	v8 =	vld [tilespmem:$0x1000]  }
0x11f: {  	v14 =	vld [tilespmem:$0x110]  }
0x120: {  	v11 =	vld [tilespmem:$0x210]  }
0x121: {  	v16 =	vld [tilespmem:$0x310]  }
0x122: {  	v20 =	vld [tilespmem:$0x410]  }
0x123: {  	v33 =	vld [tilespmem:$0x510]  }
0x124: {  	v39 =	vld [tilespmem:$0x610]  }
0x125: {  	v44 =	vld [tilespmem:$0x710]  }
0x126: {  	v55 =	vld [tilespmem:$0x810]  }
0x127: {  	v56 =	vld [tilespmem:$0x910]  }
0x128: {  	v9 =	vld [tilespmem:$0xB10]  }
0x129: {  	v10 =	vld [tilespmem:$0xC10]  }
0x12a: {  	v12 =	vld [tilespmem:$0xD10]  }
0x12b: {  	v13 =	vld [tilespmem:$0xE10]  }
0x12c: {  	v15 =	vld [tilespmem:$0xF10]  }
0x12d: {  	v17 =	vld [tilespmem:$0x1010]  }
0x12e: {  	v19 =	vld [tilespmem:$0x620]  }
0x12f: {  	v23 =	vld [tilespmem:$0x720]  }
0x130: {  	v29 =	vld [tilespmem:$0x820]  }
0x131: {  	v34 =	vld [tilespmem:$0x920]  }
0x132: {  	v45 =	vld [tilespmem:$0xA20]  }
0x133: {  	v51 =	vld [tilespmem:$0xB20]  }
0x134: {  	v60 =	vld [tilespmem:$0xC20]  }
0x135: {  	v18 =	vld [tilespmem:$0xD20]  }
0x136: {  	v21 =	vld [tilespmem:$0xE20]  }
0x137: {  	v22 =	vld [tilespmem:$0xF20]  }
0x138: {  	v24 =	vld [tilespmem:$0x1020]  }
0x139: {  	v1 =	vld [tilespmem:$0x130]  }
0x13a: {  	v2 =	vld [tilespmem:$0x330]  }
0x13b: {  	v3 =	vld [tilespmem:$0x430]  }
0x13c: {  	v30 =	vld [tilespmem:$0xB30]  }
0x13d: {  	v37 =	vld [tilespmem:$0xC30]  }
0x13e: {  	v47 =	vld [tilespmem:$0xD30]  }
0x13f: {  	v54 =	vld [tilespmem:$0xE30]  }
0x140: {  	v25 =	vld [tilespmem:$0x1030]  }
0x141: {  	v26 =	vld [tilespmem:$0x140]  }
0x142: {  	v27 =	vld [tilespmem:$0x240]  }
0x143: {  	v31 =	vld [tilespmem:$0x340]  }
0x144: {  	v32 =	vld [tilespmem:$0x440]  }
0x145: {  	v36 =	vld [tilespmem:$0x540]  }
0x146: {  	v38 =	vld [tilespmem:$0x640]  }
0x147: {  	v40 =	vld [tilespmem:$0x740]  }
0x148: {  	v41 =	vld [tilespmem:$0x840]  }
0x149: {  	v46 =	vld [tilespmem:$0x940]  }
0x14a: {  	v49 =	vld [tilespmem:$0xA40]  }
0x14b: {  	v50 =	vld [tilespmem:$0xB40]  }
0x14c: {  	v53 =	vld [tilespmem:$0xC40]  }
0x14d: {  	[tilespmem:$0x1FAC0] =	vst v62;
	v62 =	vld [tilespmem:$0x1040]  }
0x14e: {  	v57 =	vld [tilespmem:$0xD40]  }
0x14f: {  	v58 =	vld [tilespmem:$0xE40]  }
0x150: {  	[tilespmem:$0x1FAD0] =	vst v63;
	v63 =	vld [tilespmem:$0xA10]  }
0x151: {  	[tilespmem:$0x1FB10] =	vst v5;
	v5 =	vld [tilespmem:$0x120]  }
0x152: {  	[tilespmem:$0x1FE50] =	vst v62;
	v62 =	vld [tilespmem:$0x960]  }
0x153: {  	[tilespmem:$0x1FAF0] =	vst v4;
	v4 =	vld [tilespmem:$0x220]  }
0x154: {  	[tilespmem:$0x1FB60] =	vst v7;
	v7 =	vld [tilespmem:$0x320]  }
0x155: {  	[tilespmem:$0x1FAE0] =	vst v9;
	v9 =	vld [tilespmem:$0x420]  }
0x156: {  	[tilespmem:$0x1FB80] =	vst v15;
	v15 =	vld [tilespmem:$0x520]  }
0x157: {  	[tilespmem:$0x1FCF0] =	vst v62;
	v62 =	vld [tilespmem:$0xA70]  }
0x158: {  	[tilespmem:$0x1FAA0] =	vst v0;
	v0 =	vld [tilespmem:$0x230]  }
0x159: {  	[tilespmem:$0x1FB30] =	vst v6;
	v6 =	vld [tilespmem:$0x530]  }
0x15a: {  	[tilespmem:$0x1FB90] =	vst v8;
	v8 =	vld [tilespmem:$0x630]  }
0x15b: {  	[tilespmem:$0x1FB00] =	vst v10;
	v10 =	vld [tilespmem:$0x730]  }
0x15c: {  	[tilespmem:$0x1FD40] =	vst v62;
	v62 =	vld [tilespmem:$0xB70]  }
0x15d: {  	[tilespmem:$0x1FBB0] =	vst v17;
	v17 =	vld [tilespmem:$0x830]  }
0x15e: {  	[tilespmem:$0x1FB70] =	vst v21;
	v21 =	vld [tilespmem:$0x930]  }
0x15f: {  	[tilespmem:$0x1FBD0] =	vst v24;
	v24 =	vld [tilespmem:$0xA30]  }
0x160: {  	[tilespmem:$0x1FB20] =	vst v12;
	v12 =	vld [tilespmem:$0xF30]  }
0x161: {  	[tilespmem:$0x1FD80] =	vst v62;
	v62 =	vld [tilespmem:$0xC70]  }
0x162: {  	[tilespmem:$0x1FAB0] =	vst v61;
	v61 =	vld [tilespmem:$0xF40]  }
0x163: {  	[tilespmem:$0x1FC90] =	vst v41;
	v41 =	vld [tilespmem:$0x150]  }
0x164: {  	[tilespmem:$0x1FC70] =	vst v40;
	v40 =	vld [tilespmem:$0x250]  }
0x165: {  	[tilespmem:$0x1FCE0] =	vst v49;
	v49 =	vld [tilespmem:$0x350]  }
0x166: {  	[tilespmem:$0x1FDC0] =	vst v62;
	v62 =	vld [tilespmem:$0xD70]  }
0x167: {  	[tilespmem:$0x1FD90] =	vst v57;
	v57 =	vld [tilespmem:$0x450]  }
0x168: {  	[tilespmem:$0x1FB40] =	vst v18;
	v18 =	vld [tilespmem:$0x550]  }
0x169: {  	[tilespmem:$0x1FBA0] =	vst v22;
	v22 =	vld [tilespmem:$0x650]  }
0x16a: {  	[tilespmem:$0x1FC00] =	vst v25;
	v25 =	vld [tilespmem:$0x750]  }
0x16b: {  	[tilespmem:$0x1FE00] =	vst v62;
	v62 =	vld [tilespmem:$0xE70]  }
0x16c: {  	[tilespmem:$0x1FBE0] =	vst v26;
	v26 =	vld [tilespmem:$0x850]  }
0x16d: {  	[tilespmem:$0x1FBF0] =	vst v27;
	v27 =	vld [tilespmem:$0x950]  }
0x16e: {  	[tilespmem:$0x1FC10] =	vst v31;
	v31 =	vld [tilespmem:$0xA50]  }
0x16f: {  	[tilespmem:$0x1FC20] =	vst v32;
	v32 =	vld [tilespmem:$0xB50]  }
0x170: {  	[tilespmem:$0x1FE40] =	vst v62;
	v62 =	vld [tilespmem:$0xF70]  }
0x171: {  	[tilespmem:$0x1FC30] =	vst v36;
	v36 =	vld [tilespmem:$0xC50]  }
0x172: {  	[tilespmem:$0x1FC50] =	vst v38;
	v38 =	vld [tilespmem:$0xD50]  }
0x173: {  	[tilespmem:$0x1FCB0] =	vst v46;
	v46 =	vld [tilespmem:$0xE50]  }
0x174: {  	[tilespmem:$0x1FD10] =	vst v50;
	v50 =	vld [tilespmem:$0xF50]  }
0x175: {  	[tilespmem:$0x1FE80] =	vst v62;
	v62 =	vld [tilespmem:$0x1070]  }
0x176: {  	[tilespmem:$0x1FD50] =	vst v53;
	v53 =	vld [tilespmem:$0x1050]  }
0x177: {  	[tilespmem:$0x1FDD0] =	vst v58;
	v58 =	vld [tilespmem:$0x860];
	v28 =	vadd.f32 v48, v28  }
0x178: {  	[tilespmem:$0x1FB50] =	vst v13;
	v13 =	vld [tilespmem:$0x170]  }
0x179: {  	v48 =	vld [tilespmem:$0xE80];
	v43 =	vadd.f32 v43, v28  }
0x17a: {  	[tilespmem:$0x1FEC0] =	vst v62;
	v62 =	vld [tilespmem:$0x180]  }
0x17b: {  	v11 =	vadd.f32 v11, v14;
	v14 =	vadd.f32 v35, v43;
	v43 =	vld [tilespmem:$0x190]  }
0x17c: {  	v35 =	vld [tilespmem:$0x690]  }
0x17d: {  	[tilespmem:$0x1FCA0] =	vst v26;
	v26 =	vld [tilespmem:$0x160]  }
0x17e: {  	[tilespmem:$0x1FC80] =	vst v25;
	v25 =	vld [tilespmem:$0x260]  }
0x17f: {  	[tilespmem:$0x1FEA0] =	vst v62;
	v62 =	vld [tilespmem:$0x280]  }
0x180: {  	[tilespmem:$0x1FD00] =	vst v31;
	v31 =	vld [tilespmem:$0x360]  }
0x181: {  	[tilespmem:$0x1FD70] =	vst v36;
	v36 =	vld [tilespmem:$0x460]  }
0x182: {  	[tilespmem:$0x1FDF0] =	vst v46;
	v46 =	vld [tilespmem:$0x560]  }
0x183: {  	[tilespmem:$0x1FE70] =	vst v53;
	v53 =	vld [tilespmem:$0x660]  }
0x184: {  	[tilespmem:$0x1FEB0] =	vst v62;
	v62 =	vld [tilespmem:$0x380]  }
0x185: {  	[tilespmem:$0x1FE10] =	vst v61;
	v61 =	vld [tilespmem:$0x760]  }
0x186: {  	[tilespmem:$0x1FC40] =	vst v18;
	v18 =	vld [tilespmem:$0xA60]  }
0x187: {  	[tilespmem:$0x1FC60] =	vst v22;
	v22 =	vld [tilespmem:$0xB60]  }
0x188: {  	[tilespmem:$0x1FCD0] =	vst v27;
	v27 =	vld [tilespmem:$0xC60]  }
0x189: {  	[tilespmem:$0x1FED0] =	vst v62;
	v62 =	vld [tilespmem:$0x480]  }
0x18a: {  	[tilespmem:$0x1FD30] =	vst v32;
	v32 =	vld [tilespmem:$0xD60]  }
0x18b: {  	[tilespmem:$0x1FDB0] =	vst v38;
	v38 =	vld [tilespmem:$0xE60]  }
0x18c: {  	[tilespmem:$0x1FE30] =	vst v50;
	v50 =	vld [tilespmem:$0xF60]  }
0x18d: {  	[tilespmem:$0x1FCC0] =	vst v58;
	v58 =	vld [tilespmem:$0x1060]  }
0x18e: {  	[tilespmem:$0x1FEE0] =	vst v62;
	v62 =	vld [tilespmem:$0x580]  }
0x18f: {  	[tilespmem:$0x1FBC0] =	vst v12;
	v12 =	vld [tilespmem:$0x270]  }
0x190: {  	[tilespmem:$0x1FFC0] =	vst v48;
	v48 =	vld [tilespmem:$0x490]  }
0x191: {  	v0 =	vadd.f32 v0, v1;
	v1 =	vadd.f32 v42, v14;
	v42 =	vld [tilespmem:$0x1FAA0]  }
0x192: {  	v14 =	vld [tilespmem:$0xE90]  }
0x193: {  	v4 =	vadd.f32 v4, v5;
	[tilespmem:$0x1FEF0] =	vst v62;
	v62 =	vld [tilespmem:$0x680]  }
0x194: {  	v2 =	vadd.f32 v2, v0;
	v0 =	vld [tilespmem:$0x290]  }
0x195: {  	v4 =	vadd.f32 v7, v4;
	v7 =	vld [tilespmem:$0x1FC00]  }
0x196: {  	v1 =	vadd.f32 v52, v1;
	v52 =	vld [tilespmem:$0x1FAB0]  }
0x197: {  	v4 =	vadd.f32 v9, v4;
	v9 =	vld [tilespmem:$0xD90]  }
0x198: {  	[tilespmem:$0x1FF00] =	vst v62;
	v62 =	vld [tilespmem:$0x780]  }
0x199: {  	[tilespmem:$0x1FF10] =	vst v35;
	v35 =	vld [tilespmem:$0x4A0]  }
0x19a: {  	[tilespmem:$0x1FD20] =	vst v18;
	v18 =	vld [tilespmem:$0x370]  }
0x19b: {  	[tilespmem:$0x1FD60] =	vst v22;
	v22 =	vld [tilespmem:$0x470]  }
0x19c: {  	[tilespmem:$0x1FDA0] =	vst v27;
	v27 =	vld [tilespmem:$0x570]  }
0x19d: {  	[tilespmem:$0x1FF20] =	vst v62;
	v62 =	vld [tilespmem:$0x880]  }
0x19e: {  	[tilespmem:$0x1FDE0] =	vst v32;
	v32 =	vld [tilespmem:$0x670]  }
0x19f: {  	[tilespmem:$0x1FE20] =	vst v38;
	v38 =	vld [tilespmem:$0x770]  }
0x1a0: {  	[tilespmem:$0x1FE60] =	vst v50;
	v50 =	vld [tilespmem:$0x870]  }
0x1a1: {  	[tilespmem:$0x1FE90] =	vst v58;
	v58 =	vld [tilespmem:$0x970]  }
0x1a2: {  	[tilespmem:$0x1FF30] =	vst v62;
	v62 =	vld [tilespmem:$0x980]  }
0x1a3: {  	v1 =	vadd.f32 v59, v1;
	v59 =	vld [tilespmem:$0xA90]  }
0x1a4: {  	v2 =	vadd.f32 v3, v2;
	v12 =	vadd.f32 v12, v13;
	v13 =	vld [tilespmem:$0x1FC20]  }
0x1a5: {  	[tilespmem:$0x1FFD0] =	vst v14;
	v14 =	vld [tilespmem:$0x1A0]  }
0x1a6: {  	v2 =	vadd.f32 v6, v2;
	v6 =	vld [tilespmem:$0x1FBF0]  }
0x1a7: {  	[tilespmem:$0x1FF40] =	vst v62;
	v62 =	vld [tilespmem:$0xA80]  }
0x1a8: {  	v1 =	vadd.f32 v42, v1;
	v42 =	vld [tilespmem:$0x890]  }
0x1a9: {  	v0 =	vadd.f32 v0, v43;
	v43 =	vld [tilespmem:$0x9C0]  }
0x1aa: {  	v2 =	vadd.f32 v8, v2;
	v8 =	vld [tilespmem:$0xC90]  }
0x1ab: {  	v1 =	vadd.f32 v52, v1;
	v52 =	vld [tilespmem:$0x6A0]  }
0x1ac: {  	v2 =	vadd.f32 v10, v2;
	[tilespmem:$0x1FF50] =	vst v62;
	v62 =	vld [tilespmem:$0xB80]  }
0x1ad: {  	[tilespmem:$0x1FFB0] =	vst v9;
	v9 =	vld [tilespmem:$0x1FC10]  }
0x1ae: {  	v10 =	vld [tilespmem:$0xB90];
	v2 =	vadd.f32 v17, v2  }
0x1af: {  	[tilespmem:$0x1FF60] =	vst v59;
	v59 =	vld [tilespmem:$0x1FBD0]  }
0x1b0: {  	v17 =	vld [tilespmem:$0x1FB00];
	v2 =	vadd.f32 v21, v2  }
0x1b1: {  	[tilespmem:$0x1FF70] =	vst v62;
	v62 =	vld [tilespmem:$0xC80]  }
0x1b2: {  	[tilespmem:$0x1FF90] =	vst v8;
	v8 =	vadd.f32 v40, v41;
	v40 =	vld [tilespmem:$0x1FC70];
	v2 =	vadd.f32 v24, v2  }
0x1b3: {  	v41 =	vld [tilespmem:$0x1FC80]  }
0x1b4: {  	v21 =	vld [tilespmem:$0x1FB30];
	v2 =	vadd.f32 v30, v2  }
0x1b5: {  	v24 =	vld [tilespmem:$0x1FB50]  }
0x1b6: {  	v2 =	vadd.f32 v37, v2;
	[tilespmem:$0x1FF80] =	vst v62;
	v62 =	vld [tilespmem:$0xD80]  }
0x1b7: {  	v30 =	vld [tilespmem:$0x1FB70]  }
0x1b8: {  	v37 =	vld [tilespmem:$0x1FB80];
	v2 =	vadd.f32 v47, v2  }
0x1b9: {  	v47 =	vld [tilespmem:$0x1FB90]  }
0x1ba: {  	v2 =	vadd.f32 v54, v2;
	v54 =	vld [tilespmem:$0x1FBB0]  }
0x1bb: {  	[tilespmem:$0x1FFA0] =	vst v62;
	v62 =	vadd.f32 v16, v11;
	v11 =	vld [tilespmem:$0xF80]  }
0x1bc: {  	v16 =	vld [tilespmem:$0x1080]  }
0x1bd: {  	v5 =	vadd.f32 v20, v62;
	v62 =	vld [tilespmem:$0x1FAC0]  }
0x1be: {  	v20 =	vadd.f32 v15, v4;
	v15 =	vld [tilespmem:$0x1FAE0]  }
0x1bf: {  	v5 =	vadd.f32 v33, v5;
	v33 =	vld [tilespmem:$0x390]  }
0x1c0: {  	v3 =	vadd.f32 v19, v20;
	v19 =	vld [tilespmem:$0x1FB10]  }
0x1c1: {  	v20 =	vld [tilespmem:$0x1FB20]  }
0x1c2: {  	[tilespmem:$0x1FFE0] =	vst v11;
	v11 =	vld [tilespmem:$0x1FAD0]  }
0x1c3: {  	[tilespmem:$0x1FFF0] =	vst v16;
	v16 =	vld [tilespmem:$0x1FAF0]  }
0x1c4: {  	v28 =	vadd.f32 v39, v5;
	v39 =	vld [tilespmem:$0x590]  }
0x1c5: {  	v3 =	vadd.f32 v23, v3;
	v23 =	vld [tilespmem:$0x1FB40]  }
0x1c6: {  	v1 =	vadd.f32 v62, v1;
	v62 =	vld [tilespmem:$0x1090]  }
0x1c7: {  	v4 =	vadd.f32 v44, v28;
	v44 =	vld [tilespmem:$0x790]  }
0x1c8: {  	v3 =	vadd.f32 v29, v3;
	v29 =	vld [tilespmem:$0x2A0]  }
0x1c9: {  	v28 =	vld [tilespmem:$0x1FB60]  }
0x1ca: {  	v0 =	vadd.f32 v33, v0;
	v33 =	vld [tilespmem:$0x1FEE0]  }
0x1cb: {  	v4 =	vadd.f32 v55, v4;
	v55 =	vld [tilespmem:$0x990]  }
0x1cc: {  	v3 =	vadd.f32 v34, v3;
	v34 =	vld [tilespmem:$0x3A0]  }
0x1cd: {  	v1 =	vadd.f32 v11, v1;
	v11 =	vadd.f32 v25, v26;
	v25 =	vld [tilespmem:$0x1FC30]  }
0x1ce: {  	v26 =	vld [tilespmem:$0x1FC40]  }
0x1cf: {  	v4 =	vadd.f32 v56, v4;
	v3 =	vadd.f32 v45, v3;
	v45 =	vld [tilespmem:$0x5A0]  }
0x1d0: {  	v56 =	vld [tilespmem:$0x1FBC0]  }
0x1d1: {  	v1 =	vadd.f32 v16, v1;
	v4 =	vadd.f32 v63, v4;
	v63 =	vld [tilespmem:$0xF90]  }
0x1d2: {  	v14 =	vadd.f32 v29, v14;
	v3 =	vadd.f32 v51, v3;
	v51 =	vld [tilespmem:$0x1FBA0]  }
0x1d3: {  	v1 =	vadd.f32 v19, v1;
	v19 =	vld [tilespmem:$0xDA0]  }
0x1d4: {  	v34 =	vadd.f32 v34, v14;
	v14 =	vld [tilespmem:$0xCC0]  }
0x1d5: {  	v3 =	vadd.f32 v60, v3;
	v60 =	vld [tilespmem:$0x1FBE0]  }
0x1d6: {  	v4 =	vadd.f32 v15, v4;
	v15 =	vld [tilespmem:$0xCA0]  }
0x1d7: {  	v1 =	vadd.f32 v21, v1;
	v2 =	vadd.f32 v56, v2;
	v56 =	vld [tilespmem:$0x1FCF0]  }
0x1d8: {  	v3 =	vadd.f32 v23, v3;
	v23 =	vld [tilespmem:$0x7A0]  }
0x1d9: {  	v1 =	vadd.f32 v28, v1;
	v28 =	vld [tilespmem:$0xBA0]  }
0x1da: {  	v21 =	vadd.f32 v7, v2;
	v2 =	vadd.f32 v49, v8;
	v8 =	vld [tilespmem:$0xEA0]  }
0x1db: {  	v49 =	vld [tilespmem:$0x1FCB0]  }
0x1dc: {  	v4 =	vadd.f32 v17, v4;
	v7 =	vld [tilespmem:$0x1FEA0]  }
0x1dd: {  	v3 =	vadd.f32 v30, v3;
	v30 =	vld [tilespmem:$0x9A0]  }
0x1de: {  	v4 =	vadd.f32 v20, v4;
	v17 =	vadd.f32 v47, v1;
	v47 =	vld [tilespmem:$0x1FCA0]  }
0x1df: {  	v2 =	vadd.f32 v57, v2;
	v57 =	vld [tilespmem:$0x1FD00]  }
0x1e0: {  	v4 =	vadd.f32 v24, v4;
	v24 =	vld [tilespmem:$0x8A0]  }
0x1e1: {  	v1 =	vadd.f32 v51, v3;
	v3 =	vadd.f32 v31, v11;
	v11 =	vld [tilespmem:$0x10A0]  }
0x1e2: {  	v31 =	vld [tilespmem:$0x1FC50]  }
0x1e3: {  	v51 =	vld [tilespmem:$0x1FCC0]  }
0x1e4: {  	v2 =	vadd.f32 v26, v2;
	v26 =	vld [tilespmem:$0x6B0]  }
0x1e5: {  	v4 =	vadd.f32 v37, v4;
	v37 =	vld [tilespmem:$0xAA0]  }
0x1e6: {  	v3 =	vadd.f32 v36, v3;
	v36 =	vld [tilespmem:$0x1FC60]  }
0x1e7: {  	v20 =	vadd.f32 v59, v1;
	v1 =	vadd.f32 v6, v60;
	v59 =	vld [tilespmem:$0x1FD10]  }
0x1e8: {  	v60 =	vld [tilespmem:$0x1FD20]  }
0x1e9: {  	v1 =	vadd.f32 v9, v1;
	v9 =	vld [tilespmem:$0xFA0]  }
0x1ea: {  	v16 =	vadd.f32 v54, v4;
	v4 =	vadd.f32 v18, v12;
	v12 =	vld [tilespmem:$0x1B0]  }
0x1eb: {  	v18 =	vld [tilespmem:$0x3B0]  }
0x1ec: {  	v3 =	vadd.f32 v46, v3;
	v46 =	vld [tilespmem:$0x1FC90]  }
0x1ed: {  	v54 =	vld [tilespmem:$0x1FCE0]  }
0x1ee: {  	v1 =	vadd.f32 v13, v1;
	v13 =	vld [tilespmem:$0x2B0]  }
0x1ef: {  	v4 =	vadd.f32 v22, v4;
	v22 =	vld [tilespmem:$0x4B0]  }
0x1f0: {  	v3 =	vadd.f32 v53, v3;
	v53 =	vld [tilespmem:$0x1FCD0]  }
0x1f1: {  	v2 =	vadd.f32 v36, v2;
	v36 =	vld [tilespmem:$0xAB0]  }
0x1f2: {  	v1 =	vadd.f32 v25, v1;
	v25 =	vld [tilespmem:$0x5B0]  }
0x1f3: {  	v4 =	vadd.f32 v27, v4;
	v27 =	vld [tilespmem:$0x7B0]  }
0x1f4: {  	v3 =	vadd.f32 v61, v3;
	v61 =	vld [tilespmem:$0x1FD30]  }
0x1f5: {  	v2 =	vadd.f32 v41, v2;
	v41 =	vld [tilespmem:$0x1FD40]  }
0x1f6: {  	v1 =	vadd.f32 v31, v1;
	v31 =	vld [tilespmem:$0x8B0]  }
0x1f7: {  	v4 =	vadd.f32 v32, v4;
	v32 =	vld [tilespmem:$0x9B0]  }
0x1f8: {  	v3 =	vadd.f32 v51, v3;
	v51 =	vld [tilespmem:$0x1FD90]  }
0x1f9: {  	v2 =	vadd.f32 v47, v2;
	v47 =	vld [tilespmem:$0x1FD60]  }
0x1fa: {  	v12 =	vadd.f32 v13, v12;
	v13 =	vld [tilespmem:$0xEC0]  }
0x1fb: {  	v4 =	vadd.f32 v38, v4;
	v38 =	vld [tilespmem:$0xBB0]  }
0x1fc: {  	v1 =	vadd.f32 v40, v1;
	v40 =	vld [tilespmem:$0xCB0]  }
0x1fd: {  	v3 =	vadd.f32 v56, v3;
	v56 =	vld [tilespmem:$0x1FDC0]  }
0x1fe: {  	v2 =	vadd.f32 v53, v2;
	v53 =	vld [tilespmem:$0x1FDA0]  }
0x1ff: {  	v18 =	vadd.f32 v18, v12;
	v12 =	vld [tilespmem:$0xDC0]  }
0x200: {  	v1 =	vadd.f32 v46, v1;
	v46 =	vld [tilespmem:$0x1FD50]  }
0x201: {  	v4 =	vadd.f32 v50, v4;
	v50 =	vld [tilespmem:$0x1FD80]  }
0x202: {  	v3 =	vadd.f32 v60, v3;
	v60 =	vld [tilespmem:$0x1FE00]  }
0x203: {  	v2 =	vadd.f32 v57, v2;
	v57 =	vld [tilespmem:$0x1FDD0]  }
0x204: {  	v1 =	vadd.f32 v49, v1;
	v49 =	vld [tilespmem:$0x1FD70]  }
0x205: {  	v3 =	vadd.f32 v47, v3;
	v47 =	vld [tilespmem:$0xFB0]  }
0x206: {  	v18 =	vadd.f32 v22, v18;
	v4 =	vadd.f32 v58, v4;
	v58 =	vld [tilespmem:$0x1FDE0]  }
0x207: {  	v2 =	vadd.f32 v61, v2;
	v61 =	vld [tilespmem:$0x1FE10]  }
0x208: {  	v18 =	vadd.f32 v25, v18;
	v25 =	vld [tilespmem:$0x1D0]  }
0x209: {  	v4 =	vadd.f32 v41, v4;
	v41 =	vld [tilespmem:$0xDB0]  }
0x20a: {  	v1 =	vadd.f32 v54, v1;
	v54 =	vld [tilespmem:$0x1FDB0]  }
0x20b: {  	v3 =	vadd.f32 v53, v3;
	v53 =	vld [tilespmem:$0x3C0]  }
0x20c: {  	v18 =	vadd.f32 v26, v18;
	v26 =	vld [tilespmem:$0x3D0]  }
0x20d: {  	v4 =	vadd.f32 v50, v4;
	v50 =	vld [tilespmem:$0x1C0]  }
0x20e: {  	v1 =	vadd.f32 v59, v1;
	v59 =	vld [tilespmem:$0x1FDF0]  }
0x20f: {  	v2 =	vadd.f32 v49, v2;
	v49 =	vld [tilespmem:$0x10B0]  }
0x210: {  	v3 =	vadd.f32 v58, v3;
	v58 =	vld [tilespmem:$0x1FE50]  }
0x211: {  	v18 =	vadd.f32 v27, v18;
	v27 =	vld [tilespmem:$0x5D0]  }
0x212: {  	v1 =	vadd.f32 v46, v1;
	v46 =	vld [tilespmem:$0xEB0]  }
0x213: {  	v4 =	vadd.f32 v56, v4;
	v56 =	vld [tilespmem:$0x1FE30]  }
0x214: {  	v2 =	vadd.f32 v54, v2;
	v54 =	vld [tilespmem:$0x1FE20]  }
0x215: {  	v18 =	vadd.f32 v31, v18;
	v31 =	vld [tilespmem:$0x7D0]  }
0x216: {  	v1 =	vadd.f32 v51, v1;
	v51 =	vld [tilespmem:$0x2C0]  }
0x217: {  	v4 =	vadd.f32 v60, v4;
	v60 =	vld [tilespmem:$0x1FE70]  }
0x218: {  	v2 =	vadd.f32 v59, v2;
	v59 =	vld [tilespmem:$0x1FE60]  }
0x219: {  	v18 =	vadd.f32 v32, v18;
	v32 =	vld [tilespmem:$0x9D0]  }
0x21a: {  	v1 =	vadd.f32 v57, v1;
	v57 =	vld [tilespmem:$0x1FE40]  }
0x21b: {  	v2 =	vadd.f32 v56, v2;
	v56 =	vld [tilespmem:$0x5C0]  }
0x21c: {  	v18 =	vadd.f32 v36, v18;
	v36 =	vld [tilespmem:$0xDD0]  }
0x21d: {  	v3 =	vadd.f32 v54, v3;
	v54 =	vld [tilespmem:$0x4C0]  }
0x21e: {  	v1 =	vadd.f32 v61, v1;
	v61 =	vld [tilespmem:$0x1FE80]  }
0x21f: {  	v5 =	vadd.f32 v60, v2;
	v60 =	vld [tilespmem:$0x1FEC0]  }
0x220: {  	v18 =	vadd.f32 v38, v18;
	v38 =	vld [tilespmem:$0x8F0]  }
0x221: {  	v6 =	vadd.f32 v57, v4;
	v57 =	vld [tilespmem:$0x6C0]  }
0x222: {  	v4 =	vadd.f32 v58, v1;
	v1 =	vadd.f32 v59, v3;
	v59 =	vld [tilespmem:$0x1FEB0]  }
0x223: {  	v2 =	vadd.f32 v61, v6;
	v6 =	vld [tilespmem:$0x1FE90]  }
0x224: {  	v58 =	vld [tilespmem:$0x7C0]  }
0x225: {  	v18 =	vadd.f32 v40, v18;
	v61 =	vld [tilespmem:$0x1FED0]  }
0x226: {  	v3 =	vld [tilespmem:$0xAC0]  }
0x227: {  	v40 =	vld [tilespmem:$0x9F0];
	v18 =	vadd.f32 v41, v18  }
0x228: {  	v41 =	vld [tilespmem:$0xAE0];
	v6 =	vadd.f32 v6, v1;
	v1 =	vadd.f32 v59, v7  }
0x229: {  	v18 =	vadd.f32 v46, v18;
	v7 =	vadd.f32 v60, v2;
	v60 =	vld [tilespmem:$0x1FEF0]  }
0x22a: {  	v0 =	vadd.f32 v48, v0;
	v46 =	vld [tilespmem:$0x3E0];
	v1 =	vadd.f32 v61, v1  }
0x22b: {  	v18 =	vadd.f32 v47, v18;
	v47 =	vadd.f32 v51, v50;
	v50 =	vld [tilespmem:$0x4E0]  }
0x22c: {  	v59 =	vld [tilespmem:$0x8C0];
	v61 =	vadd.f32 v35, v34;
	v1 =	vadd.f32 v33, v1  }
0x22d: {  	v34 =	vadd.f32 v39, v0;
	v39 =	vld [tilespmem:$0x1FF00]  }
0x22e: {  	v29 =	vadd.f32 v60, v1;
	v60 =	vadd.f32 v45, v61;
	v61 =	vld [tilespmem:$0x1FF10]  }
0x22f: {  	v2 =	vld [tilespmem:$0xBC0]  }
0x230: {  	v0 =	vld [tilespmem:$0x10C0]  }
0x231: {  	v35 =	vld [tilespmem:$0xAD0]  }
0x232: {  	v48 =	vadd.f32 v39, v29;
	v39 =	vld [tilespmem:$0x1FF20]  }
0x233: {  	v1 =	vld [tilespmem:$0xFC0];
	v33 =	vadd.f32 v61, v34  }
0x234: {  	v45 =	vld [tilespmem:$0x1FF30]  }
0x235: {  	v29 =	vadd.f32 v52, v60;
	v52 =	vld [tilespmem:$0x1FF50];
	v33 =	vadd.f32 v44, v33  }
0x236: {  	v60 =	vld [tilespmem:$0x1FF70]  }
0x237: {  	v22 =	vadd.f32 v39, v48;
	v48 =	vld [tilespmem:$0x1FF40];
	v33 =	vadd.f32 v42, v33  }
0x238: {  	v23 =	vadd.f32 v23, v29;
	v29 =	vld [tilespmem:$0x4D0]  }
0x239: {  	v33 =	vadd.f32 v55, v33;
	v55 =	vld [tilespmem:$0x1FF60]  }
0x23a: {  	v34 =	vld [tilespmem:$0x2D0];
	v22 =	vadd.f32 v45, v22  }
0x23b: {  	v61 =	vld [tilespmem:$0x1FF80];
	v23 =	vadd.f32 v24, v23  }
0x23c: {  	v24 =	vld [tilespmem:$0x6D0];
	v22 =	vadd.f32 v48, v22  }
0x23d: {  	v23 =	vadd.f32 v30, v23;
	v42 =	vld [tilespmem:$0x1FF90]  }
0x23e: {  	v44 =	vld [tilespmem:$0x1FFA0];
	v22 =	vadd.f32 v52, v22;
	v33 =	vadd.f32 v55, v33  }
0x23f: {  	v45 =	vld [tilespmem:$0x1FFB0];
	v23 =	vadd.f32 v37, v23  }
0x240: {  	v48 =	vld [tilespmem:$0x1FFC0];
	v22 =	vadd.f32 v60, v22;
	v10 =	vadd.f32 v10, v33  }
0x241: {  	v23 =	vadd.f32 v28, v23;
	v52 =	vld [tilespmem:$0x1FFD0]  }
0x242: {  	v55 =	vld [tilespmem:$0x1E0];
	v22 =	vadd.f32 v61, v22;
	v10 =	vadd.f32 v42, v10  }
0x243: {  	v15 =	vadd.f32 v15, v23;
	v60 =	vld [tilespmem:$0x1FFE0]  }
0x244: {  	v61 =	vld [tilespmem:$0x2E0];
	v22 =	vadd.f32 v44, v22;
	v10 =	vadd.f32 v45, v10  }
0x245: {  	v15 =	vadd.f32 v19, v15;
	v44 =	vld [tilespmem:$0x1FFF0]  }
0x246: {  	v39 =	vld [tilespmem:$0x9E0];
	v22 =	vadd.f32 v48, v22;
	v10 =	vadd.f32 v52, v10  }
0x247: {  	v15 =	vadd.f32 v8, v15;
	v45 =	vld [tilespmem:$0x2F0]  }
0x248: {  	v22 =	vadd.f32 v60, v22;
	v10 =	vadd.f32 v63, v10;
	v63 =	vld [tilespmem:$0x1F0]  }
0x249: {  	v30 =	vld [tilespmem:$0x8D0];
	v15 =	vadd.f32 v9, v15;
	v51 =	vadd.f32 v61, v55  }
0x24a: {  	v48 =	vld [tilespmem:$0x3F0];
	v8 =	vadd.f32 v44, v22;
	v9 =	vadd.f32 v62, v10  }
0x24b: {  	v52 =	vld [tilespmem:$0x4F0];
	v10 =	vadd.f32 v11, v15;
	v11 =	vadd.f32 v49, v18  }
0x24c: {  	v49 =	vadd.f32 v34, v25;
	v15 =	vadd.f32 v53, v47;
	v53 =	vld [tilespmem:$0x5E0]  }
0x24d: {  	v55 =	vld [tilespmem:$0x6E0];
	v34 =	vadd.f32 v46, v51;
	v22 =	vadd.f32 v45, v63  }
0x24e: {  	v18 =	vadd.f32 v26, v49;
	v15 =	vadd.f32 v54, v15;
	v54 =	vld [tilespmem:$0x5F0]  }
0x24f: {  	v61 =	vld [tilespmem:$0x7E0];
	v25 =	vadd.f32 v50, v34;
	v22 =	vadd.f32 v48, v22  }
0x250: {  	v60 =	vld [tilespmem:$0x6F0];
	v18 =	vadd.f32 v29, v18;
	v15 =	vadd.f32 v56, v15  }
0x251: {  	v62 =	vld [tilespmem:$0x7F0];
	v25 =	vadd.f32 v53, v25;
	v22 =	vadd.f32 v52, v22  }
0x252: {  	v63 =	vld [tilespmem:$0x8E0];
	v18 =	vadd.f32 v27, v18;
	v15 =	vadd.f32 v57, v15  }
0x253: {  	v37 =	vld [tilespmem:$0xFD0];
	v25 =	vadd.f32 v55, v25;
	v22 =	vadd.f32 v54, v22  }
0x254: {  	v28 =	vld [tilespmem:$0xCD0];
	v18 =	vadd.f32 v24, v18;
	v15 =	vadd.f32 v58, v15  }
0x255: {  	v23 =	vld [tilespmem:$0xED0];
	v25 =	vadd.f32 v61, v25;
	v22 =	vadd.f32 v60, v22  }
0x256: {  	v33 =	vld [tilespmem:$0xBD0];
	v18 =	vadd.f32 v31, v18;
	v15 =	vadd.f32 v59, v15  }
0x257: {  	v42 =	vld [tilespmem:$0xAF0];
	v24 =	vadd.f32 v63, v25;
	v22 =	vadd.f32 v62, v22  }
0x258: {  	v18 =	vadd.f32 v30, v18;
	v15 =	vadd.f32 v43, v15;
	v43 =	vld [tilespmem:$0xBE0]  }
0x259: {  	v46 =	vld [tilespmem:$0xCE0];
	v44 =	vadd.f32 v39, v24;
	v22 =	vadd.f32 v38, v22  }
0x25a: {  	v45 =	vld [tilespmem:$0xBF0];
	v18 =	vadd.f32 v32, v18;
	v3 =	vadd.f32 v3, v15  }
0x25b: {  	v49 =	vld [tilespmem:$0xDE0];
	v47 =	vadd.f32 v41, v44;
	v22 =	vadd.f32 v40, v22  }
0x25c: {  	[tilespmem:$0x1130] =	vst v21;
	v48 =	vld [tilespmem:$0xCF0];
	v18 =	vadd.f32 v35, v18;
	v2 =	vadd.f32 v2, v3  }
0x25d: {  	[tilespmem:$0x1100] =	vst v17;
	v51 =	vld [tilespmem:$0xEE0];
	v3 =	vadd.f32 v43, v47;
	v22 =	vadd.f32 v42, v22  }
0x25e: {  	[tilespmem:$0x1120] =	vst v20;
	v50 =	vld [tilespmem:$0xDF0];
	v18 =	vadd.f32 v33, v18;
	v2 =	vadd.f32 v14, v2  }
0x25f: {  	[tilespmem:$0x1110] =	vst v16;
	v53 =	vld [tilespmem:$0xFE0];
	v3 =	vadd.f32 v46, v3;
	v22 =	vadd.f32 v45, v22  }
0x260: {  	[tilespmem:$0x1150] =	vst v5;
	v52 =	vld [tilespmem:$0xEF0];
	v18 =	vadd.f32 v28, v18;
	v2 =	vadd.f32 v12, v2  }
0x261: {  	[tilespmem:$0x1140] =	vst v4;
	v55 =	vld [tilespmem:$0x10E0];
	v3 =	vadd.f32 v49, v3;
	v15 =	vadd.f32 v48, v22  }
0x262: {  	[tilespmem:$0x1160] =	vst v6;
	v54 =	vld [tilespmem:$0xFF0];
	v18 =	vadd.f32 v36, v18;
	v2 =	vadd.f32 v13, v2  }
0x263: {  	[tilespmem:$0x1170] =	vst v7;
	v19 =	vld [tilespmem:$0x10D0];
	v56 =	vadd.f32 v51, v3;
	v14 =	vadd.f32 v50, v15  }
0x264: {  	[tilespmem:$0x1180] =	vst v8;
	v57 =	vld [tilespmem:$0x10F0];
	v18 =	vadd.f32 v23, v18;
	v1 =	vadd.f32 v1, v2  }
0x265: {  	[tilespmem:$0x1190] =	vst v9;
	v59 =	vlaneseq.u32;
	v60 =	vadd.f32 v53, v56;
	v12 =	vadd.f32 v52, v14  }
0x266: {  	[tilespmem:$0x11A0] =	vst v10;
	v61 =	vmul.u32 $0x10, v59;
	v58 =	vadd.f32 v37, v18;
	v0 =	vadd.f32 v0, v1  }
0x267: {  	[tilespmem:$0x11B0] =	vst v11;
	v1 =	vadd.f32 v55, v60;
	v12 =	vadd.f32 v54, v12  }
0x268: {  	v62 =	vadd.f32 v19, v58;
	[tilespmem:$0x11C0] =	vst v0  }
0x269: {  	[tilespmem:$0x11E0] =	vst v1;
	v3 =	vadd.f32 v57, v12  }
0x26a: {  	[tilespmem:$0x11D0] =	vst v62  }
0x26b: {  	s28 =	simm.s32 $0x1100;
	[tilespmem:$0x11F0] =	vst v3  }
0x26c: {  	v63 =	vld.idx.msk [tilespmem:v61+s28+$0x0], $0xffff;
	_ =	sdelay $0x2  }
0x26d: {  	v27 =	vor.u32 $0x1, v61;
	_ =	sdelay $0x1  }
0x26e: {  	v28 =	vadd.f32 v63, v17;
	_ =	sdelay $0x1  }
0x26f: {  	[tilespmem:$0x1200] =	vst v28  }
0x270: {  	v13 =	vld.idx.msk [tilespmem:v27+s28+$0x0], $0xffff;
	_ =	sdelay $0x2  }
0x271: {  	v29 =	vor.u32 $0x2, v61;
	_ =	sdelay $0x1  }
0x272: {  	v30 =	vadd.f32 v13, v16;
	_ =	sdelay $0x1  }
0x273: {  	[tilespmem:$0x1280] =	vst v30  }
0x274: {  	v15 =	vld.idx.msk [tilespmem:v29+s28+$0x0], $0xffff;
	_ =	sdelay $0x2  }
0x275: {  	v31 =	vor.u32 $0x3, v61;
	_ =	sdelay $0x1  }
0x276: {  	v32 =	vadd.f32 v15, v20;
	_ =	sdelay $0x1  }
0x277: {  	[tilespmem:$0x1300] =	vst v32  }
0x278: {  	v18 =	vld.idx.msk [tilespmem:v31+s28+$0x0], $0xffff;
	_ =	sdelay $0x2  }
0x279: {  	v33 =	vor.u32 $0x4, v61;
	_ =	sdelay $0x1  }
0x27a: {  	v34 =	vadd.f32 v18, v21;
	_ =	sdelay $0x1  }
0x27b: {  	[tilespmem:$0x1380] =	vst v34  }
0x27c: {  	v19 =	vld.idx.msk [tilespmem:v33+s28+$0x0], $0xffff;
	_ =	sdelay $0x2  }
0x27d: {  	v35 =	vor.u32 $0x5, v61;
	_ =	sdelay $0x1  }
0x27e: {  	v36 =	vadd.f32 v19, v4;
	_ =	sdelay $0x1  }
0x27f: {  	[tilespmem:$0x1400] =	vst v36  }
0x280: {  	v22 =	vld.idx.msk [tilespmem:v35+s28+$0x0], $0xffff;
	_ =	sdelay $0x2  }
0x281: {  	v37 =	vor.u32 $0x6, v61;
	_ =	sdelay $0x1  }
0x282: {  	v38 =	vadd.f32 v22, v5;
	_ =	sdelay $0x1  }
0x283: {  	[tilespmem:$0x1480] =	vst v38  }
0x284: {  	v23 =	vld.idx.msk [tilespmem:v37+s28+$0x0], $0xffff;
	_ =	sdelay $0x2  }
0x285: {  	v39 =	vor.u32 $0x7, v61;
	_ =	sdelay $0x1  }
0x286: {  	v40 =	vadd.f32 v23, v6;
	_ =	sdelay $0x1  }
0x287: {  	[tilespmem:$0x1500] =	vst v40  }
0x288: {  	v24 =	vld.idx.msk [tilespmem:v39+s28+$0x0], $0xffff;
	_ =	sdelay $0x2  }
0x289: {  	v41 =	vor.u32 $0x8, v61;
	_ =	sdelay $0x1  }
0x28a: {  	v42 =	vadd.f32 v24, v7;
	_ =	sdelay $0x1  }
0x28b: {  	[tilespmem:$0x1580] =	vst v42  }
0x28c: {  	v25 =	vld.idx.msk [tilespmem:v41+s28+$0x0], $0xffff;
	_ =	sdelay $0x2  }
0x28d: {  	v43 =	vor.u32 $0x9, v61;
	_ =	sdelay $0x1  }
0x28e: {  	v44 =	vadd.f32 v25, v8;
	_ =	sdelay $0x1  }
0x28f: {  	[tilespmem:$0x1600] =	vst v44  }
0x290: {  	v26 =	vld.idx.msk [tilespmem:v43+s28+$0x0], $0xffff;
	_ =	sdelay $0x2  }
0x291: {  	v45 =	vor.u32 $0xA, v61;
	_ =	sdelay $0x1  }
0x292: {  	v46 =	vadd.f32 v26, v9;
	_ =	sdelay $0x1  }
0x293: {  	[tilespmem:$0x1680] =	vst v46  }
0x294: {  	v27 =	vld.idx.msk [tilespmem:v45+s28+$0x0], $0xffff;
	_ =	sdelay $0x2  }
0x295: {  	v47 =	vor.u32 $0xB, v61;
	_ =	sdelay $0x1  }
0x296: {  	v48 =	vadd.f32 v27, v10;
	_ =	sdelay $0x1  }
0x297: {  	[tilespmem:$0x1700] =	vst v48  }
0x298: {  	v28 =	vld.idx.msk [tilespmem:v47+s28+$0x0], $0xffff;
	_ =	sdelay $0x2  }
0x299: {  	v49 =	vor.u32 $0xC, v61;
	_ =	sdelay $0x1  }
0x29a: {  	v50 =	vadd.f32 v28, v11;
	_ =	sdelay $0x1  }
0x29b: {  	[tilespmem:$0x1780] =	vst v50  }
0x29c: {  	v29 =	vld.idx.msk [tilespmem:v49+s28+$0x0], $0xffff;
	_ =	sdelay $0x2  }
0x29d: {  	v51 =	vor.u32 $0xD, v61;
	_ =	sdelay $0x1  }
0x29e: {  	v52 =	vadd.f32 v29, v0  }
0x29f: {  	v17 =	vadd.f32 $0.0e+00, v17;
	v12 =	vadd.f32 $0.0e+00, v63  }
0x2a0: {  	[tilespmem:$0x1800] =	vst v52  }
0x2a1: {  	v16 =	vadd.f32 v16, v17;
	v12 =	vadd.f32 v13, v12;
	v53 =	vld.idx.msk [tilespmem:v51+s28+$0x0], $0xffff;
	_ =	sdelay $0x1  }
0x2a2: {  	v16 =	vadd.f32 v20, v16;
	v12 =	vadd.f32 v15, v12  }
0x2a3: {  	v54 =	vor.u32 $0xE, v61  }
0x2a4: {  	v16 =	vadd.f32 v21, v16;
	v12 =	vadd.f32 v18, v12  }
0x2a5: {  	v55 =	vadd.f32 v53, v62  }
0x2a6: {  	v4 =	vadd.f32 v4, v16;
	v12 =	vadd.f32 v19, v12  }
0x2a7: {  	[tilespmem:$0x1880] =	vst v55  }
0x2a8: {  	v4 =	vadd.f32 v5, v4;
	v56 =	vadd.f32 v22, v12;
	v57 =	vld.idx.msk [tilespmem:v54+s28+$0x0], $0xffff;
	_ =	sdelay $0x1  }
0x2a9: {  	v4 =	vadd.f32 v6, v4;
	v5 =	vadd.f32 v23, v56  }
0x2aa: {  	v2 =	vor.u32 $0xF, v61  }
0x2ab: {  	v4 =	vadd.f32 v7, v4;
	v5 =	vadd.f32 v24, v5  }
0x2ac: {  	v58 =	vadd.f32 v57, v1  }
0x2ad: {  	v4 =	vadd.f32 v8, v4;
	v5 =	vadd.f32 v25, v5  }
0x2ae: {  	[tilespmem:$0x1900] =	vst v58  }
0x2af: {  	v4 =	vadd.f32 v9, v4;
	v5 =	vadd.f32 v26, v5;
	v2 =	vld.idx.msk [tilespmem:v2+s28+$0x0], $0xffff;
	_ =	sdelay $0x1  }
0x2b0: {  	v4 =	vadd.f32 v10, v4;
	v5 =	vadd.f32 v27, v5;
	_ =	sdelay $0x1  }
0x2b1: {  	v4 =	vadd.f32 v11, v4;
	v5 =	vadd.f32 v28, v5  }
0x2b2: {  	v59 =	vadd.f32 v2, v3  }
0x2b3: {  	v0 =	vadd.f32 v0, v4;
	v60 =	vadd.f32 v29, v5  }
0x2b4: {  	s29 =	simm.s32 $0x2;
	[tilespmem:$0x1980] =	vst v59  }
0x2b5: {  	v0 =	vadd.f32 v62, v0;
	v4 =	vadd.f32 v53, v60;
	_ =	swait.ge [sflag:s29], $0x10  }
0x2b6: {  	[sflag:s29] =	ssyncset.done $0x0  }
0x2b7: {  	v0 =	vadd.f32 v1, v0;
	v61 =	vadd.f32 v57, v4;
	[sflag:s29] =	ssyncadd.s32 $0xFFFFFFF0  }
0x2b8: {  	v62 =	vld [tilespmem:$0x1A00]  }
0x2b9: {  	v0 =	vadd.f32 v3, v0;
	v1 =	vadd.f32 v2, v61;
	_ =	sdelay $0x1  }
0x2ba: {  	v0 =	vadd.f32 v1, v0;
	_ =	sdelay $0x1  }
0x2bb: {  	v0 =	vmul.f32 $1.220703100e-06, v0;
	v63 =	vmul.f32 $9.900000090e-01, v62;
	_ =	sdelay $0x1  }
0x2bc: {  	v0 =	vadd.f32 v63, v0;
	_ =	sdelay $0x1  }
0x2bd: {  	s30 =	simm.s32 $0x1A00;
	[tilespmem:$0x1A00] =	vst v0  }
0x2be: {  	[hbm4b:s2+s3] =	stream.linear.scatter [tilespmem:s30], [sflag:$0x2], $0x10, $0x38;
	[tilespmem:$0x1F80] =	vst v63  }
0x2bf: {  	s31 =	simm.s32 $0x1200  }
0x2c0: {  	[hbm4b:s1+s3] =	stream.linear.scatter [tilespmem:s31], [sflag:$0x1], $0x800, $0x38;
	[tilespmem:$0x1F80] =	vst v63  }
0x2c1: {  	_ =	swait.ge [sflag:s29], $0x10  }
0x2c2: {  	[sflag:s29] =	ssyncset.done $0x0  }
0x2c3: {  	[sflag:s29] =	ssyncadd.s32 $0xFFFFFFF0  }
0x2c4: {  	_ =	swait.ge [sflag:s4], $0x800  }
0x2c5: {  	[sflag:s4] =	ssyncset.done $0x0  }
0x2c6: {  	[sflag:s4] =	ssyncadd.s32 $0xFFFFF800  }
0x2c7: {  	_ =	sfence.sel $0x180000  }
0x2c8: {  	[bflag:$0x0] =	sbarrier.arrive $0xFFFF  }
0x2c9: {  	_ =	strace $0x90000047  }
0x2ca: {  	s0 =	sadd.s32 $0x100000, s0;
	[bflag:$0x2] =	sbarrier.arrive $0xFFFF  }
0x2cb: {  	[sflag:s0] =	ssyncadd.tile.s32 $0x1;
	_ =	shalt  }
.Lfunc_end2:
_tile_overlayer_lowered:
.L_overlay_start_2:
0x2cc: {  	(tag) =	ssettag $0x2  }
0x2cd: {  	s0 =	rddreg [dreg:$0x0];
	s2 =	stileid.u32  }
0x2ce: {  	s1 =	rddreg [dreg:$0x1];
	p0 =	sne.s32 s2, $0x0  }
0x2cf: {  	s3 =	rddreg [dreg:$0x2];
	[bflag:$0x3] =	sbarrier.arrive $0xFFFF;
	s2 =	simm.s32 @!p0 $0x1C03  }
0x2d0: {  	[timem:s3], [sflag:s2] =	dma.local @!p0 [hbm:s0], s1  }
0x2d1: {  	s0 =	simm.s32 @!p0 $0x3  }
0x2d2: {  	_ =	swait.ge @!p0 [sflag:s0], s1  }
0x2d3: {  	s1 =	ssub.s32 @!p0 $0x0, s1;
	[sflag:s0] =	ssyncset.done @!p0 $0x0  }
0x2d4: {  	[sflag:s0] =	ssyncadd.s32 @!p0 s1  }
0x2d5: {  	[bflag:$0x3] =	sbarrier.arrive $0xFFFF  }
0x2d6: {  	_ =	shalt  }

</sc_bundles>
